<compile_context>
chip_gen: v7x
topology: tpu7x:2x2x1
jax: 0.10.2.dev20260603
libtpu: 0.0.44.dev20260713+nightly
codegen_flags: <defaults>
</compile_context>

<pallas_src>
import math

import jax
import jax.numpy as jnp
from jax import lax
from jax.experimental import pallas as pl
from jax.experimental.pallas import tpu as pltpu
from jax.experimental.pallas import tpu_sc as plsc

NC = 2
NS = 16
CHUNK = 64
DCH = 128
EPS = 1e-5
F32 = jnp.float32


def _mesh():
    return plsc.VectorSubcoreMesh(
        core_axis_name="c", subcore_axis_name="s",
        num_cores=NC, num_subcores=NS)


def _make_deg(EP, NPAD):
    n_chunks = EP // (NC * NS * DCH)
    zrows = NPAD // NS

    W = 4

    def body(dst_hbm, p0_hbm, p1_hbm, hist, zbuf, ones, idst, sem):
        c = lax.axis_index("c")
        s = lax.axis_index("s")
        for i in range(zrows // 16):
            zbuf[pl.ds(i * 16, 16)] = jnp.zeros((16,), F32)
        for i in range(DCH // 16):
            ones[pl.ds(i * 16, 16)] = jnp.ones((16,), F32)
        w = c * NS + s
        pltpu.sync_copy(dst_hbm.at[pl.ds(w * n_chunks, n_chunks)], idst)
        pltpu.sync_copy(zbuf, hist.at[pl.ds(s * zrows, zrows)])
        plsc.subcore_barrier()

        def scat(j):
            pltpu.async_copy(ones, hist.at[idst.at[j]], sem, add=True)

        def drain(j):
            pltpu.make_async_copy(ones, hist.at[idst.at[j]], sem).wait()

        for j in range(W):
            scat(j)

        def step(j, carry):
            drain(j)
            scat(j + W)
            return carry

        lax.fori_loop(0, n_chunks - W, step, 0)
        for j in range(W):
            drain(n_chunks - W + j)
        plsc.subcore_barrier()

        @pl.when(c == 0)
        def _():
            pltpu.sync_copy(hist.at[pl.ds(s * zrows, zrows)],
                            p0_hbm.at[pl.ds(s * zrows, zrows)])

        @pl.when(c == 1)
        def _():
            pltpu.sync_copy(hist.at[pl.ds(s * zrows, zrows)],
                            p1_hbm.at[pl.ds(s * zrows, zrows)])

    return pl.kernel(
        body,
        out_type=(jax.ShapeDtypeStruct((NPAD,), F32),
                  jax.ShapeDtypeStruct((NPAD,), F32)),
        mesh=_mesh(),
        scratch_types=[
            pltpu.VMEM_SHARED((NPAD,), F32),
            pltpu.VMEM((zrows,), F32),
            pltpu.VMEM((DCH,), F32),
            pltpu.VMEM((n_chunks, DCH), jnp.int32),
            pltpu.SemaphoreType.DMA,
        ],
    )


def _edge_pipeline(y_hbm, isrc, idst, slab, bufs, n_chunks):

    def gather(j, b):
        pltpu.async_copy(y_hbm.at[isrc.at[pl.ds(j * CHUNK, CHUNK)]],
                         b[0], b[1])

    def wg(j, b):
        pltpu.make_async_copy(y_hbm.at[isrc.at[pl.ds(j * CHUNK, CHUNK)]],
                              b[0], b[1]).wait()

    def scatter(j, b):
        pltpu.async_copy(b[0], slab.at[idst.at[j]], b[2], add=True)

    def ws(j, b):
        pltpu.make_async_copy(b[0], slab.at[idst.at[j]], b[2]).wait()

    B0, B1, B2, B3 = bufs
    pairs = ((B0, B2), (B1, B3), (B2, B0), (B3, B1))

    gather(0, B0)
    gather(1, B1)
    wg(0, B0)
    scatter(0, B0)
    gather(2, B2)
    wg(1, B1)
    scatter(1, B1)
    gather(3, B3)

    def group(k, carry):
        c = 4 * k
        for i, (bs, bg) in enumerate(pairs):
            wg(c + i + 2, bg)
            scatter(c + i + 2, bg)
            ws(c + i, bs)
            gather(c + i + 4, bs)
        return carry

    lax.fori_loop(0, n_chunks // 4 - 1, group, 0)
    n = n_chunks
    ws(n - 4, B0)
    wg(n - 2, B2)
    scatter(n - 2, B2)
    ws(n - 3, B1)
    wg(n - 1, B3)
    scatter(n - 1, B3)
    ws(n - 2, B2)
    ws(n - 1, B3)


def _agg_scratch(D, NPAD, blk):
    return [
        pltpu.VMEM_SHARED((NPAD, D), F32),
        pltpu.VMEM((blk * CHUNK,), jnp.int32),
        pltpu.VMEM((blk // 2, DCH), jnp.int32),
        pltpu.VMEM((blk, CHUNK), jnp.int32),
        pltpu.VMEM((CHUNK, D), F32),
        pltpu.VMEM((CHUNK, D), F32),
        pltpu.VMEM((CHUNK, D), F32),
        pltpu.VMEM((CHUNK, D), F32),
        pltpu.SemaphoreType.DMA,
        pltpu.SemaphoreType.DMA,
        pltpu.SemaphoreType.DMA,
        pltpu.SemaphoreType.DMA,
        pltpu.SemaphoreType.DMA,
        pltpu.SemaphoreType.DMA,
        pltpu.SemaphoreType.DMA,
        pltpu.SemaphoreType.DMA,
    ]


def _blocked_edges(y_hbm, src_hbm, dst_hbm, slab, isrc, ista, idst, bufs,
                   row0, n_chunks, blk):

    def block(b, carry):
        off = pl.multiple_of(row0 + b * blk, 8)
        offd = pl.multiple_of((row0 // 2) + b * (blk // 2), 8)
        pltpu.sync_copy(src_hbm.at[pl.ds(off * CHUNK, blk * CHUNK)], isrc)
        pltpu.sync_copy(dst_hbm.at[pl.ds(offd, blk // 2)], ista)

        def repack(r, carry2):
            for k in range(DCH // 16):
                idst[2 * r + k // 4, pl.ds((k % 4) * 16, 16)] = (
                    ista[r, pl.ds(k * 16, 16)])
            return carry2

        lax.fori_loop(0, blk // 2, repack, 0)
        _edge_pipeline(y_hbm, isrc, idst, slab, bufs, blk)
        return carry

    lax.fori_loop(0, n_chunks // blk, block, 0)


def _make_agg(D, EP, NPAD, blk):
    n_chunks = EP // (NS * CHUNK)
    rpt = NPAD // NS

    def body(y0_hbm, y1_hbm, src_hbm, dst_hbm, a0_hbm, a1_hbm,
             slab, isrc, ista, idst, ra, rb, rc, rd,
             m0, m1, m2, m3, m4, m5, m6, m7):
        bufs = ((ra, m0, m1), (rb, m2, m3), (rc, m4, m5), (rd, m6, m7))
        c = lax.axis_index("c")
        s = lax.axis_index("s")
        r0 = s * rpt

        @pl.when(c == 0)
        def _():
            pltpu.sync_copy(y0_hbm.at[pl.ds(r0, rpt)],
                            slab.at[pl.ds(r0, rpt)])

        @pl.when(c == 1)
        def _():
            pltpu.sync_copy(y1_hbm.at[pl.ds(r0, rpt)],
                            slab.at[pl.ds(r0, rpt)])

        plsc.subcore_barrier()

        @pl.when(c == 0)
        def _():
            _blocked_edges(y0_hbm, src_hbm, dst_hbm, slab, isrc, ista,
                           idst, bufs, s * n_chunks, n_chunks, blk)

        @pl.when(c == 1)
        def _():
            _blocked_edges(y1_hbm, src_hbm, dst_hbm, slab, isrc, ista,
                           idst, bufs, s * n_chunks, n_chunks, blk)

        plsc.subcore_barrier()

        @pl.when(c == 0)
        def _():
            pltpu.sync_copy(slab.at[pl.ds(r0, rpt)],
                            a0_hbm.at[pl.ds(r0, rpt)])

        @pl.when(c == 1)
        def _():
            pltpu.sync_copy(slab.at[pl.ds(r0, rpt)],
                            a1_hbm.at[pl.ds(r0, rpt)])

    return pl.kernel(
        body,
        out_type=(jax.ShapeDtypeStruct((NPAD, D), F32),
                  jax.ShapeDtypeStruct((NPAD, D), F32)),
        mesh=_mesh(),
        scratch_types=_agg_scratch(D, NPAD, blk),
    )


def _make_agg2(D, EP, NPAD, blk):
    n_chunks = EP // (NC * NS * CHUNK)
    rpt = NPAD // NS

    def body(y_hbm, src_hbm, dst_hbm, s0_hbm, s1_hbm,
             slab, isrc, ista, idst, ra, rb, rc, rd,
             m0, m1, m2, m3, m4, m5, m6, m7):
        bufs = ((ra, m0, m1), (rb, m2, m3), (rc, m4, m5), (rd, m6, m7))
        c = lax.axis_index("c")
        s = lax.axis_index("s")
        r0 = s * rpt
        w = c * NS + s

        pltpu.sync_copy(y_hbm.at[pl.ds(r0, rpt)], slab.at[pl.ds(r0, rpt)])
        plsc.subcore_barrier()

        _blocked_edges(y_hbm, src_hbm, dst_hbm, slab, isrc, ista,
                       idst, bufs, w * n_chunks, n_chunks, blk)
        plsc.subcore_barrier()

        @pl.when(c == 0)
        def _():
            pltpu.sync_copy(slab.at[pl.ds(r0, rpt)],
                            s0_hbm.at[pl.ds(r0, rpt)])

        @pl.when(c == 1)
        def _():
            pltpu.sync_copy(slab.at[pl.ds(r0, rpt)],
                            s1_hbm.at[pl.ds(r0, rpt)])

    return pl.kernel(
        body,
        out_type=(jax.ShapeDtypeStruct((NPAD, D), F32),
                  jax.ShapeDtypeStruct((NPAD, D), F32)),
        mesh=_mesh(),
        scratch_types=_agg_scratch(D, NPAD, blk),
    )


def _tc_prep(N, DIN, DH, NPAD):
    def body(x_ref, w_ref, p0_ref, p1_ref, dis_ref, y0_ref, y1_ref):
        deg = p0_ref[0:N, :] + p1_ref[0:N, :] + 1.0
        dis = lax.rsqrt(deg)
        dis_ref[...] = dis
        z = jnp.dot(x_ref[...], w_ref[...], preferred_element_type=F32)
        z = z * dis
        y0_ref[0:N, :] = z[:, :DH // 2]
        y1_ref[0:N, :] = z[:, DH // 2:]
        y0_ref[N:NPAD, :] = jnp.zeros((NPAD - N, DH // 2), F32)
        y1_ref[N:NPAD, :] = jnp.zeros((NPAD - N, DH // 2), F32)

    return pl.pallas_call(
        body,
        out_shape=(jax.ShapeDtypeStruct((N, 1), F32),
                   jax.ShapeDtypeStruct((NPAD, DH // 2), F32),
                   jax.ShapeDtypeStruct((NPAD, DH // 2), F32)),
    )


def _tc_mid(N, DH, DOUT, NPAD):
    def body(a0_ref, a1_ref, dis_ref, b_ref, g_ref, be_ref, w_ref,
             o0_ref):
        dis = dis_ref[...]
        t = jnp.concatenate([a0_ref[0:N, :], a1_ref[0:N, :]], axis=1)
        t = t * dis + b_ref[...]
        mean = jnp.mean(t, axis=0, keepdims=True)
        var = jnp.mean((t - mean) ** 2, axis=0, keepdims=True)
        h = (t - mean) * lax.rsqrt(var + EPS) * g_ref[...] + be_ref[...]
        h = jnp.maximum(h, 0.0)
        z = jnp.dot(h, w_ref[...], preferred_element_type=F32)
        z = z * dis
        o0_ref[0:N, :] = z
        o0_ref[N:NPAD, :] = jnp.zeros((NPAD - N, DOUT), F32)

    return pl.pallas_call(
        body,
        out_shape=jax.ShapeDtypeStruct((NPAD, DOUT), F32),
    )


def _tc_final(N, DOUT):
    def body(s0_ref, s1_ref, y_ref, dis_ref, b_ref, g_ref, be_ref, o_ref):
        t = s0_ref[0:N, :] + s1_ref[0:N, :] - y_ref[0:N, :]
        t = t * dis_ref[...] + b_ref[...]
        mean = jnp.mean(t, axis=0, keepdims=True)
        var = jnp.mean((t - mean) ** 2, axis=0, keepdims=True)
        o_ref[...] = (t - mean) * lax.rsqrt(var + EPS) * g_ref[...] + be_ref[...]

    return pl.pallas_call(
        body,
        out_shape=jax.ShapeDtypeStruct((N, DOUT), F32),
    )


def kernel(x, edge_index, W1, b1, g1, be1, W2, b2, g2, be2):
    N, DIN = x.shape
    DH = W1.shape[1]
    DOUT = W2.shape[1]
    E = edge_index.shape[1]

    blk1, blk2 = 64, 32
    ealign = math.lcm(NS * CHUNK * blk1, NC * NS * CHUNK * blk2,
                      2 * NC * NS * DCH)
    EP = -(-E // ealign) * ealign
    NPAD = (N // 2048 + 1) * 2048

    src = edge_index[0]
    dst = edge_index[1]
    pad_i = jnp.arange(EP - E, dtype=jnp.int32)
    srcp = jnp.concatenate([src, (pad_i * 97) % N])
    dstp = jnp.concatenate([dst, N + pad_i % (NPAD - N)]).reshape(EP // DCH, DCH)

    p0, p1 = _make_deg(EP, NPAD)(dstp)
    p0 = p0.reshape(NPAD, 1)
    p1 = p1.reshape(NPAD, 1)
    dis, y10, y11 = _tc_prep(N, DIN, DH, NPAD)(x, W1, p0, p1)
    a10, a11 = _make_agg(DH // 2, EP, NPAD, blk1)(y10, y11, srcp, dstp)
    y2 = _tc_mid(N, DH, DOUT, NPAD)(a10, a11, dis, b1, g1, be1, W2)
    s20, s21 = _make_agg2(DOUT, EP, NPAD, blk2)(y2, srcp, dstp)
    return _tc_final(N, DOUT)(s20, s21, y2, dis, b2, g2, be2)

# --- scband reference (transcript-rebuilt; emitter-appended) ---
"""Pipeline reference for scband-gcn-18468359373036 (READ-ONLY COPY).

The authoritative reference and input builder live on the scoring server;
editing this copy changes nothing except your own understanding.
"""

import jax, jax.numpy as jnp
import numpy as np

N = 10000
E = 320000
DIN = 128
DH = 256
DOUT = 128
EPS = 1e-5


def setup_inputs(seed: int = 0) -> dict:
    key = jax.random.key(seed)
    ks = jax.random.split(key, 8)
    x = jax.random.normal(ks[0], (N, DIN), dtype=jnp.float32)
    edge_index = jax.random.randint(ks[1], (2, E), 0, N, dtype=jnp.int32)
    s1 = 1.0 / np.sqrt(DIN)
    s2 = 1.0 / np.sqrt(DH)
    W1 = jax.random.uniform(ks[2], (DIN, DH), dtype=jnp.float32, minval=-s1, maxval=s1)
    b1 = jnp.zeros((DH,), dtype=jnp.float32)
    g1 = jnp.ones((DH,), dtype=jnp.float32)
    be1 = jnp.zeros((DH,), dtype=jnp.float32)
    W2 = jax.random.uniform(ks[3], (DH, DOUT), dtype=jnp.float32, minval=-s2, maxval=s2)
    b2 = jnp.zeros((DOUT,), dtype=jnp.float32)
    g2 = jnp.ones((DOUT,), dtype=jnp.float32)
    be2 = jnp.zeros((DOUT,), dtype=jnp.float32)
    return {"x": x, "edge_index": edge_index, "W1": W1, "b1": b1, "g1": g1, "be1": be1,
            "W2": W2, "b2": b2, "g2": g2, "be2": be2}


def _gcn_conv(x, edge_index, W, b):
    n = x.shape[0]
    loop = jnp.arange(n, dtype=edge_index.dtype)
    src = jnp.concatenate([edge_index[0], loop])
    dst = jnp.concatenate([edge_index[1], loop])
    # symmetric normalization with self-loops (PyG GCNConv default)
    deg = jnp.zeros((n,), dtype=x.dtype).at[dst].add(1.0)
    deg_inv_sqrt = jnp.where(deg > 0, deg ** -0.5, 0.0)
    norm = deg_inv_sqrt[src] * deg_inv_sqrt[dst]
    xw = x @ W
    msgs = jnp.take(xw, src, axis=0) * norm[:, None]
    out = jnp.zeros((n, W.shape[1]), dtype=x.dtype).at[dst].add(msgs)
    return out + b


def _batchnorm(x, gamma, beta):
    mean = jnp.mean(x, axis=0)
    var = jnp.mean((x - mean) ** 2, axis=0)
    xn = (x - mean) / jnp.sqrt(var + EPS)
    return xn * gamma + beta


def reference(x, edge_index, W1, b1, g1, be1, W2, b2, g2, be2):
    h = _gcn_conv(x, edge_index, W1, b1)
    h = _batchnorm(h, g1, be1)
    h = jax.nn.relu(h)
    h = _gcn_conv(h, edge_index, W2, b2)
    h = _batchnorm(h, g2, be2)
    return h

if __name__ == "__main__":
    import jax
    _d = setup_inputs()
    print(jax.jit(kernel)(*tuple(_d.values())))

</pallas_src>

<mosaic_0001>
#map = affine_map<(d0, d1) -> (0, 0)>
#map1 = affine_map<(d0, d1) -> (0)>
module attributes {stable_mosaic.version = 14 : i64} {
  func.func @body(%arg0: i32, %arg1: i32, %arg2: memref<2560x128xi32, #tpu.memory_space<hbm>>, %arg3: memref<10240xf32, #tpu.memory_space<hbm>>, %arg4: memref<10240xf32, #tpu.memory_space<hbm>>, %arg5: memref<10240xf32, #tpu.memory_space<vmem_shared>>, %arg6: memref<640xf32, #tpu.memory_space<vmem>>, %arg7: memref<128xf32, #tpu.memory_space<vmem>>, %arg8: memref<80x128xi32, #tpu.memory_space<vmem>>, %arg9: memref<!tpu.dma_semaphore, #tpu.memory_space<semaphore_mem>>) attributes {dimension_semantics = [#tpu.dimension_semantics<core_parallel>, #tpu.dimension_semantics<subcore_parallel>], iteration_bounds = array<i64: 2, 16>, scalar_prefetch = 0 : i64, scratch_operands = 5 : i64, tpu.core_type = #tpu.core_type<sc_vector_subcore>, window_params = [{transform_indices = #map}, {transform_indices = #map1}, {transform_indices = #map1}]} {
    %broadcast_in_dim3A = arith.constant 0.000000e+00 : f32
    %broadcast_in_dim3A_0 = vector.broadcast %broadcast_in_dim3A : f32 to vector<16xf32>
    %swap3A = arith.constant 0 : index
    %swap3A_1 = tpu.vector_load %arg6[%swap3A] {strides = array<i32>} : memref<640xf32, #tpu.memory_space<vmem>>, vector<16xf32>,
    %swap3A_2 = vector.shape_cast %swap3A_1 : vector<16xf32> to vector<16xf32>
    %swap3A_3 = vector.shape_cast %broadcast_in_dim3A_0 : vector<16xf32> to vector<16xf32>
    tpu.vector_store %arg6[%swap3A], %swap3A_3 {strides = array<i32>} : memref<640xf32, #tpu.memory_space<vmem>>, vector<16xf32>,
    %broadcast_in_dim3A_4 = arith.constant 0.000000e+00 : f32
    %broadcast_in_dim3A_5 = vector.broadcast %broadcast_in_dim3A_4 : f32 to vector<16xf32>
    %swap3A_6 = arith.constant 16 : index
    %swap3A_7 = tpu.vector_load %arg6[%swap3A_6] {strides = array<i32>} : memref<640xf32, #tpu.memory_space<vmem>>, vector<16xf32>,
    %swap3A_8 = vector.shape_cast %swap3A_7 : vector<16xf32> to vector<16xf32>
    %swap3A_9 = vector.shape_cast %broadcast_in_dim3A_5 : vector<16xf32> to vector<16xf32>
    tpu.vector_store %arg6[%swap3A_6], %swap3A_9 {strides = array<i32>} : memref<640xf32, #tpu.memory_space<vmem>>, vector<16xf32>,
    %broadcast_in_dim3A_10 = arith.constant 0.000000e+00 : f32
    %broadcast_in_dim3A_11 = vector.broadcast %broadcast_in_dim3A_10 : f32 to vector<16xf32>
    %swap3A_12 = arith.constant 32 : index
    %swap3A_13 = tpu.vector_load %arg6[%swap3A_12] {strides = array<i32>} : memref<640xf32, #tpu.memory_space<vmem>>, vector<16xf32>,
    %swap3A_14 = vector.shape_cast %swap3A_13 : vector<16xf32> to vector<16xf32>
    %swap3A_15 = vector.shape_cast %broadcast_in_dim3A_11 : vector<16xf32> to vector<16xf32>
    tpu.vector_store %arg6[%swap3A_12], %swap3A_15 {strides = array<i32>} : memref<640xf32, #tpu.memory_space<vmem>>, vector<16xf32>,
    %broadcast_in_dim3A_16 = arith.constant 0.000000e+00 : f32
    %broadcast_in_dim3A_17 = vector.broadcast %broadcast_in_dim3A_16 : f32 to vector<16xf32>
    %swap3A_18 = arith.constant 48 : index
    %swap3A_19 = tpu.vector_load %arg6[%swap3A_18] {strides = array<i32>} : memref<640xf32, #tpu.memory_space<vmem>>, vector<16xf32>,
    %swap3A_20 = vector.shape_cast %swap3A_19 : vector<16xf32> to vector<16xf32>
    %swap3A_21 = vector.shape_cast %broadcast_in_dim3A_17 : vector<16xf32> to vector<16xf32>
    tpu.vector_store %arg6[%swap3A_18], %swap3A_21 {strides = array<i32>} : memref<640xf32, #tpu.memory_space<vmem>>, vector<16xf32>,
    %broadcast_in_dim3A_22 = arith.constant 0.000000e+00 : f32
    %broadcast_in_dim3A_23 = vector.broadcast %broadcast_in_dim3A_22 : f32 to vector<16xf32>
    %swap3A_24 = arith.constant 64 : index
    %swap3A_25 = tpu.vector_load %arg6[%swap3A_24] {strides = array<i32>} : memref<640xf32, #tpu.memory_space<vmem>>, vector<16xf32>,
    %swap3A_26 = vector.shape_cast %swap3A_25 : vector<16xf32> to vector<16xf32>
    %swap3A_27 = vector.shape_cast %broadcast_in_dim3A_23 : vector<16xf32> to vector<16xf32>
    tpu.vector_store %arg6[%swap3A_24], %swap3A_27 {strides = array<i32>} : memref<640xf32, #tpu.memory_space<vmem>>, vector<16xf32>,
    %broadcast_in_dim3A_28 = arith.constant 0.000000e+00 : f32
    %broadcast_in_dim3A_29 = vector.broadcast %broadcast_in_dim3A_28 : f32 to vector<16xf32>
    %swap3A_30 = arith.constant 80 : index
    %swap3A_31 = tpu.vector_load %arg6[%swap3A_30] {strides = array<i32>} : memref<640xf32, #tpu.memory_space<vmem>>, vector<16xf32>,
    %swap3A_32 = vector.shape_cast %swap3A_31 : vector<16xf32> to vector<16xf32>
    %swap3A_33 = vector.shape_cast %broadcast_in_dim3A_29 : vector<16xf32> to vector<16xf32>
    tpu.vector_store %arg6[%swap3A_30], %swap3A_33 {strides = array<i32>} : memref<640xf32, #tpu.memory_space<vmem>>, vector<16xf32>,
    %broadcast_in_dim3A_34 = arith.constant 0.000000e+00 : f32
    %broadcast_in_dim3A_35 = vector.broadcast %broadcast_in_dim3A_34 : f32 to vector<16xf32>
    %swap3A_36 = arith.constant 96 : index
    %swap3A_37 = tpu.vector_load %arg6[%swap3A_36] {strides = array<i32>} : memref<640xf32, #tpu.memory_space<vmem>>, vector<16xf32>,
    %swap3A_38 = vector.shape_cast %swap3A_37 : vector<16xf32> to vector<16xf32>
    %swap3A_39 = vector.shape_cast %broadcast_in_dim3A_35 : vector<16xf32> to vector<16xf32>
    tpu.vector_store %arg6[%swap3A_36], %swap3A_39 {strides = array<i32>} : memref<640xf32, #tpu.memory_space<vmem>>, vector<16xf32>,
    %broadcast_in_dim3A_40 = arith.constant 0.000000e+00 : f32
    %broadcast_in_dim3A_41 = vector.broadcast %broadcast_in_dim3A_40 : f32 to vector<16xf32>
    %swap3A_42 = arith.constant 112 : index
    %swap3A_43 = tpu.vector_load %arg6[%swap3A_42] {strides = array<i32>} : memref<640xf32, #tpu.memory_space<vmem>>, vector<16xf32>,
    %swap3A_44 = vector.shape_cast %swap3A_43 : vector<16xf32> to vector<16xf32>
    %swap3A_45 = vector.shape_cast %broadcast_in_dim3A_41 : vector<16xf32> to vector<16xf32>
    tpu.vector_store %arg6[%swap3A_42], %swap3A_45 {strides = array<i32>} : memref<640xf32, #tpu.memory_space<vmem>>, vector<16xf32>,
    %broadcast_in_dim3A_46 = arith.constant 0.000000e+00 : f32
    %broadcast_in_dim3A_47 = vector.broadcast %broadcast_in_dim3A_46 : f32 to vector<16xf32>
    %swap3A_48 = arith.constant 128 : index
    %swap3A_49 = tpu.vector_load %arg6[%swap3A_48] {strides = array<i32>} : memref<640xf32, #tpu.memory_space<vmem>>, vector<16xf32>,
    %swap3A_50 = vector.shape_cast %swap3A_49 : vector<16xf32> to vector<16xf32>
    %swap3A_51 = vector.shape_cast %broadcast_in_dim3A_47 : vector<16xf32> to vector<16xf32>
    tpu.vector_store %arg6[%swap3A_48], %swap3A_51 {strides = array<i32>} : memref<640xf32, #tpu.memory_space<vmem>>, vector<16xf32>,
    %broadcast_in_dim3A_52 = arith.constant 0.000000e+00 : f32
    %broadcast_in_dim3A_53 = vector.broadcast %broadcast_in_dim3A_52 : f32 to vector<16xf32>
    %swap3A_54 = arith.constant 144 : index
    %swap3A_55 = tpu.vector_load %arg6[%swap3A_54] {strides = array<i32>} : memref<640xf32, #tpu.memory_space<vmem>>, vector<16xf32>,
    %swap3A_56 = vector.shape_cast %swap3A_55 : vector<16xf32> to vector<16xf32>
    %swap3A_57 = vector.shape_cast %broadcast_in_dim3A_53 : vector<16xf32> to vector<16xf32>
    tpu.vector_store %arg6[%swap3A_54], %swap3A_57 {strides = array<i32>} : memref<640xf32, #tpu.memory_space<vmem>>, vector<16xf32>,
    %broadcast_in_dim3A_58 = arith.constant 0.000000e+00 : f32
    %broadcast_in_dim3A_59 = vector.broadcast %broadcast_in_dim3A_58 : f32 to vector<16xf32>
    %swap3A_60 = arith.constant 160 : index
    %swap3A_61 = tpu.vector_load %arg6[%swap3A_60] {strides = array<i32>} : memref<640xf32, #tpu.memory_space<vmem>>, vector<16xf32>,
    %swap3A_62 = vector.shape_cast %swap3A_61 : vector<16xf32> to vector<16xf32>
    %swap3A_63 = vector.shape_cast %broadcast_in_dim3A_59 : vector<16xf32> to vector<16xf32>
    tpu.vector_store %arg6[%swap3A_60], %swap3A_63 {strides = array<i32>} : memref<640xf32, #tpu.memory_space<vmem>>, vector<16xf32>,
    %broadcast_in_dim3A_64 = arith.constant 0.000000e+00 : f32
    %broadcast_in_dim3A_65 = vector.broadcast %broadcast_in_dim3A_64 : f32 to vector<16xf32>
    %swap3A_66 = arith.constant 176 : index
    %swap3A_67 = tpu.vector_load %arg6[%swap3A_66] {strides = array<i32>} : memref<640xf32, #tpu.memory_space<vmem>>, vector<16xf32>,
    %swap3A_68 = vector.shape_cast %swap3A_67 : vector<16xf32> to vector<16xf32>
    %swap3A_69 = vector.shape_cast %broadcast_in_dim3A_65 : vector<16xf32> to vector<16xf32>
    tpu.vector_store %arg6[%swap3A_66], %swap3A_69 {strides = array<i32>} : memref<640xf32, #tpu.memory_space<vmem>>, vector<16xf32>,
    %broadcast_in_dim3A_70 = arith.constant 0.000000e+00 : f32
    %broadcast_in_dim3A_71 = vector.broadcast %broadcast_in_dim3A_70 : f32 to vector<16xf32>
    %swap3A_72 = arith.constant 192 : index
    %swap3A_73 = tpu.vector_load %arg6[%swap3A_72] {strides = array<i32>} : memref<640xf32, #tpu.memory_space<vmem>>, vector<16xf32>,
    %swap3A_74 = vector.shape_cast %swap3A_73 : vector<16xf32> to vector<16xf32>
    %swap3A_75 = vector.shape_cast %broadcast_in_dim3A_71 : vector<16xf32> to vector<16xf32>
    tpu.vector_store %arg6[%swap3A_72], %swap3A_75 {strides = array<i32>} : memref<640xf32, #tpu.memory_space<vmem>>, vector<16xf32>,
    %broadcast_in_dim3A_76 = arith.constant 0.000000e+00 : f32
    %broadcast_in_dim3A_77 = vector.broadcast %broadcast_in_dim3A_76 : f32 to vector<16xf32>
    %swap3A_78 = arith.constant 208 : index
    %swap3A_79 = tpu.vector_load %arg6[%swap3A_78] {strides = array<i32>} : memref<640xf32, #tpu.memory_space<vmem>>, vector<16xf32>,
    %swap3A_80 = vector.shape_cast %swap3A_79 : vector<16xf32> to vector<16xf32>
    %swap3A_81 = vector.shape_cast %broadcast_in_dim3A_77 : vector<16xf32> to vector<16xf32>
    tpu.vector_store %arg6[%swap3A_78], %swap3A_81 {strides = array<i32>} : memref<640xf32, #tpu.memory_space<vmem>>, vector<16xf32>,
    %broadcast_in_dim3A_82 = arith.constant 0.000000e+00 : f32
    %broadcast_in_dim3A_83 = vector.broadcast %broadcast_in_dim3A_82 : f32 to vector<16xf32>
    %swap3A_84 = arith.constant 224 : index
    %swap3A_85 = tpu.vector_load %arg6[%swap3A_84] {strides = array<i32>} : memref<640xf32, #tpu.memory_space<vmem>>, vector<16xf32>,
    %swap3A_86 = vector.shape_cast %swap3A_85 : vector<16xf32> to vector<16xf32>
    %swap3A_87 = vector.shape_cast %broadcast_in_dim3A_83 : vector<16xf32> to vector<16xf32>
    tpu.vector_store %arg6[%swap3A_84], %swap3A_87 {strides = array<i32>} : memref<640xf32, #tpu.memory_space<vmem>>, vector<16xf32>,
    %broadcast_in_dim3A_88 = arith.constant 0.000000e+00 : f32
    %broadcast_in_dim3A_89 = vector.broadcast %broadcast_in_dim3A_88 : f32 to vector<16xf32>
    %swap3A_90 = arith.constant 240 : index
    %swap3A_91 = tpu.vector_load %arg6[%swap3A_90] {strides = array<i32>} : memref<640xf32, #tpu.memory_space<vmem>>, vector<16xf32>,
    %swap3A_92 = vector.shape_cast %swap3A_91 : vector<16xf32> to vector<16xf32>
    %swap3A_93 = vector.shape_cast %broadcast_in_dim3A_89 : vector<16xf32> to vector<16xf32>
    tpu.vector_store %arg6[%swap3A_90], %swap3A_93 {strides = array<i32>} : memref<640xf32, #tpu.memory_space<vmem>>, vector<16xf32>,
    %broadcast_in_dim3A_94 = arith.constant 0.000000e+00 : f32
    %broadcast_in_dim3A_95 = vector.broadcast %broadcast_in_dim3A_94 : f32 to vector<16xf32>
    %swap3A_96 = arith.constant 256 : index
    %swap3A_97 = tpu.vector_load %arg6[%swap3A_96] {strides = array<i32>} : memref<640xf32, #tpu.memory_space<vmem>>, vector<16xf32>,
    %swap3A_98 = vector.shape_cast %swap3A_97 : vector<16xf32> to vector<16xf32>
    %swap3A_99 = vector.shape_cast %broadcast_in_dim3A_95 : vector<16xf32> to vector<16xf32>
    tpu.vector_store %arg6[%swap3A_96], %swap3A_99 {strides = array<i32>} : memref<640xf32, #tpu.memory_space<vmem>>, vector<16xf32>,
    %broadcast_in_dim3A_100 = arith.constant 0.000000e+00 : f32
    %broadcast_in_dim3A_101 = vector.broadcast %broadcast_in_dim3A_100 : f32 to vector<16xf32>
    %swap3A_102 = arith.constant 272 : index
    %swap3A_103 = tpu.vector_load %arg6[%swap3A_102] {strides = array<i32>} : memref<640xf32, #tpu.memory_space<vmem>>, vector<16xf32>,
    %swap3A_104 = vector.shape_cast %swap3A_103 : vector<16xf32> to vector<16xf32>
    %swap3A_105 = vector.shape_cast %broadcast_in_dim3A_101 : vector<16xf32> to vector<16xf32>
    tpu.vector_store %arg6[%swap3A_102], %swap3A_105 {strides = array<i32>} : memref<640xf32, #tpu.memory_space<vmem>>, vector<16xf32>,
    %broadcast_in_dim3A_106 = arith.constant 0.000000e+00 : f32
    %broadcast_in_dim3A_107 = vector.broadcast %broadcast_in_dim3A_106 : f32 to vector<16xf32>
    %swap3A_108 = arith.constant 288 : index
    %swap3A_109 = tpu.vector_load %arg6[%swap3A_108] {strides = array<i32>} : memref<640xf32, #tpu.memory_space<vmem>>, vector<16xf32>,
    %swap3A_110 = vector.shape_cast %swap3A_109 : vector<16xf32> to vector<16xf32>
    %swap3A_111 = vector.shape_cast %broadcast_in_dim3A_107 : vector<16xf32> to vector<16xf32>
    tpu.vector_store %arg6[%swap3A_108], %swap3A_111 {strides = array<i32>} : memref<640xf32, #tpu.memory_space<vmem>>, vector<16xf32>,
    %broadcast_in_dim3A_112 = arith.constant 0.000000e+00 : f32
    %broadcast_in_dim3A_113 = vector.broadcast %broadcast_in_dim3A_112 : f32 to vector<16xf32>
    %swap3A_114 = arith.constant 304 : index
    %swap3A_115 = tpu.vector_load %arg6[%swap3A_114] {strides = array<i32>} : memref<640xf32, #tpu.memory_space<vmem>>, vector<16xf32>,
    %swap3A_116 = vector.shape_cast %swap3A_115 : vector<16xf32> to vector<16xf32>
    %swap3A_117 = vector.shape_cast %broadcast_in_dim3A_113 : vector<16xf32> to vector<16xf32>
    tpu.vector_store %arg6[%swap3A_114], %swap3A_117 {strides = array<i32>} : memref<640xf32, #tpu.memory_space<vmem>>, vector<16xf32>,
    %broadcast_in_dim3A_118 = arith.constant 0.000000e+00 : f32
    %broadcast_in_dim3A_119 = vector.broadcast %broadcast_in_dim3A_118 : f32 to vector<16xf32>
    %swap3A_120 = arith.constant 320 : index
    %swap3A_121 = tpu.vector_load %arg6[%swap3A_120] {strides = array<i32>} : memref<640xf32, #tpu.memory_space<vmem>>, vector<16xf32>,
    %swap3A_122 = vector.shape_cast %swap3A_121 : vector<16xf32> to vector<16xf32>
    %swap3A_123 = vector.shape_cast %broadcast_in_dim3A_119 : vector<16xf32> to vector<16xf32>
    tpu.vector_store %arg6[%swap3A_120], %swap3A_123 {strides = array<i32>} : memref<640xf32, #tpu.memory_space<vmem>>, vector<16xf32>,
    %broadcast_in_dim3A_124 = arith.constant 0.000000e+00 : f32
    %broadcast_in_dim3A_125 = vector.broadcast %broadcast_in_dim3A_124 : f32 to vector<16xf32>
    %swap3A_126 = arith.constant 336 : index
    %swap3A_127 = tpu.vector_load %arg6[%swap3A_126] {strides = array<i32>} : memref<640xf32, #tpu.memory_space<vmem>>, vector<16xf32>,
    %swap3A_128 = vector.shape_cast %swap3A_127 : vector<16xf32> to vector<16xf32>
    %swap3A_129 = vector.shape_cast %broadcast_in_dim3A_125 : vector<16xf32> to vector<16xf32>
    tpu.vector_store %arg6[%swap3A_126], %swap3A_129 {strides = array<i32>} : memref<640xf32, #tpu.memory_space<vmem>>, vector<16xf32>,
    %broadcast_in_dim3A_130 = arith.constant 0.000000e+00 : f32
    %broadcast_in_dim3A_131 = vector.broadcast %broadcast_in_dim3A_130 : f32 to vector<16xf32>
    %swap3A_132 = arith.constant 352 : index
    %swap3A_133 = tpu.vector_load %arg6[%swap3A_132] {strides = array<i32>} : memref<640xf32, #tpu.memory_space<vmem>>, vector<16xf32>,
    %swap3A_134 = vector.shape_cast %swap3A_133 : vector<16xf32> to vector<16xf32>
    %swap3A_135 = vector.shape_cast %broadcast_in_dim3A_131 : vector<16xf32> to vector<16xf32>
    tpu.vector_store %arg6[%swap3A_132], %swap3A_135 {strides = array<i32>} : memref<640xf32, #tpu.memory_space<vmem>>, vector<16xf32>,
    %broadcast_in_dim3A_136 = arith.constant 0.000000e+00 : f32
    %broadcast_in_dim3A_137 = vector.broadcast %broadcast_in_dim3A_136 : f32 to vector<16xf32>
    %swap3A_138 = arith.constant 368 : index
    %swap3A_139 = tpu.vector_load %arg6[%swap3A_138] {strides = array<i32>} : memref<640xf32, #tpu.memory_space<vmem>>, vector<16xf32>,
    %swap3A_140 = vector.shape_cast %swap3A_139 : vector<16xf32> to vector<16xf32>
    %swap3A_141 = vector.shape_cast %broadcast_in_dim3A_137 : vector<16xf32> to vector<16xf32>
    tpu.vector_store %arg6[%swap3A_138], %swap3A_141 {strides = array<i32>} : memref<640xf32, #tpu.memory_space<vmem>>, vector<16xf32>,
    %broadcast_in_dim3A_142 = arith.constant 0.000000e+00 : f32
    %broadcast_in_dim3A_143 = vector.broadcast %broadcast_in_dim3A_142 : f32 to vector<16xf32>
    %swap3A_144 = arith.constant 384 : index
    %swap3A_145 = tpu.vector_load %arg6[%swap3A_144] {strides = array<i32>} : memref<640xf32, #tpu.memory_space<vmem>>, vector<16xf32>,
    %swap3A_146 = vector.shape_cast %swap3A_145 : vector<16xf32> to vector<16xf32>
    %swap3A_147 = vector.shape_cast %broadcast_in_dim3A_143 : vector<16xf32> to vector<16xf32>
    tpu.vector_store %arg6[%swap3A_144], %swap3A_147 {strides = array<i32>} : memref<640xf32, #tpu.memory_space<vmem>>, vector<16xf32>,
    %broadcast_in_dim3A_148 = arith.constant 0.000000e+00 : f32
    %broadcast_in_dim3A_149 = vector.broadcast %broadcast_in_dim3A_148 : f32 to vector<16xf32>
    %swap3A_150 = arith.constant 400 : index
    %swap3A_151 = tpu.vector_load %arg6[%swap3A_150] {strides = array<i32>} : memref<640xf32, #tpu.memory_space<vmem>>, vector<16xf32>,
    %swap3A_152 = vector.shape_cast %swap3A_151 : vector<16xf32> to vector<16xf32>
    %swap3A_153 = vector.shape_cast %broadcast_in_dim3A_149 : vector<16xf32> to vector<16xf32>
    tpu.vector_store %arg6[%swap3A_150], %swap3A_153 {strides = array<i32>} : memref<640xf32, #tpu.memory_space<vmem>>, vector<16xf32>,
    %broadcast_in_dim3A_154 = arith.constant 0.000000e+00 : f32
    %broadcast_in_dim3A_155 = vector.broadcast %broadcast_in_dim3A_154 : f32 to vector<16xf32>
    %swap3A_156 = arith.constant 416 : index
    %swap3A_157 = tpu.vector_load %arg6[%swap3A_156] {strides = array<i32>} : memref<640xf32, #tpu.memory_space<vmem>>, vector<16xf32>,
    %swap3A_158 = vector.shape_cast %swap3A_157 : vector<16xf32> to vector<16xf32>
    %swap3A_159 = vector.shape_cast %broadcast_in_dim3A_155 : vector<16xf32> to vector<16xf32>
    tpu.vector_store %arg6[%swap3A_156], %swap3A_159 {strides = array<i32>} : memref<640xf32, #tpu.memory_space<vmem>>, vector<16xf32>,
    %broadcast_in_dim3A_160 = arith.constant 0.000000e+00 : f32
    %broadcast_in_dim3A_161 = vector.broadcast %broadcast_in_dim3A_160 : f32 to vector<16xf32>
    %swap3A_162 = arith.constant 432 : index
    %swap3A_163 = tpu.vector_load %arg6[%swap3A_162] {strides = array<i32>} : memref<640xf32, #tpu.memory_space<vmem>>, vector<16xf32>,
    %swap3A_164 = vector.shape_cast %swap3A_163 : vector<16xf32> to vector<16xf32>
    %swap3A_165 = vector.shape_cast %broadcast_in_dim3A_161 : vector<16xf32> to vector<16xf32>
    tpu.vector_store %arg6[%swap3A_162], %swap3A_165 {strides = array<i32>} : memref<640xf32, #tpu.memory_space<vmem>>, vector<16xf32>,
    %broadcast_in_dim3A_166 = arith.constant 0.000000e+00 : f32
    %broadcast_in_dim3A_167 = vector.broadcast %broadcast_in_dim3A_166 : f32 to vector<16xf32>
    %swap3A_168 = arith.constant 448 : index
    %swap3A_169 = tpu.vector_load %arg6[%swap3A_168] {strides = array<i32>} : memref<640xf32, #tpu.memory_space<vmem>>, vector<16xf32>,
    %swap3A_170 = vector.shape_cast %swap3A_169 : vector<16xf32> to vector<16xf32>
    %swap3A_171 = vector.shape_cast %broadcast_in_dim3A_167 : vector<16xf32> to vector<16xf32>
    tpu.vector_store %arg6[%swap3A_168], %swap3A_171 {strides = array<i32>} : memref<640xf32, #tpu.memory_space<vmem>>, vector<16xf32>,
    %broadcast_in_dim3A_172 = arith.constant 0.000000e+00 : f32
    %broadcast_in_dim3A_173 = vector.broadcast %broadcast_in_dim3A_172 : f32 to vector<16xf32>
    %swap3A_174 = arith.constant 464 : index
    %swap3A_175 = tpu.vector_load %arg6[%swap3A_174] {strides = array<i32>} : memref<640xf32, #tpu.memory_space<vmem>>, vector<16xf32>,
    %swap3A_176 = vector.shape_cast %swap3A_175 : vector<16xf32> to vector<16xf32>
    %swap3A_177 = vector.shape_cast %broadcast_in_dim3A_173 : vector<16xf32> to vector<16xf32>
    tpu.vector_store %arg6[%swap3A_174], %swap3A_177 {strides = array<i32>} : memref<640xf32, #tpu.memory_space<vmem>>, vector<16xf32>,
    %broadcast_in_dim3A_178 = arith.constant 0.000000e+00 : f32
    %broadcast_in_dim3A_179 = vector.broadcast %broadcast_in_dim3A_178 : f32 to vector<16xf32>
    %swap3A_180 = arith.constant 480 : index
    %swap3A_181 = tpu.vector_load %arg6[%swap3A_180] {strides = array<i32>} : memref<640xf32, #tpu.memory_space<vmem>>, vector<16xf32>,
    %swap3A_182 = vector.shape_cast %swap3A_181 : vector<16xf32> to vector<16xf32>
    %swap3A_183 = vector.shape_cast %broadcast_in_dim3A_179 : vector<16xf32> to vector<16xf32>
    tpu.vector_store %arg6[%swap3A_180], %swap3A_183 {strides = array<i32>} : memref<640xf32, #tpu.memory_space<vmem>>, vector<16xf32>,
    %broadcast_in_dim3A_184 = arith.constant 0.000000e+00 : f32
    %broadcast_in_dim3A_185 = vector.broadcast %broadcast_in_dim3A_184 : f32 to vector<16xf32>
    %swap3A_186 = arith.constant 496 : index
    %swap3A_187 = tpu.vector_load %arg6[%swap3A_186] {strides = array<i32>} : memref<640xf32, #tpu.memory_space<vmem>>, vector<16xf32>,
    %swap3A_188 = vector.shape_cast %swap3A_187 : vector<16xf32> to vector<16xf32>
    %swap3A_189 = vector.shape_cast %broadcast_in_dim3A_185 : vector<16xf32> to vector<16xf32>
    tpu.vector_store %arg6[%swap3A_186], %swap3A_189 {strides = array<i32>} : memref<640xf32, #tpu.memory_space<vmem>>, vector<16xf32>,
    %broadcast_in_dim3A_190 = arith.constant 0.000000e+00 : f32
    %broadcast_in_dim3A_191 = vector.broadcast %broadcast_in_dim3A_190 : f32 to vector<16xf32>
    %swap3A_192 = arith.constant 512 : index
    %swap3A_193 = tpu.vector_load %arg6[%swap3A_192] {strides = array<i32>} : memref<640xf32, #tpu.memory_space<vmem>>, vector<16xf32>,
    %swap3A_194 = vector.shape_cast %swap3A_193 : vector<16xf32> to vector<16xf32>
    %swap3A_195 = vector.shape_cast %broadcast_in_dim3A_191 : vector<16xf32> to vector<16xf32>
    tpu.vector_store %arg6[%swap3A_192], %swap3A_195 {strides = array<i32>} : memref<640xf32, #tpu.memory_space<vmem>>, vector<16xf32>,
    %broadcast_in_dim3A_196 = arith.constant 0.000000e+00 : f32
    %broadcast_in_dim3A_197 = vector.broadcast %broadcast_in_dim3A_196 : f32 to vector<16xf32>
    %swap3A_198 = arith.constant 528 : index
    %swap3A_199 = tpu.vector_load %arg6[%swap3A_198] {strides = array<i32>} : memref<640xf32, #tpu.memory_space<vmem>>, vector<16xf32>,
    %swap3A_200 = vector.shape_cast %swap3A_199 : vector<16xf32> to vector<16xf32>
    %swap3A_201 = vector.shape_cast %broadcast_in_dim3A_197 : vector<16xf32> to vector<16xf32>
    tpu.vector_store %arg6[%swap3A_198], %swap3A_201 {strides = array<i32>} : memref<640xf32, #tpu.memory_space<vmem>>, vector<16xf32>,
    %broadcast_in_dim3A_202 = arith.constant 0.000000e+00 : f32
    %broadcast_in_dim3A_203 = vector.broadcast %broadcast_in_dim3A_202 : f32 to vector<16xf32>
    %swap3A_204 = arith.constant 544 : index
    %swap3A_205 = tpu.vector_load %arg6[%swap3A_204] {strides = array<i32>} : memref<640xf32, #tpu.memory_space<vmem>>, vector<16xf32>,
    %swap3A_206 = vector.shape_cast %swap3A_205 : vector<16xf32> to vector<16xf32>
    %swap3A_207 = vector.shape_cast %broadcast_in_dim3A_203 : vector<16xf32> to vector<16xf32>
    tpu.vector_store %arg6[%swap3A_204], %swap3A_207 {strides = array<i32>} : memref<640xf32, #tpu.memory_space<vmem>>, vector<16xf32>,
    %broadcast_in_dim3A_208 = arith.constant 0.000000e+00 : f32
    %broadcast_in_dim3A_209 = vector.broadcast %broadcast_in_dim3A_208 : f32 to vector<16xf32>
    %swap3A_210 = arith.constant 560 : index
    %swap3A_211 = tpu.vector_load %arg6[%swap3A_210] {strides = array<i32>} : memref<640xf32, #tpu.memory_space<vmem>>, vector<16xf32>,
    %swap3A_212 = vector.shape_cast %swap3A_211 : vector<16xf32> to vector<16xf32>
    %swap3A_213 = vector.shape_cast %broadcast_in_dim3A_209 : vector<16xf32> to vector<16xf32>
    tpu.vector_store %arg6[%swap3A_210], %swap3A_213 {strides = array<i32>} : memref<640xf32, #tpu.memory_space<vmem>>, vector<16xf32>,
    %broadcast_in_dim3A_214 = arith.constant 0.000000e+00 : f32
    %broadcast_in_dim3A_215 = vector.broadcast %broadcast_in_dim3A_214 : f32 to vector<16xf32>
    %swap3A_216 = arith.constant 576 : index
    %swap3A_217 = tpu.vector_load %arg6[%swap3A_216] {strides = array<i32>} : memref<640xf32, #tpu.memory_space<vmem>>, vector<16xf32>,
    %swap3A_218 = vector.shape_cast %swap3A_217 : vector<16xf32> to vector<16xf32>
    %swap3A_219 = vector.shape_cast %broadcast_in_dim3A_215 : vector<16xf32> to vector<16xf32>
    tpu.vector_store %arg6[%swap3A_216], %swap3A_219 {strides = array<i32>} : memref<640xf32, #tpu.memory_space<vmem>>, vector<16xf32>,
    %broadcast_in_dim3A_220 = arith.constant 0.000000e+00 : f32
    %broadcast_in_dim3A_221 = vector.broadcast %broadcast_in_dim3A_220 : f32 to vector<16xf32>
    %swap3A_222 = arith.constant 592 : index
    %swap3A_223 = tpu.vector_load %arg6[%swap3A_222] {strides = array<i32>} : memref<640xf32, #tpu.memory_space<vmem>>, vector<16xf32>,
    %swap3A_224 = vector.shape_cast %swap3A_223 : vector<16xf32> to vector<16xf32>
    %swap3A_225 = vector.shape_cast %broadcast_in_dim3A_221 : vector<16xf32> to vector<16xf32>
    tpu.vector_store %arg6[%swap3A_222], %swap3A_225 {strides = array<i32>} : memref<640xf32, #tpu.memory_space<vmem>>, vector<16xf32>,
    %broadcast_in_dim3A_226 = arith.constant 0.000000e+00 : f32
    %broadcast_in_dim3A_227 = vector.broadcast %broadcast_in_dim3A_226 : f32 to vector<16xf32>
    %swap3A_228 = arith.constant 608 : index
    %swap3A_229 = tpu.vector_load %arg6[%swap3A_228] {strides = array<i32>} : memref<640xf32, #tpu.memory_space<vmem>>, vector<16xf32>,
    %swap3A_230 = vector.shape_cast %swap3A_229 : vector<16xf32> to vector<16xf32>
    %swap3A_231 = vector.shape_cast %broadcast_in_dim3A_227 : vector<16xf32> to vector<16xf32>
    tpu.vector_store %arg6[%swap3A_228], %swap3A_231 {strides = array<i32>} : memref<640xf32, #tpu.memory_space<vmem>>, vector<16xf32>,
    %broadcast_in_dim3A_232 = arith.constant 0.000000e+00 : f32
    %broadcast_in_dim3A_233 = vector.broadcast %broadcast_in_dim3A_232 : f32 to vector<16xf32>
    %swap3A_234 = arith.constant 624 : index
    %swap3A_235 = tpu.vector_load %arg6[%swap3A_234] {strides = array<i32>} : memref<640xf32, #tpu.memory_space<vmem>>, vector<16xf32>,
    %swap3A_236 = vector.shape_cast %swap3A_235 : vector<16xf32> to vector<16xf32>
    %swap3A_237 = vector.shape_cast %broadcast_in_dim3A_233 : vector<16xf32> to vector<16xf32>
    tpu.vector_store %arg6[%swap3A_234], %swap3A_237 {strides = array<i32>} : memref<640xf32, #tpu.memory_space<vmem>>, vector<16xf32>,
    %broadcast_in_dim3A_238 = arith.constant 1.000000e+00 : f32
    %broadcast_in_dim3A_239 = vector.broadcast %broadcast_in_dim3A_238 : f32 to vector<16xf32>
    %swap3A_240 = arith.constant 0 : index
    %swap3A_241 = tpu.vector_load %arg7[%swap3A_240] {strides = array<i32>} : memref<128xf32, #tpu.memory_space<vmem>>, vector<16xf32>,
    %swap3A_242 = vector.shape_cast %swap3A_241 : vector<16xf32> to vector<16xf32>
    %swap3A_243 = vector.shape_cast %broadcast_in_dim3A_239 : vector<16xf32> to vector<16xf32>
    tpu.vector_store %arg7[%swap3A_240], %swap3A_243 {strides = array<i32>} : memref<128xf32, #tpu.memory_space<vmem>>, vector<16xf32>,
    %broadcast_in_dim3A_244 = arith.constant 1.000000e+00 : f32
    %broadcast_in_dim3A_245 = vector.broadcast %broadcast_in_dim3A_244 : f32 to vector<16xf32>
    %swap3A_246 = arith.constant 16 : index
    %swap3A_247 = tpu.vector_load %arg7[%swap3A_246] {strides = array<i32>} : memref<128xf32, #tpu.memory_space<vmem>>, vector<16xf32>,
    %swap3A_248 = vector.shape_cast %swap3A_247 : vector<16xf32> to vector<16xf32>
    %swap3A_249 = vector.shape_cast %broadcast_in_dim3A_245 : vector<16xf32> to vector<16xf32>
    tpu.vector_store %arg7[%swap3A_246], %swap3A_249 {strides = array<i32>} : memref<128xf32, #tpu.memory_space<vmem>>, vector<16xf32>,
    %broadcast_in_dim3A_250 = arith.constant 1.000000e+00 : f32
    %broadcast_in_dim3A_251 = vector.broadcast %broadcast_in_dim3A_250 : f32 to vector<16xf32>
    %swap3A_252 = arith.constant 32 : index
    %swap3A_253 = tpu.vector_load %arg7[%swap3A_252] {strides = array<i32>} : memref<128xf32, #tpu.memory_space<vmem>>, vector<16xf32>,
    %swap3A_254 = vector.shape_cast %swap3A_253 : vector<16xf32> to vector<16xf32>
    %swap3A_255 = vector.shape_cast %broadcast_in_dim3A_251 : vector<16xf32> to vector<16xf32>
    tpu.vector_store %arg7[%swap3A_252], %swap3A_255 {strides = array<i32>} : memref<128xf32, #tpu.memory_space<vmem>>, vector<16xf32>,
    %broadcast_in_dim3A_256 = arith.constant 1.000000e+00 : f32
    %broadcast_in_dim3A_257 = vector.broadcast %broadcast_in_dim3A_256 : f32 to vector<16xf32>
    %swap3A_258 = arith.constant 48 : index
    %swap3A_259 = tpu.vector_load %arg7[%swap3A_258] {strides = array<i32>} : memref<128xf32, #tpu.memory_space<vmem>>, vector<16xf32>,
    %swap3A_260 = vector.shape_cast %swap3A_259 : vector<16xf32> to vector<16xf32>
    %swap3A_261 = vector.shape_cast %broadcast_in_dim3A_257 : vector<16xf32> to vector<16xf32>
    tpu.vector_store %arg7[%swap3A_258], %swap3A_261 {strides = array<i32>} : memref<128xf32, #tpu.memory_space<vmem>>, vector<16xf32>,
    %broadcast_in_dim3A_262 = arith.constant 1.000000e+00 : f32
    %broadcast_in_dim3A_263 = vector.broadcast %broadcast_in_dim3A_262 : f32 to vector<16xf32>
    %swap3A_264 = arith.constant 64 : index
    %swap3A_265 = tpu.vector_load %arg7[%swap3A_264] {strides = array<i32>} : memref<128xf32, #tpu.memory_space<vmem>>, vector<16xf32>,
    %swap3A_266 = vector.shape_cast %swap3A_265 : vector<16xf32> to vector<16xf32>
    %swap3A_267 = vector.shape_cast %broadcast_in_dim3A_263 : vector<16xf32> to vector<16xf32>
    tpu.vector_store %arg7[%swap3A_264], %swap3A_267 {strides = array<i32>} : memref<128xf32, #tpu.memory_space<vmem>>, vector<16xf32>,
    %broadcast_in_dim3A_268 = arith.constant 1.000000e+00 : f32
    %broadcast_in_dim3A_269 = vector.broadcast %broadcast_in_dim3A_268 : f32 to vector<16xf32>
    %swap3A_270 = arith.constant 80 : index
    %swap3A_271 = tpu.vector_load %arg7[%swap3A_270] {strides = array<i32>} : memref<128xf32, #tpu.memory_space<vmem>>, vector<16xf32>,
    %swap3A_272 = vector.shape_cast %swap3A_271 : vector<16xf32> to vector<16xf32>
    %swap3A_273 = vector.shape_cast %broadcast_in_dim3A_269 : vector<16xf32> to vector<16xf32>
    tpu.vector_store %arg7[%swap3A_270], %swap3A_273 {strides = array<i32>} : memref<128xf32, #tpu.memory_space<vmem>>, vector<16xf32>,
    %broadcast_in_dim3A_274 = arith.constant 1.000000e+00 : f32
    %broadcast_in_dim3A_275 = vector.broadcast %broadcast_in_dim3A_274 : f32 to vector<16xf32>
    %swap3A_276 = arith.constant 96 : index
    %swap3A_277 = tpu.vector_load %arg7[%swap3A_276] {strides = array<i32>} : memref<128xf32, #tpu.memory_space<vmem>>, vector<16xf32>,
    %swap3A_278 = vector.shape_cast %swap3A_277 : vector<16xf32> to vector<16xf32>
    %swap3A_279 = vector.shape_cast %broadcast_in_dim3A_275 : vector<16xf32> to vector<16xf32>
    tpu.vector_store %arg7[%swap3A_276], %swap3A_279 {strides = array<i32>} : memref<128xf32, #tpu.memory_space<vmem>>, vector<16xf32>,
    %broadcast_in_dim3A_280 = arith.constant 1.000000e+00 : f32
    %broadcast_in_dim3A_281 = vector.broadcast %broadcast_in_dim3A_280 : f32 to vector<16xf32>
    %swap3A_282 = arith.constant 112 : index
    %swap3A_283 = tpu.vector_load %arg7[%swap3A_282] {strides = array<i32>} : memref<128xf32, #tpu.memory_space<vmem>>, vector<16xf32>,
    %swap3A_284 = vector.shape_cast %swap3A_283 : vector<16xf32> to vector<16xf32>
    %swap3A_285 = vector.shape_cast %broadcast_in_dim3A_281 : vector<16xf32> to vector<16xf32>
    tpu.vector_store %arg7[%swap3A_282], %swap3A_285 {strides = array<i32>} : memref<128xf32, #tpu.memory_space<vmem>>, vector<16xf32>,
    %mul3A = arith.constant 16 : i32
    %mul3A_286 = arith.muli %arg0, %mul3A : i32
    %add3A = arith.addi %mul3A_286, %arg1 : i32
    %mul3A_287 = arith.constant 80 : i32
    %mul3A_288 = arith.muli %add3A, %mul3A_287 : i32
    "tpu.region"() ({
      %run_scoped3A = tpu.sem_alloc : memref<!tpu.dma_semaphore, #tpu.memory_space<semaphore_mem>>
      %dma_start3A_350 = arith.constant 0 : i32
      %dma_start3A_351 = tpu.memref_slice %arg2[%mul3A_288, %dma_start3A_350] : memref<2560x128xi32, #tpu.memory_space<hbm>> -> memref<80x128xi32, #tpu.memory_space<hbm>>
      %dma_start3A_352 = arith.constant 0 : i32
      %dma_start3A_353 = tpu.memref_slice %arg2[%mul3A_288, %dma_start3A_352] : memref<2560x128xi32, #tpu.memory_space<hbm>> -> memref<80x128xi32, #tpu.memory_space<hbm>>
      tpu.enqueue_dma source(%dma_start3A_353 : memref<80x128xi32, #tpu.memory_space<hbm>>) target(%arg8 : memref<80x128xi32, #tpu.memory_space<vmem>>) target_semaphore(%run_scoped3A : memref<!tpu.dma_semaphore, #tpu.memory_space<semaphore_mem>>)
      %dma_wait3A_354 = arith.constant 0 : i32
      %dma_wait3A_355 = tpu.memref_slice %arg2[%mul3A_288, %dma_wait3A_354] : memref<2560x128xi32, #tpu.memory_space<hbm>> -> memref<80x128xi32, #tpu.memory_space<hbm>>
      %dma_wait3A_356 = arith.constant 0 : i32
      %dma_wait3A_357 = tpu.memref_slice %arg2[%mul3A_288, %dma_wait3A_356] : memref<2560x128xi32, #tpu.memory_space<hbm>> -> memref<80x128xi32, #tpu.memory_space<hbm>>
      tpu.wait_dma2 semaphore(%run_scoped3A : memref<!tpu.dma_semaphore, #tpu.memory_space<semaphore_mem>>) src(%dma_wait3A_357 : memref<80x128xi32, #tpu.memory_space<hbm>>) dst(%arg8 : memref<80x128xi32, #tpu.memory_space<vmem>>)
      tpu.yield
    }) : () -> ()
    %mul3A_289 = arith.constant 640 : i32
    %mul3A_290 = arith.muli %arg1, %mul3A_289 : i32
    "tpu.region"() ({
      %run_scoped3A = tpu.sem_alloc : memref<!tpu.dma_semaphore, #tpu.memory_space<semaphore_mem>>
      %dma_start3A_350 = tpu.memref_slice %arg5[%mul3A_290] : memref<10240xf32, #tpu.memory_space<vmem_shared>> -> memref<640xf32, #tpu.memory_space<vmem_shared>>
      %dma_start3A_351 = tpu.memref_slice %arg5[%mul3A_290] : memref<10240xf32, #tpu.memory_space<vmem_shared>> -> memref<640xf32, #tpu.memory_space<vmem_shared>>
      tpu.enqueue_dma source(%arg6 : memref<640xf32, #tpu.memory_space<vmem>>) target(%dma_start3A_351 : memref<640xf32, #tpu.memory_space<vmem_shared>>) target_semaphore(%run_scoped3A : memref<!tpu.dma_semaphore, #tpu.memory_space<semaphore_mem>>)
      %dma_wait3A_352 = tpu.memref_slice %arg5[%mul3A_290] : memref<10240xf32, #tpu.memory_space<vmem_shared>> -> memref<640xf32, #tpu.memory_space<vmem_shared>>
      %dma_wait3A_353 = tpu.memref_slice %arg5[%mul3A_290] : memref<10240xf32, #tpu.memory_space<vmem_shared>> -> memref<640xf32, #tpu.memory_space<vmem_shared>>
      tpu.wait_dma2 semaphore(%run_scoped3A : memref<!tpu.dma_semaphore, #tpu.memory_space<semaphore_mem>>) src(%arg6 : memref<640xf32, #tpu.memory_space<vmem>>) dst(%dma_wait3A_353 : memref<640xf32, #tpu.memory_space<vmem_shared>>)
      tpu.yield
    }) : () -> ()
    %barrier3A = arith.constant 0 : index
    tpu.barrier barrier_id(%barrier3A)
    %dma_start3A = arith.constant 0 : i32
    %dma_start3A_291 = arith.constant 0 : i32
    %dma_start3A_292 = tpu.memref_slice %arg8[%dma_start3A, %dma_start3A_291] : memref<80x128xi32, #tpu.memory_space<vmem>> -> memref<1x128xi32, #tpu.memory_space<vmem>>
    %dma_start3A_293 = tpu.memref_squeeze %dma_start3A_292 : memref<1x128xi32, #tpu.memory_space<vmem>> -> memref<128xi32, #tpu.memory_space<vmem>>
    %dma_start3A_294 = arith.constant 0 : i32
    %dma_start3A_295 = tpu.memref_slice %arg5[%dma_start3A_294] : memref<10240xf32, #tpu.memory_space<vmem_shared>> -> memref<10240xf32, #tpu.memory_space<vmem_shared>>
    tpu.enqueue_indirect_dma source(%arg7 : memref<128xf32, #tpu.memory_space<vmem>>) target(%dma_start3A_295 : memref<10240xf32, #tpu.memory_space<vmem_shared>>) offsets(%dma_start3A_293 : memref<128xi32, #tpu.memory_space<vmem>>) semaphore(%arg9 : memref<!tpu.dma_semaphore, #tpu.memory_space<semaphore_mem>>) {add = true}
    %dma_start3A_296 = arith.constant 1 : i32
    %dma_start3A_297 = arith.constant 0 : i32
    %dma_start3A_298 = tpu.memref_slice %arg8[%dma_start3A_296, %dma_start3A_297] : memref<80x128xi32, #tpu.memory_space<vmem>> -> memref<1x128xi32, #tpu.memory_space<vmem>>
    %dma_start3A_299 = tpu.memref_squeeze %dma_start3A_298 : memref<1x128xi32, #tpu.memory_space<vmem>> -> memref<128xi32, #tpu.memory_space<vmem>>
    %dma_start3A_300 = arith.constant 0 : i32
    %dma_start3A_301 = tpu.memref_slice %arg5[%dma_start3A_300] : memref<10240xf32, #tpu.memory_space<vmem_shared>> -> memref<10240xf32, #tpu.memory_space<vmem_shared>>
    tpu.enqueue_indirect_dma source(%arg7 : memref<128xf32, #tpu.memory_space<vmem>>) target(%dma_start3A_301 : memref<10240xf32, #tpu.memory_space<vmem_shared>>) offsets(%dma_start3A_299 : memref<128xi32, #tpu.memory_space<vmem>>) semaphore(%arg9 : memref<!tpu.dma_semaphore, #tpu.memory_space<semaphore_mem>>) {add = true}
    %dma_start3A_302 = arith.constant 2 : i32
    %dma_start3A_303 = arith.constant 0 : i32
    %dma_start3A_304 = tpu.memref_slice %arg8[%dma_start3A_302, %dma_start3A_303] : memref<80x128xi32, #tpu.memory_space<vmem>> -> memref<1x128xi32, #tpu.memory_space<vmem>>
    %dma_start3A_305 = tpu.memref_squeeze %dma_start3A_304 : memref<1x128xi32, #tpu.memory_space<vmem>> -> memref<128xi32, #tpu.memory_space<vmem>>
    %dma_start3A_306 = arith.constant 0 : i32
    %dma_start3A_307 = tpu.memref_slice %arg5[%dma_start3A_306] : memref<10240xf32, #tpu.memory_space<vmem_shared>> -> memref<10240xf32, #tpu.memory_space<vmem_shared>>
    tpu.enqueue_indirect_dma source(%arg7 : memref<128xf32, #tpu.memory_space<vmem>>) target(%dma_start3A_307 : memref<10240xf32, #tpu.memory_space<vmem_shared>>) offsets(%dma_start3A_305 : memref<128xi32, #tpu.memory_space<vmem>>) semaphore(%arg9 : memref<!tpu.dma_semaphore, #tpu.memory_space<semaphore_mem>>) {add = true}
    %dma_start3A_308 = arith.constant 3 : i32
    %dma_start3A_309 = arith.constant 0 : i32
    %dma_start3A_310 = tpu.memref_slice %arg8[%dma_start3A_308, %dma_start3A_309] : memref<80x128xi32, #tpu.memory_space<vmem>> -> memref<1x128xi32, #tpu.memory_space<vmem>>
    %dma_start3A_311 = tpu.memref_squeeze %dma_start3A_310 : memref<1x128xi32, #tpu.memory_space<vmem>> -> memref<128xi32, #tpu.memory_space<vmem>>
    %dma_start3A_312 = arith.constant 0 : i32
    %dma_start3A_313 = tpu.memref_slice %arg5[%dma_start3A_312] : memref<10240xf32, #tpu.memory_space<vmem_shared>> -> memref<10240xf32, #tpu.memory_space<vmem_shared>>
    tpu.enqueue_indirect_dma source(%arg7 : memref<128xf32, #tpu.memory_space<vmem>>) target(%dma_start3A_313 : memref<10240xf32, #tpu.memory_space<vmem_shared>>) offsets(%dma_start3A_311 : memref<128xi32, #tpu.memory_space<vmem>>) semaphore(%arg9 : memref<!tpu.dma_semaphore, #tpu.memory_space<semaphore_mem>>) {add = true}
    %scan3A = arith.constant 0 : i32
    %scan3A_314 = arith.constant 0 : i32
    %scan3A_315 = arith.constant 76 : i32
    %scan3A_316 = arith.addi %scan3A_314, %scan3A_315 : i32
    %scan3A_317 = arith.constant 1 : i32
    scf.for %scan3A_350 = %scan3A_314 to %scan3A_316 step %scan3A_317  : i32 {
      %dma_wait3A_351 = arith.constant 0 : i32
      %dma_wait3A_352 = tpu.memref_slice %arg8[%scan3A_350, %dma_wait3A_351] : memref<80x128xi32, #tpu.memory_space<vmem>> -> memref<1x128xi32, #tpu.memory_space<vmem>>
      %dma_wait3A_353 = tpu.memref_squeeze %dma_wait3A_352 : memref<1x128xi32, #tpu.memory_space<vmem>> -> memref<128xi32, #tpu.memory_space<vmem>>
      %dma_wait3A_354 = arith.constant 0 : i32
      %dma_wait3A_355 = tpu.memref_slice %arg5[%dma_wait3A_354] : memref<10240xf32, #tpu.memory_space<vmem_shared>> -> memref<10240xf32, #tpu.memory_space<vmem_shared>>
      tpu.wait_indirect_dma semaphore(%arg9 : memref<!tpu.dma_semaphore, #tpu.memory_space<semaphore_mem>>) src(%arg7 : memref<128xf32, #tpu.memory_space<vmem>>) dst(%dma_wait3A_355 : memref<10240xf32, #tpu.memory_space<vmem_shared>>)
      %add3A_356 = arith.constant 4 : i32
      %add3A_357 = arith.addi %scan3A_350, %add3A_356 : i32
      %dma_start3A_358 = arith.constant 0 : i32
      %dma_start3A_359 = tpu.memref_slice %arg8[%add3A_357, %dma_start3A_358] : memref<80x128xi32, #tpu.memory_space<vmem>> -> memref<1x128xi32, #tpu.memory_space<vmem>>
      %dma_start3A_360 = tpu.memref_squeeze %dma_start3A_359 : memref<1x128xi32, #tpu.memory_space<vmem>> -> memref<128xi32, #tpu.memory_space<vmem>>
      %dma_start3A_361 = arith.constant 0 : i32
      %dma_start3A_362 = tpu.memref_slice %arg5[%dma_start3A_361] : memref<10240xf32, #tpu.memory_space<vmem_shared>> -> memref<10240xf32, #tpu.memory_space<vmem_shared>>
      tpu.enqueue_indirect_dma source(%arg7 : memref<128xf32, #tpu.memory_space<vmem>>) target(%dma_start3A_362 : memref<10240xf32, #tpu.memory_space<vmem_shared>>) offsets(%dma_start3A_360 : memref<128xi32, #tpu.memory_space<vmem>>) semaphore(%arg9 : memref<!tpu.dma_semaphore, #tpu.memory_space<semaphore_mem>>) {add = true}
    }
    %scan3A_318 = arith.constant 76 : i32
    %dma_wait3A = arith.constant 76 : i32
    %dma_wait3A_319 = arith.constant 0 : i32
    %dma_wait3A_320 = tpu.memref_slice %arg8[%dma_wait3A, %dma_wait3A_319] : memref<80x128xi32, #tpu.memory_space<vmem>> -> memref<1x128xi32, #tpu.memory_space<vmem>>
    %dma_wait3A_321 = tpu.memref_squeeze %dma_wait3A_320 : memref<1x128xi32, #tpu.memory_space<vmem>> -> memref<128xi32, #tpu.memory_space<vmem>>
    %dma_wait3A_322 = arith.constant 0 : i32
    %dma_wait3A_323 = tpu.memref_slice %arg5[%dma_wait3A_322] : memref<10240xf32, #tpu.memory_space<vmem_shared>> -> memref<10240xf32, #tpu.memory_space<vmem_shared>>
    tpu.wait_indirect_dma semaphore(%arg9 : memref<!tpu.dma_semaphore, #tpu.memory_space<semaphore_mem>>) src(%arg7 : memref<128xf32, #tpu.memory_space<vmem>>) dst(%dma_wait3A_323 : memref<10240xf32, #tpu.memory_space<vmem_shared>>)
    %dma_wait3A_324 = arith.constant 77 : i32
    %dma_wait3A_325 = arith.constant 0 : i32
    %dma_wait3A_326 = tpu.memref_slice %arg8[%dma_wait3A_324, %dma_wait3A_325] : memref<80x128xi32, #tpu.memory_space<vmem>> -> memref<1x128xi32, #tpu.memory_space<vmem>>
    %dma_wait3A_327 = tpu.memref_squeeze %dma_wait3A_326 : memref<1x128xi32, #tpu.memory_space<vmem>> -> memref<128xi32, #tpu.memory_space<vmem>>
    %dma_wait3A_328 = arith.constant 0 : i32
    %dma_wait3A_329 = tpu.memref_slice %arg5[%dma_wait3A_328] : memref<10240xf32, #tpu.memory_space<vmem_shared>> -> memref<10240xf32, #tpu.memory_space<vmem_shared>>
    tpu.wait_indirect_dma semaphore(%arg9 : memref<!tpu.dma_semaphore, #tpu.memory_space<semaphore_mem>>) src(%arg7 : memref<128xf32, #tpu.memory_space<vmem>>) dst(%dma_wait3A_329 : memref<10240xf32, #tpu.memory_space<vmem_shared>>)
    %dma_wait3A_330 = arith.constant 78 : i32
    %dma_wait3A_331 = arith.constant 0 : i32
    %dma_wait3A_332 = tpu.memref_slice %arg8[%dma_wait3A_330, %dma_wait3A_331] : memref<80x128xi32, #tpu.memory_space<vmem>> -> memref<1x128xi32, #tpu.memory_space<vmem>>
    %dma_wait3A_333 = tpu.memref_squeeze %dma_wait3A_332 : memref<1x128xi32, #tpu.memory_space<vmem>> -> memref<128xi32, #tpu.memory_space<vmem>>
    %dma_wait3A_334 = arith.constant 0 : i32
    %dma_wait3A_335 = tpu.memref_slice %arg5[%dma_wait3A_334] : memref<10240xf32, #tpu.memory_space<vmem_shared>> -> memref<10240xf32, #tpu.memory_space<vmem_shared>>
    tpu.wait_indirect_dma semaphore(%arg9 : memref<!tpu.dma_semaphore, #tpu.memory_space<semaphore_mem>>) src(%arg7 : memref<128xf32, #tpu.memory_space<vmem>>) dst(%dma_wait3A_335 : memref<10240xf32, #tpu.memory_space<vmem_shared>>)
    %dma_wait3A_336 = arith.constant 79 : i32
    %dma_wait3A_337 = arith.constant 0 : i32
    %dma_wait3A_338 = tpu.memref_slice %arg8[%dma_wait3A_336, %dma_wait3A_337] : memref<80x128xi32, #tpu.memory_space<vmem>> -> memref<1x128xi32, #tpu.memory_space<vmem>>
    %dma_wait3A_339 = tpu.memref_squeeze %dma_wait3A_338 : memref<1x128xi32, #tpu.memory_space<vmem>> -> memref<128xi32, #tpu.memory_space<vmem>>
    %dma_wait3A_340 = arith.constant 0 : i32
    %dma_wait3A_341 = tpu.memref_slice %arg5[%dma_wait3A_340] : memref<10240xf32, #tpu.memory_space<vmem_shared>> -> memref<10240xf32, #tpu.memory_space<vmem_shared>>
    tpu.wait_indirect_dma semaphore(%arg9 : memref<!tpu.dma_semaphore, #tpu.memory_space<semaphore_mem>>) src(%arg7 : memref<128xf32, #tpu.memory_space<vmem>>) dst(%dma_wait3A_341 : memref<10240xf32, #tpu.memory_space<vmem_shared>>)
    %barrier3A_342 = arith.constant 0 : index
    tpu.barrier barrier_id(%barrier3A_342)
    %eq3A = arith.constant 0 : i32
    %eq3A_343 = arith.cmpi eq, %arg0, %eq3A : i32
    %convert_element_type3A = arith.extui %eq3A_343 : i1 to i32
    %cond3A = arith.constant 0 : i32
    %cond3A_344 = arith.cmpi ne, %convert_element_type3A, %cond3A : i32
    scf.if %cond3A_344 {
      %mul3A_350 = arith.constant 640 : i32
      %mul3A_351 = arith.muli %arg1, %mul3A_350 : i32
      %mul3A_352 = arith.constant 640 : i32
      %mul3A_353 = arith.muli %arg1, %mul3A_352 : i32
      "tpu.region"() ({
        %run_scoped3A = tpu.sem_alloc : memref<!tpu.dma_semaphore, #tpu.memory_space<semaphore_mem>>
        %dma_start3A_354 = tpu.memref_slice %arg3[%mul3A_353] : memref<10240xf32, #tpu.memory_space<hbm>> -> memref<640xf32, #tpu.memory_space<hbm>>
        %dma_start3A_355 = tpu.memref_slice %arg5[%mul3A_351] : memref<10240xf32, #tpu.memory_space<vmem_shared>> -> memref<640xf32, #tpu.memory_space<vmem_shared>>
        tpu.enqueue_dma source(%dma_start3A_355 : memref<640xf32, #tpu.memory_space<vmem_shared>>) target(%dma_start3A_354 : memref<640xf32, #tpu.memory_space<hbm>>) target_semaphore(%run_scoped3A : memref<!tpu.dma_semaphore, #tpu.memory_space<semaphore_mem>>)
        %dma_wait3A_356 = tpu.memref_slice %arg3[%mul3A_353] : memref<10240xf32, #tpu.memory_space<hbm>> -> memref<640xf32, #tpu.memory_space<hbm>>
        %dma_wait3A_357 = tpu.memref_slice %arg5[%mul3A_351] : memref<10240xf32, #tpu.memory_space<vmem_shared>> -> memref<640xf32, #tpu.memory_space<vmem_shared>>
        tpu.wait_dma2 semaphore(%run_scoped3A : memref<!tpu.dma_semaphore, #tpu.memory_space<semaphore_mem>>) src(%dma_wait3A_357 : memref<640xf32, #tpu.memory_space<vmem_shared>>) dst(%dma_wait3A_356 : memref<640xf32, #tpu.memory_space<hbm>>)
        tpu.yield
      }) : () -> ()
    } else {
    }
    %eq3A_345 = arith.constant 1 : i32
    %eq3A_346 = arith.cmpi eq, %arg0, %eq3A_345 : i32
    %convert_element_type3A_347 = arith.extui %eq3A_346 : i1 to i32
    %cond3A_348 = arith.constant 0 : i32
    %cond3A_349 = arith.cmpi ne, %convert_element_type3A_347, %cond3A_348 : i32
    scf.if %cond3A_349 {
      %mul3A_350 = arith.constant 640 : i32
      %mul3A_351 = arith.muli %arg1, %mul3A_350 : i32
      %mul3A_352 = arith.constant 640 : i32
      %mul3A_353 = arith.muli %arg1, %mul3A_352 : i32
      "tpu.region"() ({
        %run_scoped3A = tpu.sem_alloc : memref<!tpu.dma_semaphore, #tpu.memory_space<semaphore_mem>>
        %dma_start3A_354 = tpu.memref_slice %arg4[%mul3A_353] : memref<10240xf32, #tpu.memory_space<hbm>> -> memref<640xf32, #tpu.memory_space<hbm>>
        %dma_start3A_355 = tpu.memref_slice %arg5[%mul3A_351] : memref<10240xf32, #tpu.memory_space<vmem_shared>> -> memref<640xf32, #tpu.memory_space<vmem_shared>>
        tpu.enqueue_dma source(%dma_start3A_355 : memref<640xf32, #tpu.memory_space<vmem_shared>>) target(%dma_start3A_354 : memref<640xf32, #tpu.memory_space<hbm>>) target_semaphore(%run_scoped3A : memref<!tpu.dma_semaphore, #tpu.memory_space<semaphore_mem>>)
        %dma_wait3A_356 = tpu.memref_slice %arg4[%mul3A_353] : memref<10240xf32, #tpu.memory_space<hbm>> -> memref<640xf32, #tpu.memory_space<hbm>>
        %dma_wait3A_357 = tpu.memref_slice %arg5[%mul3A_351] : memref<10240xf32, #tpu.memory_space<vmem_shared>> -> memref<640xf32, #tpu.memory_space<vmem_shared>>
        tpu.wait_dma2 semaphore(%run_scoped3A : memref<!tpu.dma_semaphore, #tpu.memory_space<semaphore_mem>>) src(%dma_wait3A_357 : memref<640xf32, #tpu.memory_space<vmem_shared>>) dst(%dma_wait3A_356 : memref<640xf32, #tpu.memory_space<hbm>>)
        tpu.yield
      }) : () -> ()
    } else {
    }
    return
  }
}

#map = affine_map<(d0, d1) -> (0, 0)>
#map1 = affine_map<(d0, d1) -> (0)>
module attributes {stable_mosaic.version = 14 : i64} {
  func.func @body(%arg0: i32, %arg1: i32, %arg2: memref<10240x128xf32, #tpu.memory_space<hbm>>, %arg3: memref<327680xi32, #tpu.memory_space<hbm>>, %arg4: memref<2560x128xi32, #tpu.memory_space<hbm>>, %arg5: memref<10240x128xf32, #tpu.memory_space<hbm>>, %arg6: memref<10240x128xf32, #tpu.memory_space<hbm>>, %arg7: memref<10240x128xf32, #tpu.memory_space<vmem_shared>>, %arg8: memref<2048xi32, #tpu.memory_space<vmem>>, %arg9: memref<16x128xi32, #tpu.memory_space<vmem>>, %arg10: memref<32x64xi32, #tpu.memory_space<vmem>>, %arg11: memref<64x128xf32, #tpu.memory_space<vmem>>, %arg12: memref<64x128xf32, #tpu.memory_space<vmem>>, %arg13: memref<64x128xf32, #tpu.memory_space<vmem>>, %arg14: memref<64x128xf32, #tpu.memory_space<vmem>>, %arg15: memref<!tpu.dma_semaphore, #tpu.memory_space<semaphore_mem>>, %arg16: memref<!tpu.dma_semaphore, #tpu.memory_space<semaphore_mem>>, %arg17: memref<!tpu.dma_semaphore, #tpu.memory_space<semaphore_mem>>, %arg18: memref<!tpu.dma_semaphore, #tpu.memory_space<semaphore_mem>>, %arg19: memref<!tpu.dma_semaphore, #tpu.memory_space<semaphore_mem>>, %arg20: memref<!tpu.dma_semaphore, #tpu.memory_space<semaphore_mem>>, %arg21: memref<!tpu.dma_semaphore, #tpu.memory_space<semaphore_mem>>, %arg22: memref<!tpu.dma_semaphore, #tpu.memory_space<semaphore_mem>>) attributes {dimension_semantics = [#tpu.dimension_semantics<core_parallel>, #tpu.dimension_semantics<subcore_parallel>], iteration_bounds = array<i64: 2, 16>, scalar_prefetch = 0 : i64, scratch_operands = 16 : i64, tpu.core_type = #tpu.core_type<sc_vector_subcore>, window_params = [{transform_indices = #map}, {transform_indices = #map1}, {transform_indices = #map}, {transform_indices = #map}, {transform_indices = #map}]} {
    %mul3A = arith.constant 640 : i32
    %mul3A_0 = arith.muli %arg1, %mul3A : i32
    %mul3A_1 = arith.constant 16 : i32
    %mul3A_2 = arith.muli %arg0, %mul3A_1 : i32
    %add3A = arith.addi %mul3A_2, %arg1 : i32
    "tpu.region"() ({
      %run_scoped3A = tpu.sem_alloc : memref<!tpu.dma_semaphore, #tpu.memory_space<semaphore_mem>>
      %dma_start3A = arith.constant 0 : i32
      %dma_start3A_18 = tpu.memref_slice %arg7[%mul3A_0, %dma_start3A] : memref<10240x128xf32, #tpu.memory_space<vmem_shared>> -> memref<640x128xf32, #tpu.memory_space<vmem_shared>>
      %dma_start3A_19 = arith.constant 0 : i32
      %dma_start3A_20 = tpu.memref_slice %arg2[%mul3A_0, %dma_start3A_19] : memref<10240x128xf32, #tpu.memory_space<hbm>> -> memref<640x128xf32, #tpu.memory_space<hbm>>
      tpu.enqueue_dma source(%dma_start3A_20 : memref<640x128xf32, #tpu.memory_space<hbm>>) target(%dma_start3A_18 : memref<640x128xf32, #tpu.memory_space<vmem_shared>>) target_semaphore(%run_scoped3A : memref<!tpu.dma_semaphore, #tpu.memory_space<semaphore_mem>>)
      %dma_wait3A = arith.constant 0 : i32
      %dma_wait3A_21 = tpu.memref_slice %arg7[%mul3A_0, %dma_wait3A] : memref<10240x128xf32, #tpu.memory_space<vmem_shared>> -> memref<640x128xf32, #tpu.memory_space<vmem_shared>>
      %dma_wait3A_22 = arith.constant 0 : i32
      %dma_wait3A_23 = tpu.memref_slice %arg2[%mul3A_0, %dma_wait3A_22] : memref<10240x128xf32, #tpu.memory_space<hbm>> -> memref<640x128xf32, #tpu.memory_space<hbm>>
      tpu.wait_dma2 semaphore(%run_scoped3A : memref<!tpu.dma_semaphore, #tpu.memory_space<semaphore_mem>>) src(%dma_wait3A_23 : memref<640x128xf32, #tpu.memory_space<hbm>>) dst(%dma_wait3A_21 : memref<640x128xf32, #tpu.memory_space<vmem_shared>>)
      tpu.yield
    }) : () -> ()
    %barrier3A = arith.constant 0 : index
    tpu.barrier barrier_id(%barrier3A)
    %mul3A_3 = arith.constant 160 : i32
    %mul3A_4 = arith.muli %add3A, %mul3A_3 : i32
    %scan3A = arith.constant 0 : i32
    %scan3A_5 = arith.constant 0 : i32
    %scan3A_6 = arith.constant 5 : i32
    %scan3A_7 = arith.addi %scan3A_5, %scan3A_6 : i32
    %scan3A_8 = arith.constant 1 : i32
    scf.for %scan3A_18 = %scan3A_5 to %scan3A_7 step %scan3A_8  : i32 {
      %mul3A_19 = arith.constant 32 : i32
      %mul3A_20 = arith.muli %scan3A_18, %mul3A_19 : i32
      %add3A_21 = arith.addi %mul3A_4, %mul3A_20 : i32
      %multiple_of3A = tpu.assume_multiple %add3A_21, 8 : i32
      %jit3A = arith.constant 2 : i32
      %div3A = arith.divsi %mul3A_4, %jit3A : i32
      %sign3A = arith.constant 0 : i32
      %sign3A_22 = arith.cmpi sgt, %mul3A_4, %sign3A : i32
      %sign3A_23 = arith.extui %sign3A_22 : i1 to i32
      %sign3A_24 = arith.constant 0 : i32
      %sign3A_25 = arith.cmpi slt, %mul3A_4, %sign3A_24 : i32
      %sign3A_26 = arith.extui %sign3A_25 : i1 to i32
      %sign3A_27 = arith.subi %sign3A_23, %sign3A_26 : i32
      %sign3A_28 = arith.constant 0 : i32
      %sign3A_29 = arith.cmpi sgt, %jit3A, %sign3A_28 : i32
      %sign3A_30 = arith.extui %sign3A_29 : i1 to i32
      %sign3A_31 = arith.constant 0 : i32
      %sign3A_32 = arith.cmpi slt, %jit3A, %sign3A_31 : i32
      %sign3A_33 = arith.extui %sign3A_32 : i1 to i32
      %sign3A_34 = arith.subi %sign3A_30, %sign3A_33 : i32
      %ne3A = arith.cmpi ne, %sign3A_27, %sign3A_34 : i32
      %rem3A = arith.remsi %mul3A_4, %jit3A : i32
      %ne3A_35 = arith.constant 0 : i32
      %ne3A_36 = arith.cmpi ne, %rem3A, %ne3A_35 : i32
      %and3A = arith.andi %ne3A, %ne3A_36 : i1
      %sub3A = arith.constant 1 : i32
      %sub3A_37 = arith.subi %div3A, %sub3A : i32
      %select_n3A = arith.select %and3A, %sub3A_37, %div3A : i32
      %mul3A_38 = arith.constant 16 : i32
      %mul3A_39 = arith.muli %scan3A_18, %mul3A_38 : i32
      %add3A_40 = arith.addi %select_n3A, %mul3A_39 : i32
      %multiple_of3A_41 = tpu.assume_multiple %add3A_40, 8 : i32
      %mul3A_42 = arith.constant 64 : i32
      %mul3A_43 = arith.muli %multiple_of3A, %mul3A_42 : i32
      "tpu.region"() ({
        %run_scoped3A = tpu.sem_alloc : memref<!tpu.dma_semaphore, #tpu.memory_space<semaphore_mem>>
        %dma_start3A_150 = tpu.memref_slice %arg3[%mul3A_43] : memref<327680xi32, #tpu.memory_space<hbm>> -> memref<2048xi32, #tpu.memory_space<hbm>>
        %dma_start3A_151 = tpu.memref_slice %arg3[%mul3A_43] : memref<327680xi32, #tpu.memory_space<hbm>> -> memref<2048xi32, #tpu.memory_space<hbm>>
        tpu.enqueue_dma source(%dma_start3A_151 : memref<2048xi32, #tpu.memory_space<hbm>>) target(%arg8 : memref<2048xi32, #tpu.memory_space<vmem>>) target_semaphore(%run_scoped3A : memref<!tpu.dma_semaphore, #tpu.memory_space<semaphore_mem>>)
        %dma_wait3A_152 = tpu.memref_slice %arg3[%mul3A_43] : memref<327680xi32, #tpu.memory_space<hbm>> -> memref<2048xi32, #tpu.memory_space<hbm>>
        %dma_wait3A_153 = tpu.memref_slice %arg3[%mul3A_43] : memref<327680xi32, #tpu.memory_space<hbm>> -> memref<2048xi32, #tpu.memory_space<hbm>>
        tpu.wait_dma2 semaphore(%run_scoped3A : memref<!tpu.dma_semaphore, #tpu.memory_space<semaphore_mem>>) src(%dma_wait3A_153 : memref<2048xi32, #tpu.memory_space<hbm>>) dst(%arg8 : memref<2048xi32, #tpu.memory_space<vmem>>)
        tpu.yield
      }) : () -> ()
      "tpu.region"() ({
        %run_scoped3A = tpu.sem_alloc : memref<!tpu.dma_semaphore, #tpu.memory_space<semaphore_mem>>
        %dma_start3A_150 = arith.constant 0 : i32
        %dma_start3A_151 = tpu.memref_slice %arg4[%multiple_of3A_41, %dma_start3A_150] : memref<2560x128xi32, #tpu.memory_space<hbm>> -> memref<16x128xi32, #tpu.memory_space<hbm>>
        %dma_start3A_152 = arith.constant 0 : i32
        %dma_start3A_153 = tpu.memref_slice %arg4[%multiple_of3A_41, %dma_start3A_152] : memref<2560x128xi32, #tpu.memory_space<hbm>> -> memref<16x128xi32, #tpu.memory_space<hbm>>
        tpu.enqueue_dma source(%dma_start3A_153 : memref<16x128xi32, #tpu.memory_space<hbm>>) target(%arg9 : memref<16x128xi32, #tpu.memory_space<vmem>>) target_semaphore(%run_scoped3A : memref<!tpu.dma_semaphore, #tpu.memory_space<semaphore_mem>>)
        %dma_wait3A_154 = arith.constant 0 : i32
        %dma_wait3A_155 = tpu.memref_slice %arg4[%multiple_of3A_41, %dma_wait3A_154] : memref<2560x128xi32, #tpu.memory_space<hbm>> -> memref<16x128xi32, #tpu.memory_space<hbm>>
        %dma_wait3A_156 = arith.constant 0 : i32
        %dma_wait3A_157 = tpu.memref_slice %arg4[%multiple_of3A_41, %dma_wait3A_156] : memref<2560x128xi32, #tpu.memory_space<hbm>> -> memref<16x128xi32, #tpu.memory_space<hbm>>
        tpu.wait_dma2 semaphore(%run_scoped3A : memref<!tpu.dma_semaphore, #tpu.memory_space<semaphore_mem>>) src(%dma_wait3A_157 : memref<16x128xi32, #tpu.memory_space<hbm>>) dst(%arg9 : memref<16x128xi32, #tpu.memory_space<vmem>>)
        tpu.yield
      }) : () -> ()
      %scan3A_44 = arith.constant 0 : i32
      %scan3A_45 = arith.constant 0 : i32
      %scan3A_46 = arith.constant 16 : i32
      %scan3A_47 = arith.addi %scan3A_45, %scan3A_46 : i32
      %scan3A_48 = arith.constant 1 : i32
      scf.for %scan3A_150 = %scan3A_45 to %scan3A_47 step %scan3A_48  : i32 {
        %get3A = arith.index_cast %scan3A_150 : i32 to index
        %get3A_151 = arith.constant 0 : index
        %get3A_152 = tpu.vector_load %arg9[%get3A, %get3A_151] {strides = array<i32>} : memref<16x128xi32, #tpu.memory_space<vmem>>, vector<1x16xi32>,
        %get3A_153 = vector.shape_cast %get3A_152 : vector<1x16xi32> to vector<16xi32>
        %mul3A_154 = arith.constant 2 : i32
        %mul3A_155 = arith.muli %mul3A_154, %scan3A_150 : i32
        %add3A_156 = arith.constant 0 : i32
        %add3A_157 = arith.addi %mul3A_155, %add3A_156 : i32
        %swap3A = arith.index_cast %add3A_157 : i32 to index
        %swap3A_158 = arith.constant 0 : index
        %swap3A_159 = tpu.vector_load %arg10[%swap3A, %swap3A_158] {strides = array<i32>} : memref<32x64xi32, #tpu.memory_space<vmem>>, vector<1x16xi32>,
        %swap3A_160 = vector.shape_cast %swap3A_159 : vector<1x16xi32> to vector<16xi32>
        %swap3A_161 = vector.shape_cast %get3A_153 : vector<16xi32> to vector<1x16xi32>
        tpu.vector_store %arg10[%swap3A, %swap3A_158], %swap3A_161 {strides = array<i32>} : memref<32x64xi32, #tpu.memory_space<vmem>>, vector<1x16xi32>,
        %get3A_162 = arith.index_cast %scan3A_150 : i32 to index
        %get3A_163 = arith.constant 16 : index
        %get3A_164 = tpu.vector_load %arg9[%get3A_162, %get3A_163] {strides = array<i32>} : memref<16x128xi32, #tpu.memory_space<vmem>>, vector<1x16xi32>,
        %get3A_165 = vector.shape_cast %get3A_164 : vector<1x16xi32> to vector<16xi32>
        %mul3A_166 = arith.constant 2 : i32
        %mul3A_167 = arith.muli %mul3A_166, %scan3A_150 : i32
        %add3A_168 = arith.constant 0 : i32
        %add3A_169 = arith.addi %mul3A_167, %add3A_168 : i32
        %swap3A_170 = arith.index_cast %add3A_169 : i32 to index
        %swap3A_171 = arith.constant 16 : index
        %swap3A_172 = tpu.vector_load %arg10[%swap3A_170, %swap3A_171] {strides = array<i32>} : memref<32x64xi32, #tpu.memory_space<vmem>>, vector<1x16xi32>,
        %swap3A_173 = vector.shape_cast %swap3A_172 : vector<1x16xi32> to vector<16xi32>
        %swap3A_174 = vector.shape_cast %get3A_165 : vector<16xi32> to vector<1x16xi32>
        tpu.vector_store %arg10[%swap3A_170, %swap3A_171], %swap3A_174 {strides = array<i32>} : memref<32x64xi32, #tpu.memory_space<vmem>>, vector<1x16xi32>,
        %get3A_175 = arith.index_cast %scan3A_150 : i32 to index
        %get3A_176 = arith.constant 32 : index
        %get3A_177 = tpu.vector_load %arg9[%get3A_175, %get3A_176] {strides = array<i32>} : memref<16x128xi32, #tpu.memory_space<vmem>>, vector<1x16xi32>,
        %get3A_178 = vector.shape_cast %get3A_177 : vector<1x16xi32> to vector<16xi32>
        %mul3A_179 = arith.constant 2 : i32
        %mul3A_180 = arith.muli %mul3A_179, %scan3A_150 : i32
        %add3A_181 = arith.constant 0 : i32
        %add3A_182 = arith.addi %mul3A_180, %add3A_181 : i32
        %swap3A_183 = arith.index_cast %add3A_182 : i32 to index
        %swap3A_184 = arith.constant 32 : index
        %swap3A_185 = tpu.vector_load %arg10[%swap3A_183, %swap3A_184] {strides = array<i32>} : memref<32x64xi32, #tpu.memory_space<vmem>>, vector<1x16xi32>,
        %swap3A_186 = vector.shape_cast %swap3A_185 : vector<1x16xi32> to vector<16xi32>
        %swap3A_187 = vector.shape_cast %get3A_178 : vector<16xi32> to vector<1x16xi32>
        tpu.vector_store %arg10[%swap3A_183, %swap3A_184], %swap3A_187 {strides = array<i32>} : memref<32x64xi32, #tpu.memory_space<vmem>>, vector<1x16xi32>,
        %get3A_188 = arith.index_cast %scan3A_150 : i32 to index
        %get3A_189 = arith.constant 48 : index
        %get3A_190 = tpu.vector_load %arg9[%get3A_188, %get3A_189] {strides = array<i32>} : memref<16x128xi32, #tpu.memory_space<vmem>>, vector<1x16xi32>,
        %get3A_191 = vector.shape_cast %get3A_190 : vector<1x16xi32> to vector<16xi32>
        %mul3A_192 = arith.constant 2 : i32
        %mul3A_193 = arith.muli %mul3A_192, %scan3A_150 : i32
        %add3A_194 = arith.constant 0 : i32
        %add3A_195 = arith.addi %mul3A_193, %add3A_194 : i32
        %swap3A_196 = arith.index_cast %add3A_195 : i32 to index
        %swap3A_197 = arith.constant 48 : index
        %swap3A_198 = tpu.vector_load %arg10[%swap3A_196, %swap3A_197] {strides = array<i32>} : memref<32x64xi32, #tpu.memory_space<vmem>>, vector<1x16xi32>,
        %swap3A_199 = vector.shape_cast %swap3A_198 : vector<1x16xi32> to vector<16xi32>
        %swap3A_200 = vector.shape_cast %get3A_191 : vector<16xi32> to vector<1x16xi32>
        tpu.vector_store %arg10[%swap3A_196, %swap3A_197], %swap3A_200 {strides = array<i32>} : memref<32x64xi32, #tpu.memory_space<vmem>>, vector<1x16xi32>,
        %get3A_201 = arith.index_cast %scan3A_150 : i32 to index
        %get3A_202 = arith.constant 64 : index
        %get3A_203 = tpu.vector_load %arg9[%get3A_201, %get3A_202] {strides = array<i32>} : memref<16x128xi32, #tpu.memory_space<vmem>>, vector<1x16xi32>,
        %get3A_204 = vector.shape_cast %get3A_203 : vector<1x16xi32> to vector<16xi32>
        %mul3A_205 = arith.constant 2 : i32
        %mul3A_206 = arith.muli %mul3A_205, %scan3A_150 : i32
        %add3A_207 = arith.constant 1 : i32
        %add3A_208 = arith.addi %mul3A_206, %add3A_207 : i32
        %swap3A_209 = arith.index_cast %add3A_208 : i32 to index
        %swap3A_210 = arith.constant 0 : index
        %swap3A_211 = tpu.vector_load %arg10[%swap3A_209, %swap3A_210] {strides = array<i32>} : memref<32x64xi32, #tpu.memory_space<vmem>>, vector<1x16xi32>,
        %swap3A_212 = vector.shape_cast %swap3A_211 : vector<1x16xi32> to vector<16xi32>
        %swap3A_213 = vector.shape_cast %get3A_204 : vector<16xi32> to vector<1x16xi32>
        tpu.vector_store %arg10[%swap3A_209, %swap3A_210], %swap3A_213 {strides = array<i32>} : memref<32x64xi32, #tpu.memory_space<vmem>>, vector<1x16xi32>,
        %get3A_214 = arith.index_cast %scan3A_150 : i32 to index
        %get3A_215 = arith.constant 80 : index
        %get3A_216 = tpu.vector_load %arg9[%get3A_214, %get3A_215] {strides = array<i32>} : memref<16x128xi32, #tpu.memory_space<vmem>>, vector<1x16xi32>,
        %get3A_217 = vector.shape_cast %get3A_216 : vector<1x16xi32> to vector<16xi32>
        %mul3A_218 = arith.constant 2 : i32
        %mul3A_219 = arith.muli %mul3A_218, %scan3A_150 : i32
        %add3A_220 = arith.constant 1 : i32
        %add3A_221 = arith.addi %mul3A_219, %add3A_220 : i32
        %swap3A_222 = arith.index_cast %add3A_221 : i32 to index
        %swap3A_223 = arith.constant 16 : index
        %swap3A_224 = tpu.vector_load %arg10[%swap3A_222, %swap3A_223] {strides = array<i32>} : memref<32x64xi32, #tpu.memory_space<vmem>>, vector<1x16xi32>,
        %swap3A_225 = vector.shape_cast %swap3A_224 : vector<1x16xi32> to vector<16xi32>
        %swap3A_226 = vector.shape_cast %get3A_217 : vector<16xi32> to vector<1x16xi32>
        tpu.vector_store %arg10[%swap3A_222, %swap3A_223], %swap3A_226 {strides = array<i32>} : memref<32x64xi32, #tpu.memory_space<vmem>>, vector<1x16xi32>,
        %get3A_227 = arith.index_cast %scan3A_150 : i32 to index
        %get3A_228 = arith.constant 96 : index
        %get3A_229 = tpu.vector_load %arg9[%get3A_227, %get3A_228] {strides = array<i32>} : memref<16x128xi32, #tpu.memory_space<vmem>>, vector<1x16xi32>,
        %get3A_230 = vector.shape_cast %get3A_229 : vector<1x16xi32> to vector<16xi32>
        %mul3A_231 = arith.constant 2 : i32
        %mul3A_232 = arith.muli %mul3A_231, %scan3A_150 : i32
        %add3A_233 = arith.constant 1 : i32
        %add3A_234 = arith.addi %mul3A_232, %add3A_233 : i32
        %swap3A_235 = arith.index_cast %add3A_234 : i32 to index
        %swap3A_236 = arith.constant 32 : index
        %swap3A_237 = tpu.vector_load %arg10[%swap3A_235, %swap3A_236] {strides = array<i32>} : memref<32x64xi32, #tpu.memory_space<vmem>>, vector<1x16xi32>,
        %swap3A_238 = vector.shape_cast %swap3A_237 : vector<1x16xi32> to vector<16xi32>
        %swap3A_239 = vector.shape_cast %get3A_230 : vector<16xi32> to vector<1x16xi32>
        tpu.vector_store %arg10[%swap3A_235, %swap3A_236], %swap3A_239 {strides = array<i32>} : memref<32x64xi32, #tpu.memory_space<vmem>>, vector<1x16xi32>,
        %get3A_240 = arith.index_cast %scan3A_150 : i32 to index
        %get3A_241 = arith.constant 112 : index
        %get3A_242 = tpu.vector_load %arg9[%get3A_240, %get3A_241] {strides = array<i32>} : memref<16x128xi32, #tpu.memory_space<vmem>>, vector<1x16xi32>,
        %get3A_243 = vector.shape_cast %get3A_242 : vector<1x16xi32> to vector<16xi32>
        %mul3A_244 = arith.constant 2 : i32
        %mul3A_245 = arith.muli %mul3A_244, %scan3A_150 : i32
        %add3A_246 = arith.constant 1 : i32
        %add3A_247 = arith.addi %mul3A_245, %add3A_246 : i32
        %swap3A_248 = arith.index_cast %add3A_247 : i32 to index
        %swap3A_249 = arith.constant 48 : index
        %swap3A_250 = tpu.vector_load %arg10[%swap3A_248, %swap3A_249] {strides = array<i32>} : memref<32x64xi32, #tpu.memory_space<vmem>>, vector<1x16xi32>,
        %swap3A_251 = vector.shape_cast %swap3A_250 : vector<1x16xi32> to vector<16xi32>
        %swap3A_252 = vector.shape_cast %get3A_243 : vector<16xi32> to vector<1x16xi32>
        tpu.vector_store %arg10[%swap3A_248, %swap3A_249], %swap3A_252 {strides = array<i32>} : memref<32x64xi32, #tpu.memory_space<vmem>>, vector<1x16xi32>,
      }
      %scan3A_49 = arith.constant 16 : i32
      %dma_start3A = arith.constant 0 : i32
      %dma_start3A_50 = tpu.memref_slice %arg8[%dma_start3A] : memref<2048xi32, #tpu.memory_space<vmem>> -> memref<64xi32, #tpu.memory_space<vmem>>
      %dma_start3A_51 = arith.constant 0 : i32
      %dma_start3A_52 = arith.constant 0 : i32
      %dma_start3A_53 = tpu.memref_slice %arg2[%dma_start3A_51, %dma_start3A_52] : memref<10240x128xf32, #tpu.memory_space<hbm>> -> memref<10240x128xf32, #tpu.memory_space<hbm>>
      tpu.enqueue_indirect_dma source(%dma_start3A_53 : memref<10240x128xf32, #tpu.memory_space<hbm>>) target(%arg11 : memref<64x128xf32, #tpu.memory_space<vmem>>) offsets(%dma_start3A_50 : memref<64xi32, #tpu.memory_space<vmem>>) semaphore(%arg15 : memref<!tpu.dma_semaphore, #tpu.memory_space<semaphore_mem>>)
      %dma_start3A_54 = arith.constant 64 : i32
      %dma_start3A_55 = tpu.memref_slice %arg8[%dma_start3A_54] : memref<2048xi32, #tpu.memory_space<vmem>> -> memref<64xi32, #tpu.memory_space<vmem>>
      %dma_start3A_56 = arith.constant 0 : i32
      %dma_start3A_57 = arith.constant 0 : i32
      %dma_start3A_58 = tpu.memref_slice %arg2[%dma_start3A_56, %dma_start3A_57] : memref<10240x128xf32, #tpu.memory_space<hbm>> -> memref<10240x128xf32, #tpu.memory_space<hbm>>
      tpu.enqueue_indirect_dma source(%dma_start3A_58 : memref<10240x128xf32, #tpu.memory_space<hbm>>) target(%arg12 : memref<64x128xf32, #tpu.memory_space<vmem>>) offsets(%dma_start3A_55 : memref<64xi32, #tpu.memory_space<vmem>>) semaphore(%arg17 : memref<!tpu.dma_semaphore, #tpu.memory_space<semaphore_mem>>)
      %dma_wait3A = arith.constant 0 : i32
      %dma_wait3A_59 = tpu.memref_slice %arg8[%dma_wait3A] : memref<2048xi32, #tpu.memory_space<vmem>> -> memref<64xi32, #tpu.memory_space<vmem>>
      %dma_wait3A_60 = arith.constant 0 : i32
      %dma_wait3A_61 = arith.constant 0 : i32
      %dma_wait3A_62 = tpu.memref_slice %arg2[%dma_wait3A_60, %dma_wait3A_61] : memref<10240x128xf32, #tpu.memory_space<hbm>> -> memref<10240x128xf32, #tpu.memory_space<hbm>>
      tpu.wait_indirect_dma semaphore(%arg15 : memref<!tpu.dma_semaphore, #tpu.memory_space<semaphore_mem>>) src(%dma_wait3A_62 : memref<10240x128xf32, #tpu.memory_space<hbm>>) dst(%arg11 : memref<64x128xf32, #tpu.memory_space<vmem>>)
      %dma_start3A_63 = arith.constant 0 : i32
      %dma_start3A_64 = arith.constant 0 : i32
      %dma_start3A_65 = tpu.memref_slice %arg10[%dma_start3A_63, %dma_start3A_64] : memref<32x64xi32, #tpu.memory_space<vmem>> -> memref<1x64xi32, #tpu.memory_space<vmem>>
      %dma_start3A_66 = tpu.memref_squeeze %dma_start3A_65 : memref<1x64xi32, #tpu.memory_space<vmem>> -> memref<64xi32, #tpu.memory_space<vmem>>
      %dma_start3A_67 = arith.constant 0 : i32
      %dma_start3A_68 = arith.constant 0 : i32
      %dma_start3A_69 = tpu.memref_slice %arg7[%dma_start3A_67, %dma_start3A_68] : memref<10240x128xf32, #tpu.memory_space<vmem_shared>> -> memref<10240x128xf32, #tpu.memory_space<vmem_shared>>
      tpu.enqueue_indirect_dma source(%arg11 : memref<64x128xf32, #tpu.memory_space<vmem>>) target(%dma_start3A_69 : memref<10240x128xf32, #tpu.memory_space<vmem_shared>>) offsets(%dma_start3A_66 : memref<64xi32, #tpu.memory_space<vmem>>) semaphore(%arg16 : memref<!tpu.dma_semaphore, #tpu.memory_space<semaphore_mem>>) {add = true}
      %dma_start3A_70 = arith.constant 128 : i32
      %dma_start3A_71 = tpu.memref_slice %arg8[%dma_start3A_70] : memref<2048xi32, #tpu.memory_space<vmem>> -> memref<64xi32, #tpu.memory_space<vmem>>
      %dma_start3A_72 = arith.constant 0 : i32
      %dma_start3A_73 = arith.constant 0 : i32
      %dma_start3A_74 = tpu.memref_slice %arg2[%dma_start3A_72, %dma_start3A_73] : memref<10240x128xf32, #tpu.memory_space<hbm>> -> memref<10240x128xf32, #tpu.memory_space<hbm>>
      tpu.enqueue_indirect_dma source(%dma_start3A_74 : memref<10240x128xf32, #tpu.memory_space<hbm>>) target(%arg13 : memref<64x128xf32, #tpu.memory_space<vmem>>) offsets(%dma_start3A_71 : memref<64xi32, #tpu.memory_space<vmem>>) semaphore(%arg19 : memref<!tpu.dma_semaphore, #tpu.memory_space<semaphore_mem>>)
      %dma_wait3A_75 = arith.constant 64 : i32
      %dma_wait3A_76 = tpu.memref_slice %arg8[%dma_wait3A_75] : memref<2048xi32, #tpu.memory_space<vmem>> -> memref<64xi32, #tpu.memory_space<vmem>>
      %dma_wait3A_77 = arith.constant 0 : i32
      %dma_wait3A_78 = arith.constant 0 : i32
      %dma_wait3A_79 = tpu.memref_slice %arg2[%dma_wait3A_77, %dma_wait3A_78] : memref<10240x128xf32, #tpu.memory_space<hbm>> -> memref<10240x128xf32, #tpu.memory_space<hbm>>
      tpu.wait_indirect_dma semaphore(%arg17 : memref<!tpu.dma_semaphore, #tpu.memory_space<semaphore_mem>>) src(%dma_wait3A_79 : memref<10240x128xf32, #tpu.memory_space<hbm>>) dst(%arg12 : memref<64x128xf32, #tpu.memory_space<vmem>>)
      %dma_start3A_80 = arith.constant 1 : i32
      %dma_start3A_81 = arith.constant 0 : i32
      %dma_start3A_82 = tpu.memref_slice %arg10[%dma_start3A_80, %dma_start3A_81] : memref<32x64xi32, #tpu.memory_space<vmem>> -> memref<1x64xi32, #tpu.memory_space<vmem>>
      %dma_start3A_83 = tpu.memref_squeeze %dma_start3A_82 : memref<1x64xi32, #tpu.memory_space<vmem>> -> memref<64xi32, #tpu.memory_space<vmem>>
      %dma_start3A_84 = arith.constant 0 : i32
      %dma_start3A_85 = arith.constant 0 : i32
      %dma_start3A_86 = tpu.memref_slice %arg7[%dma_start3A_84, %dma_start3A_85] : memref<10240x128xf32, #tpu.memory_space<vmem_shared>> -> memref<10240x128xf32, #tpu.memory_space<vmem_shared>>
      tpu.enqueue_indirect_dma source(%arg12 : memref<64x128xf32, #tpu.memory_space<vmem>>) target(%dma_start3A_86 : memref<10240x128xf32, #tpu.memory_space<vmem_shared>>) offsets(%dma_start3A_83 : memref<64xi32, #tpu.memory_space<vmem>>) semaphore(%arg18 : memref<!tpu.dma_semaphore, #tpu.memory_space<semaphore_mem>>) {add = true}
      %dma_start3A_87 = arith.constant 192 : i32
      %dma_start3A_88 = tpu.memref_slice %arg8[%dma_start3A_87] : memref<2048xi32, #tpu.memory_space<vmem>> -> memref<64xi32, #tpu.memory_space<vmem>>
      %dma_start3A_89 = arith.constant 0 : i32
      %dma_start3A_90 = arith.constant 0 : i32
      %dma_start3A_91 = tpu.memref_slice %arg2[%dma_start3A_89, %dma_start3A_90] : memref<10240x128xf32, #tpu.memory_space<hbm>> -> memref<10240x128xf32, #tpu.memory_space<hbm>>
      tpu.enqueue_indirect_dma source(%dma_start3A_91 : memref<10240x128xf32, #tpu.memory_space<hbm>>) target(%arg14 : memref<64x128xf32, #tpu.memory_space<vmem>>) offsets(%dma_start3A_88 : memref<64xi32, #tpu.memory_space<vmem>>) semaphore(%arg21 : memref<!tpu.dma_semaphore, #tpu.memory_space<semaphore_mem>>)
      %scan3A_92 = arith.constant 0 : i32
      %scan3A_93 = arith.constant 0 : i32
      %scan3A_94 = arith.constant 7 : i32
      %scan3A_95 = arith.addi %scan3A_93, %scan3A_94 : i32
      %scan3A_96 = arith.constant 1 : i32
      scf.for %scan3A_150 = %scan3A_93 to %scan3A_95 step %scan3A_96  : i32 {
        %mul3A_151 = arith.constant 4 : i32
        %mul3A_152 = arith.muli %mul3A_151, %scan3A_150 : i32
        %add3A_153 = arith.constant 0 : i32
        %add3A_154 = arith.addi %mul3A_152, %add3A_153 : i32
        %add3A_155 = arith.constant 2 : i32
        %add3A_156 = arith.addi %add3A_154, %add3A_155 : i32
        %mul3A_157 = arith.constant 64 : i32
        %mul3A_158 = arith.muli %add3A_156, %mul3A_157 : i32
        %dma_wait3A_159 = tpu.memref_slice %arg8[%mul3A_158] : memref<2048xi32, #tpu.memory_space<vmem>> -> memref<64xi32, #tpu.memory_space<vmem>>
        %dma_wait3A_160 = arith.constant 0 : i32
        %dma_wait3A_161 = arith.constant 0 : i32
        %dma_wait3A_162 = tpu.memref_slice %arg2[%dma_wait3A_160, %dma_wait3A_161] : memref<10240x128xf32, #tpu.memory_space<hbm>> -> memref<10240x128xf32, #tpu.memory_space<hbm>>
        tpu.wait_indirect_dma semaphore(%arg19 : memref<!tpu.dma_semaphore, #tpu.memory_space<semaphore_mem>>) src(%dma_wait3A_162 : memref<10240x128xf32, #tpu.memory_space<hbm>>) dst(%arg13 : memref<64x128xf32, #tpu.memory_space<vmem>>)
        %add3A_163 = arith.constant 0 : i32
        %add3A_164 = arith.addi %mul3A_152, %add3A_163 : i32
        %add3A_165 = arith.constant 2 : i32
        %add3A_166 = arith.addi %add3A_164, %add3A_165 : i32
        %dma_start3A_167 = arith.constant 0 : i32
        %dma_start3A_168 = tpu.memref_slice %arg10[%add3A_166, %dma_start3A_167] : memref<32x64xi32, #tpu.memory_space<vmem>> -> memref<1x64xi32, #tpu.memory_space<vmem>>
        %dma_start3A_169 = tpu.memref_squeeze %dma_start3A_168 : memref<1x64xi32, #tpu.memory_space<vmem>> -> memref<64xi32, #tpu.memory_space<vmem>>
        %dma_start3A_170 = arith.constant 0 : i32
        %dma_start3A_171 = arith.constant 0 : i32
        %dma_start3A_172 = tpu.memref_slice %arg7[%dma_start3A_170, %dma_start3A_171] : memref<10240x128xf32, #tpu.memory_space<vmem_shared>> -> memref<10240x128xf32, #tpu.memory_space<vmem_shared>>
        tpu.enqueue_indirect_dma source(%arg13 : memref<64x128xf32, #tpu.memory_space<vmem>>) target(%dma_start3A_172 : memref<10240x128xf32, #tpu.memory_space<vmem_shared>>) offsets(%dma_start3A_169 : memref<64xi32, #tpu.memory_space<vmem>>) semaphore(%arg20 : memref<!tpu.dma_semaphore, #tpu.memory_space<semaphore_mem>>) {add = true}
        %add3A_173 = arith.constant 0 : i32
        %add3A_174 = arith.addi %mul3A_152, %add3A_173 : i32
        %dma_wait3A_175 = arith.constant 0 : i32
        %dma_wait3A_176 = tpu.memref_slice %arg10[%add3A_174, %dma_wait3A_175] : memref<32x64xi32, #tpu.memory_space<vmem>> -> memref<1x64xi32, #tpu.memory_space<vmem>>
        %dma_wait3A_177 = tpu.memref_squeeze %dma_wait3A_176 : memref<1x64xi32, #tpu.memory_space<vmem>> -> memref<64xi32, #tpu.memory_space<vmem>>
        %dma_wait3A_178 = arith.constant 0 : i32
        %dma_wait3A_179 = arith.constant 0 : i32
        %dma_wait3A_180 = tpu.memref_slice %arg7[%dma_wait3A_178, %dma_wait3A_179] : memref<10240x128xf32, #tpu.memory_space<vmem_shared>> -> memref<10240x128xf32, #tpu.memory_space<vmem_shared>>
        tpu.wait_indirect_dma semaphore(%arg16 : memref<!tpu.dma_semaphore, #tpu.memory_space<semaphore_mem>>) src(%arg11 : memref<64x128xf32, #tpu.memory_space<vmem>>) dst(%dma_wait3A_180 : memref<10240x128xf32, #tpu.memory_space<vmem_shared>>)
        %add3A_181 = arith.constant 0 : i32
        %add3A_182 = arith.addi %mul3A_152, %add3A_181 : i32
        %add3A_183 = arith.constant 4 : i32
        %add3A_184 = arith.addi %add3A_182, %add3A_183 : i32
        %mul3A_185 = arith.constant 64 : i32
        %mul3A_186 = arith.muli %add3A_184, %mul3A_185 : i32
        %dma_start3A_187 = tpu.memref_slice %arg8[%mul3A_186] : memref<2048xi32, #tpu.memory_space<vmem>> -> memref<64xi32, #tpu.memory_space<vmem>>
        %dma_start3A_188 = arith.constant 0 : i32
        %dma_start3A_189 = arith.constant 0 : i32
        %dma_start3A_190 = tpu.memref_slice %arg2[%dma_start3A_188, %dma_start3A_189] : memref<10240x128xf32, #tpu.memory_space<hbm>> -> memref<10240x128xf32, #tpu.memory_space<hbm>>
        tpu.enqueue_indirect_dma source(%dma_start3A_190 : memref<10240x128xf32, #tpu.memory_space<hbm>>) target(%arg11 : memref<64x128xf32, #tpu.memory_space<vmem>>) offsets(%dma_start3A_187 : memref<64xi32, #tpu.memory_space<vmem>>) semaphore(%arg15 : memref<!tpu.dma_semaphore, #tpu.memory_space<semaphore_mem>>)
        %add3A_191 = arith.constant 1 : i32
        %add3A_192 = arith.addi %mul3A_152, %add3A_191 : i32
        %add3A_193 = arith.constant 2 : i32
        %add3A_194 = arith.addi %add3A_192, %add3A_193 : i32
        %mul3A_195 = arith.constant 64 : i32
        %mul3A_196 = arith.muli %add3A_194, %mul3A_195 : i32
        %dma_wait3A_197 = tpu.memref_slice %arg8[%mul3A_196] : memref<2048xi32, #tpu.memory_space<vmem>> -> memref<64xi32, #tpu.memory_space<vmem>>
        %dma_wait3A_198 = arith.constant 0 : i32
        %dma_wait3A_199 = arith.constant 0 : i32
        %dma_wait3A_200 = tpu.memref_slice %arg2[%dma_wait3A_198, %dma_wait3A_199] : memref<10240x128xf32, #tpu.memory_space<hbm>> -> memref<10240x128xf32, #tpu.memory_space<hbm>>
        tpu.wait_indirect_dma semaphore(%arg21 : memref<!tpu.dma_semaphore, #tpu.memory_space<semaphore_mem>>) src(%dma_wait3A_200 : memref<10240x128xf32, #tpu.memory_space<hbm>>) dst(%arg14 : memref<64x128xf32, #tpu.memory_space<vmem>>)
        %add3A_201 = arith.constant 1 : i32
        %add3A_202 = arith.addi %mul3A_152, %add3A_201 : i32
        %add3A_203 = arith.constant 2 : i32
        %add3A_204 = arith.addi %add3A_202, %add3A_203 : i32
        %dma_start3A_205 = arith.constant 0 : i32
        %dma_start3A_206 = tpu.memref_slice %arg10[%add3A_204, %dma_start3A_205] : memref<32x64xi32, #tpu.memory_space<vmem>> -> memref<1x64xi32, #tpu.memory_space<vmem>>
        %dma_start3A_207 = tpu.memref_squeeze %dma_start3A_206 : memref<1x64xi32, #tpu.memory_space<vmem>> -> memref<64xi32, #tpu.memory_space<vmem>>
        %dma_start3A_208 = arith.constant 0 : i32
        %dma_start3A_209 = arith.constant 0 : i32
        %dma_start3A_210 = tpu.memref_slice %arg7[%dma_start3A_208, %dma_start3A_209] : memref<10240x128xf32, #tpu.memory_space<vmem_shared>> -> memref<10240x128xf32, #tpu.memory_space<vmem_shared>>
        tpu.enqueue_indirect_dma source(%arg14 : memref<64x128xf32, #tpu.memory_space<vmem>>) target(%dma_start3A_210 : memref<10240x128xf32, #tpu.memory_space<vmem_shared>>) offsets(%dma_start3A_207 : memref<64xi32, #tpu.memory_space<vmem>>) semaphore(%arg22 : memref<!tpu.dma_semaphore, #tpu.memory_space<semaphore_mem>>) {add = true}
        %add3A_211 = arith.constant 1 : i32
        %add3A_212 = arith.addi %mul3A_152, %add3A_211 : i32
        %dma_wait3A_213 = arith.constant 0 : i32
        %dma_wait3A_214 = tpu.memref_slice %arg10[%add3A_212, %dma_wait3A_213] : memref<32x64xi32, #tpu.memory_space<vmem>> -> memref<1x64xi32, #tpu.memory_space<vmem>>
        %dma_wait3A_215 = tpu.memref_squeeze %dma_wait3A_214 : memref<1x64xi32, #tpu.memory_space<vmem>> -> memref<64xi32, #tpu.memory_space<vmem>>
        %dma_wait3A_216 = arith.constant 0 : i32
        %dma_wait3A_217 = arith.constant 0 : i32
        %dma_wait3A_218 = tpu.memref_slice %arg7[%dma_wait3A_216, %dma_wait3A_217] : memref<10240x128xf32, #tpu.memory_space<vmem_shared>> -> memref<10240x128xf32, #tpu.memory_space<vmem_shared>>
        tpu.wait_indirect_dma semaphore(%arg18 : memref<!tpu.dma_semaphore, #tpu.memory_space<semaphore_mem>>) src(%arg12 : memref<64x128xf32, #tpu.memory_space<vmem>>) dst(%dma_wait3A_218 : memref<10240x128xf32, #tpu.memory_space<vmem_shared>>)
        %add3A_219 = arith.constant 1 : i32
        %add3A_220 = arith.addi %mul3A_152, %add3A_219 : i32
        %add3A_221 = arith.constant 4 : i32
        %add3A_222 = arith.addi %add3A_220, %add3A_221 : i32
        %mul3A_223 = arith.constant 64 : i32
        %mul3A_224 = arith.muli %add3A_222, %mul3A_223 : i32
        %dma_start3A_225 = tpu.memref_slice %arg8[%mul3A_224] : memref<2048xi32, #tpu.memory_space<vmem>> -> memref<64xi32, #tpu.memory_space<vmem>>
        %dma_start3A_226 = arith.constant 0 : i32
        %dma_start3A_227 = arith.constant 0 : i32
        %dma_start3A_228 = tpu.memref_slice %arg2[%dma_start3A_226, %dma_start3A_227] : memref<10240x128xf32, #tpu.memory_space<hbm>> -> memref<10240x128xf32, #tpu.memory_space<hbm>>
        tpu.enqueue_indirect_dma source(%dma_start3A_228 : memref<10240x128xf32, #tpu.memory_space<hbm>>) target(%arg12 : memref<64x128xf32, #tpu.memory_space<vmem>>) offsets(%dma_start3A_225 : memref<64xi32, #tpu.memory_space<vmem>>) semaphore(%arg17 : memref<!tpu.dma_semaphore, #tpu.memory_space<semaphore_mem>>)
        %add3A_229 = arith.constant 2 : i32
        %add3A_230 = arith.addi %mul3A_152, %add3A_229 : i32
        %add3A_231 = arith.constant 2 : i32
        %add3A_232 = arith.addi %add3A_230, %add3A_231 : i32
        %mul3A_233 = arith.constant 64 : i32
        %mul3A_234 = arith.muli %add3A_232, %mul3A_233 : i32
        %dma_wait3A_235 = tpu.memref_slice %arg8[%mul3A_234] : memref<2048xi32, #tpu.memory_space<vmem>> -> memref<64xi32, #tpu.memory_space<vmem>>
        %dma_wait3A_236 = arith.constant 0 : i32
        %dma_wait3A_237 = arith.constant 0 : i32
        %dma_wait3A_238 = tpu.memref_slice %arg2[%dma_wait3A_236, %dma_wait3A_237] : memref<10240x128xf32, #tpu.memory_space<hbm>> -> memref<10240x128xf32, #tpu.memory_space<hbm>>
        tpu.wait_indirect_dma semaphore(%arg15 : memref<!tpu.dma_semaphore, #tpu.memory_space<semaphore_mem>>) src(%dma_wait3A_238 : memref<10240x128xf32, #tpu.memory_space<hbm>>) dst(%arg11 : memref<64x128xf32, #tpu.memory_space<vmem>>)
        %add3A_239 = arith.constant 2 : i32
        %add3A_240 = arith.addi %mul3A_152, %add3A_239 : i32
        %add3A_241 = arith.constant 2 : i32
        %add3A_242 = arith.addi %add3A_240, %add3A_241 : i32
        %dma_start3A_243 = arith.constant 0 : i32
        %dma_start3A_244 = tpu.memref_slice %arg10[%add3A_242, %dma_start3A_243] : memref<32x64xi32, #tpu.memory_space<vmem>> -> memref<1x64xi32, #tpu.memory_space<vmem>>
        %dma_start3A_245 = tpu.memref_squeeze %dma_start3A_244 : memref<1x64xi32, #tpu.memory_space<vmem>> -> memref<64xi32, #tpu.memory_space<vmem>>
        %dma_start3A_246 = arith.constant 0 : i32
        %dma_start3A_247 = arith.constant 0 : i32
        %dma_start3A_248 = tpu.memref_slice %arg7[%dma_start3A_246, %dma_start3A_247] : memref<10240x128xf32, #tpu.memory_space<vmem_shared>> -> memref<10240x128xf32, #tpu.memory_space<vmem_shared>>
        tpu.enqueue_indirect_dma source(%arg11 : memref<64x128xf32, #tpu.memory_space<vmem>>) target(%dma_start3A_248 : memref<10240x128xf32, #tpu.memory_space<vmem_shared>>) offsets(%dma_start3A_245 : memref<64xi32, #tpu.memory_space<vmem>>) semaphore(%arg16 : memref<!tpu.dma_semaphore, #tpu.memory_space<semaphore_mem>>) {add = true}
        %add3A_249 = arith.constant 2 : i32
        %add3A_250 = arith.addi %mul3A_152, %add3A_249 : i32
        %dma_wait3A_251 = arith.constant 0 : i32
        %dma_wait3A_252 = tpu.memref_slice %arg10[%add3A_250, %dma_wait3A_251] : memref<32x64xi32, #tpu.memory_space<vmem>> -> memref<1x64xi32, #tpu.memory_space<vmem>>
        %dma_wait3A_253 = tpu.memref_squeeze %dma_wait3A_252 : memref<1x64xi32, #tpu.memory_space<vmem>> -> memref<64xi32, #tpu.memory_space<vmem>>
        %dma_wait3A_254 = arith.constant 0 : i32
        %dma_wait3A_255 = arith.constant 0 : i32
        %dma_wait3A_256 = tpu.memref_slice %arg7[%dma_wait3A_254, %dma_wait3A_255] : memref<10240x128xf32, #tpu.memory_space<vmem_shared>> -> memref<10240x128xf32, #tpu.memory_space<vmem_shared>>
        tpu.wait_indirect_dma semaphore(%arg20 : memref<!tpu.dma_semaphore, #tpu.memory_space<semaphore_mem>>) src(%arg13 : memref<64x128xf32, #tpu.memory_space<vmem>>) dst(%dma_wait3A_256 : memref<10240x128xf32, #tpu.memory_space<vmem_shared>>)
        %add3A_257 = arith.constant 2 : i32
        %add3A_258 = arith.addi %mul3A_152, %add3A_257 : i32
        %add3A_259 = arith.constant 4 : i32
        %add3A_260 = arith.addi %add3A_258, %add3A_259 : i32
        %mul3A_261 = arith.constant 64 : i32
        %mul3A_262 = arith.muli %add3A_260, %mul3A_261 : i32
        %dma_start3A_263 = tpu.memref_slice %arg8[%mul3A_262] : memref<2048xi32, #tpu.memory_space<vmem>> -> memref<64xi32, #tpu.memory_space<vmem>>
        %dma_start3A_264 = arith.constant 0 : i32
        %dma_start3A_265 = arith.constant 0 : i32
        %dma_start3A_266 = tpu.memref_slice %arg2[%dma_start3A_264, %dma_start3A_265] : memref<10240x128xf32, #tpu.memory_space<hbm>> -> memref<10240x128xf32, #tpu.memory_space<hbm>>
        tpu.enqueue_indirect_dma source(%dma_start3A_266 : memref<10240x128xf32, #tpu.memory_space<hbm>>) target(%arg13 : memref<64x128xf32, #tpu.memory_space<vmem>>) offsets(%dma_start3A_263 : memref<64xi32, #tpu.memory_space<vmem>>) semaphore(%arg19 : memref<!tpu.dma_semaphore, #tpu.memory_space<semaphore_mem>>)
        %add3A_267 = arith.constant 3 : i32
        %add3A_268 = arith.addi %mul3A_152, %add3A_267 : i32
        %add3A_269 = arith.constant 2 : i32
        %add3A_270 = arith.addi %add3A_268, %add3A_269 : i32
        %mul3A_271 = arith.constant 64 : i32
        %mul3A_272 = arith.muli %add3A_270, %mul3A_271 : i32
        %dma_wait3A_273 = tpu.memref_slice %arg8[%mul3A_272] : memref<2048xi32, #tpu.memory_space<vmem>> -> memref<64xi32, #tpu.memory_space<vmem>>
        %dma_wait3A_274 = arith.constant 0 : i32
        %dma_wait3A_275 = arith.constant 0 : i32
        %dma_wait3A_276 = tpu.memref_slice %arg2[%dma_wait3A_274, %dma_wait3A_275] : memref<10240x128xf32, #tpu.memory_space<hbm>> -> memref<10240x128xf32, #tpu.memory_space<hbm>>
        tpu.wait_indirect_dma semaphore(%arg17 : memref<!tpu.dma_semaphore, #tpu.memory_space<semaphore_mem>>) src(%dma_wait3A_276 : memref<10240x128xf32, #tpu.memory_space<hbm>>) dst(%arg12 : memref<64x128xf32, #tpu.memory_space<vmem>>)
        %add3A_277 = arith.constant 3 : i32
        %add3A_278 = arith.addi %mul3A_152, %add3A_277 : i32
        %add3A_279 = arith.constant 2 : i32
        %add3A_280 = arith.addi %add3A_278, %add3A_279 : i32
        %dma_start3A_281 = arith.constant 0 : i32
        %dma_start3A_282 = tpu.memref_slice %arg10[%add3A_280, %dma_start3A_281] : memref<32x64xi32, #tpu.memory_space<vmem>> -> memref<1x64xi32, #tpu.memory_space<vmem>>
        %dma_start3A_283 = tpu.memref_squeeze %dma_start3A_282 : memref<1x64xi32, #tpu.memory_space<vmem>> -> memref<64xi32, #tpu.memory_space<vmem>>
        %dma_start3A_284 = arith.constant 0 : i32
        %dma_start3A_285 = arith.constant 0 : i32
        %dma_start3A_286 = tpu.memref_slice %arg7[%dma_start3A_284, %dma_start3A_285] : memref<10240x128xf32, #tpu.memory_space<vmem_shared>> -> memref<10240x128xf32, #tpu.memory_space<vmem_shared>>
        tpu.enqueue_indirect_dma source(%arg12 : memref<64x128xf32, #tpu.memory_space<vmem>>) target(%dma_start3A_286 : memref<10240x128xf32, #tpu.memory_space<vmem_shared>>) offsets(%dma_start3A_283 : memref<64xi32, #tpu.memory_space<vmem>>) semaphore(%arg18 : memref<!tpu.dma_semaphore, #tpu.memory_space<semaphore_mem>>) {add = true}
        %add3A_287 = arith.constant 3 : i32
        %add3A_288 = arith.addi %mul3A_152, %add3A_287 : i32
        %dma_wait3A_289 = arith.constant 0 : i32
        %dma_wait3A_290 = tpu.memref_slice %arg10[%add3A_288, %dma_wait3A_289] : memref<32x64xi32, #tpu.memory_space<vmem>> -> memref<1x64xi32, #tpu.memory_space<vmem>>
        %dma_wait3A_291 = tpu.memref_squeeze %dma_wait3A_290 : memref<1x64xi32, #tpu.memory_space<vmem>> -> memref<64xi32, #tpu.memory_space<vmem>>
        %dma_wait3A_292 = arith.constant 0 : i32
        %dma_wait3A_293 = arith.constant 0 : i32
        %dma_wait3A_294 = tpu.memref_slice %arg7[%dma_wait3A_292, %dma_wait3A_293] : memref<10240x128xf32, #tpu.memory_space<vmem_shared>> -> memref<10240x128xf32, #tpu.memory_space<vmem_shared>>
        tpu.wait_indirect_dma semaphore(%arg22 : memref<!tpu.dma_semaphore, #tpu.memory_space<semaphore_mem>>) src(%arg14 : memref<64x128xf32, #tpu.memory_space<vmem>>) dst(%dma_wait3A_294 : memref<10240x128xf32, #tpu.memory_space<vmem_shared>>)
        %add3A_295 = arith.constant 3 : i32
        %add3A_296 = arith.addi %mul3A_152, %add3A_295 : i32
        %add3A_297 = arith.constant 4 : i32
        %add3A_298 = arith.addi %add3A_296, %add3A_297 : i32
        %mul3A_299 = arith.constant 64 : i32
        %mul3A_300 = arith.muli %add3A_298, %mul3A_299 : i32
        %dma_start3A_301 = tpu.memref_slice %arg8[%mul3A_300] : memref<2048xi32, #tpu.memory_space<vmem>> -> memref<64xi32, #tpu.memory_space<vmem>>
        %dma_start3A_302 = arith.constant 0 : i32
        %dma_start3A_303 = arith.constant 0 : i32
        %dma_start3A_304 = tpu.memref_slice %arg2[%dma_start3A_302, %dma_start3A_303] : memref<10240x128xf32, #tpu.memory_space<hbm>> -> memref<10240x128xf32, #tpu.memory_space<hbm>>
        tpu.enqueue_indirect_dma source(%dma_start3A_304 : memref<10240x128xf32, #tpu.memory_space<hbm>>) target(%arg14 : memref<64x128xf32, #tpu.memory_space<vmem>>) offsets(%dma_start3A_301 : memref<64xi32, #tpu.memory_space<vmem>>) semaphore(%arg21 : memref<!tpu.dma_semaphore, #tpu.memory_space<semaphore_mem>>)
      }
      %scan3A_97 = arith.constant 7 : i32
      %dma_wait3A_98 = arith.constant 28 : i32
      %dma_wait3A_99 = arith.constant 0 : i32
      %dma_wait3A_100 = tpu.memref_slice %arg10[%dma_wait3A_98, %dma_wait3A_99] : memref<32x64xi32, #tpu.memory_space<vmem>> -> memref<1x64xi32, #tpu.memory_space<vmem>>
      %dma_wait3A_101 = tpu.memref_squeeze %dma_wait3A_100 : memref<1x64xi32, #tpu.memory_space<vmem>> -> memref<64xi32, #tpu.memory_space<vmem>>
      %dma_wait3A_102 = arith.constant 0 : i32
      %dma_wait3A_103 = arith.constant 0 : i32
      %dma_wait3A_104 = tpu.memref_slice %arg7[%dma_wait3A_102, %dma_wait3A_103] : memref<10240x128xf32, #tpu.memory_space<vmem_shared>> -> memref<10240x128xf32, #tpu.memory_space<vmem_shared>>
      tpu.wait_indirect_dma semaphore(%arg16 : memref<!tpu.dma_semaphore, #tpu.memory_space<semaphore_mem>>) src(%arg11 : memref<64x128xf32, #tpu.memory_space<vmem>>) dst(%dma_wait3A_104 : memref<10240x128xf32, #tpu.memory_space<vmem_shared>>)
      %dma_wait3A_105 = arith.constant 1920 : i32
      %dma_wait3A_106 = tpu.memref_slice %arg8[%dma_wait3A_105] : memref<2048xi32, #tpu.memory_space<vmem>> -> memref<64xi32, #tpu.memory_space<vmem>>
      %dma_wait3A_107 = arith.constant 0 : i32
      %dma_wait3A_108 = arith.constant 0 : i32
      %dma_wait3A_109 = tpu.memref_slice %arg2[%dma_wait3A_107, %dma_wait3A_108] : memref<10240x128xf32, #tpu.memory_space<hbm>> -> memref<10240x128xf32, #tpu.memory_space<hbm>>
      tpu.wait_indirect_dma semaphore(%arg19 : memref<!tpu.dma_semaphore, #tpu.memory_space<semaphore_mem>>) src(%dma_wait3A_109 : memref<10240x128xf32, #tpu.memory_space<hbm>>) dst(%arg13 : memref<64x128xf32, #tpu.memory_space<vmem>>)
      %dma_start3A_110 = arith.constant 30 : i32
      %dma_start3A_111 = arith.constant 0 : i32
      %dma_start3A_112 = tpu.memref_slice %arg10[%dma_start3A_110, %dma_start3A_111] : memref<32x64xi32, #tpu.memory_space<vmem>> -> memref<1x64xi32, #tpu.memory_space<vmem>>
      %dma_start3A_113 = tpu.memref_squeeze %dma_start3A_112 : memref<1x64xi32, #tpu.memory_space<vmem>> -> memref<64xi32, #tpu.memory_space<vmem>>
      %dma_start3A_114 = arith.constant 0 : i32
      %dma_start3A_115 = arith.constant 0 : i32
      %dma_start3A_116 = tpu.memref_slice %arg7[%dma_start3A_114, %dma_start3A_115] : memref<10240x128xf32, #tpu.memory_space<vmem_shared>> -> memref<10240x128xf32, #tpu.memory_space<vmem_shared>>
      tpu.enqueue_indirect_dma source(%arg13 : memref<64x128xf32, #tpu.memory_space<vmem>>) target(%dma_start3A_116 : memref<10240x128xf32, #tpu.memory_space<vmem_shared>>) offsets(%dma_start3A_113 : memref<64xi32, #tpu.memory_space<vmem>>) semaphore(%arg20 : memref<!tpu.dma_semaphore, #tpu.memory_space<semaphore_mem>>) {add = true}
      %dma_wait3A_117 = arith.constant 29 : i32
      %dma_wait3A_118 = arith.constant 0 : i32
      %dma_wait3A_119 = tpu.memref_slice %arg10[%dma_wait3A_117, %dma_wait3A_118] : memref<32x64xi32, #tpu.memory_space<vmem>> -> memref<1x64xi32, #tpu.memory_space<vmem>>
      %dma_wait3A_120 = tpu.memref_squeeze %dma_wait3A_119 : memref<1x64xi32, #tpu.memory_space<vmem>> -> memref<64xi32, #tpu.memory_space<vmem>>
      %dma_wait3A_121 = arith.constant 0 : i32
      %dma_wait3A_122 = arith.constant 0 : i32
      %dma_wait3A_123 = tpu.memref_slice %arg7[%dma_wait3A_121, %dma_wait3A_122] : memref<10240x128xf32, #tpu.memory_space<vmem_shared>> -> memref<10240x128xf32, #tpu.memory_space<vmem_shared>>
      tpu.wait_indirect_dma semaphore(%arg18 : memref<!tpu.dma_semaphore, #tpu.memory_space<semaphore_mem>>) src(%arg12 : memref<64x128xf32, #tpu.memory_space<vmem>>) dst(%dma_wait3A_123 : memref<10240x128xf32, #tpu.memory_space<vmem_shared>>)
      %dma_wait3A_124 = arith.constant 1984 : i32
      %dma_wait3A_125 = tpu.memref_slice %arg8[%dma_wait3A_124] : memref<2048xi32, #tpu.memory_space<vmem>> -> memref<64xi32, #tpu.memory_space<vmem>>
      %dma_wait3A_126 = arith.constant 0 : i32
      %dma_wait3A_127 = arith.constant 0 : i32
      %dma_wait3A_128 = tpu.memref_slice %arg2[%dma_wait3A_126, %dma_wait3A_127] : memref<10240x128xf32, #tpu.memory_space<hbm>> -> memref<10240x128xf32, #tpu.memory_space<hbm>>
      tpu.wait_indirect_dma semaphore(%arg21 : memref<!tpu.dma_semaphore, #tpu.memory_space<semaphore_mem>>) src(%dma_wait3A_128 : memref<10240x128xf32, #tpu.memory_space<hbm>>) dst(%arg14 : memref<64x128xf32, #tpu.memory_space<vmem>>)
      %dma_start3A_129 = arith.constant 31 : i32
      %dma_start3A_130 = arith.constant 0 : i32
      %dma_start3A_131 = tpu.memref_slice %arg10[%dma_start3A_129, %dma_start3A_130] : memref<32x64xi32, #tpu.memory_space<vmem>> -> memref<1x64xi32, #tpu.memory_space<vmem>>
      %dma_start3A_132 = tpu.memref_squeeze %dma_start3A_131 : memref<1x64xi32, #tpu.memory_space<vmem>> -> memref<64xi32, #tpu.memory_space<vmem>>
      %dma_start3A_133 = arith.constant 0 : i32
      %dma_start3A_134 = arith.constant 0 : i32
      %dma_start3A_135 = tpu.memref_slice %arg7[%dma_start3A_133, %dma_start3A_134] : memref<10240x128xf32, #tpu.memory_space<vmem_shared>> -> memref<10240x128xf32, #tpu.memory_space<vmem_shared>>
      tpu.enqueue_indirect_dma source(%arg14 : memref<64x128xf32, #tpu.memory_space<vmem>>) target(%dma_start3A_135 : memref<10240x128xf32, #tpu.memory_space<vmem_shared>>) offsets(%dma_start3A_132 : memref<64xi32, #tpu.memory_space<vmem>>) semaphore(%arg22 : memref<!tpu.dma_semaphore, #tpu.memory_space<semaphore_mem>>) {add = true}
      %dma_wait3A_136 = arith.constant 30 : i32
      %dma_wait3A_137 = arith.constant 0 : i32
      %dma_wait3A_138 = tpu.memref_slice %arg10[%dma_wait3A_136, %dma_wait3A_137] : memref<32x64xi32, #tpu.memory_space<vmem>> -> memref<1x64xi32, #tpu.memory_space<vmem>>
      %dma_wait3A_139 = tpu.memref_squeeze %dma_wait3A_138 : memref<1x64xi32, #tpu.memory_space<vmem>> -> memref<64xi32, #tpu.memory_space<vmem>>
      %dma_wait3A_140 = arith.constant 0 : i32
      %dma_wait3A_141 = arith.constant 0 : i32
      %dma_wait3A_142 = tpu.memref_slice %arg7[%dma_wait3A_140, %dma_wait3A_141] : memref<10240x128xf32, #tpu.memory_space<vmem_shared>> -> memref<10240x128xf32, #tpu.memory_space<vmem_shared>>
      tpu.wait_indirect_dma semaphore(%arg20 : memref<!tpu.dma_semaphore, #tpu.memory_space<semaphore_mem>>) src(%arg13 : memref<64x128xf32, #tpu.memory_space<vmem>>) dst(%dma_wait3A_142 : memref<10240x128xf32, #tpu.memory_space<vmem_shared>>)
      %dma_wait3A_143 = arith.constant 31 : i32
      %dma_wait3A_144 = arith.constant 0 : i32
      %dma_wait3A_145 = tpu.memref_slice %arg10[%dma_wait3A_143, %dma_wait3A_144] : memref<32x64xi32, #tpu.memory_space<vmem>> -> memref<1x64xi32, #tpu.memory_space<vmem>>
      %dma_wait3A_146 = tpu.memref_squeeze %dma_wait3A_145 : memref<1x64xi32, #tpu.memory_space<vmem>> -> memref<64xi32, #tpu.memory_space<vmem>>
      %dma_wait3A_147 = arith.constant 0 : i32
      %dma_wait3A_148 = arith.constant 0 : i32
      %dma_wait3A_149 = tpu.memref_slice %arg7[%dma_wait3A_147, %dma_wait3A_148] : memref<10240x128xf32, #tpu.memory_space<vmem_shared>> -> memref<10240x128xf32, #tpu.memory_space<vmem_shared>>
      tpu.wait_indirect_dma semaphore(%arg22 : memref<!tpu.dma_semaphore, #tpu.memory_space<semaphore_mem>>) src(%arg14 : memref<64x128xf32, #tpu.memory_space<vmem>>) dst(%dma_wait3A_149 : memref<10240x128xf32, #tpu.memory_space<vmem_shared>>)
    }
    %scan3A_9 = arith.constant 5 : i32
    %barrier3A_10 = arith.constant 0 : index
    tpu.barrier barrier_id(%barrier3A_10)
    %eq3A = arith.constant 0 : i32
    %eq3A_11 = arith.cmpi eq, %arg0, %eq3A : i32
    %convert_element_type3A = arith.extui %eq3A_11 : i1 to i32
    %cond3A = arith.constant 0 : i32
    %cond3A_12 = arith.cmpi ne, %convert_element_type3A, %cond3A : i32
    scf.if %cond3A_12 {
      "tpu.region"() ({
        %run_scoped3A = tpu.sem_alloc : memref<!tpu.dma_semaphore, #tpu.memory_space<semaphore_mem>>
        %dma_start3A = arith.constant 0 : i32
        %dma_start3A_18 = tpu.memref_slice %arg5[%mul3A_0, %dma_start3A] : memref<10240x128xf32, #tpu.memory_space<hbm>> -> memref<640x128xf32, #tpu.memory_space<hbm>>
        %dma_start3A_19 = arith.constant 0 : i32
        %dma_start3A_20 = tpu.memref_slice %arg7[%mul3A_0, %dma_start3A_19] : memref<10240x128xf32, #tpu.memory_space<vmem_shared>> -> memref<640x128xf32, #tpu.memory_space<vmem_shared>>
        tpu.enqueue_dma source(%dma_start3A_20 : memref<640x128xf32, #tpu.memory_space<vmem_shared>>) target(%dma_start3A_18 : memref<640x128xf32, #tpu.memory_space<hbm>>) target_semaphore(%run_scoped3A : memref<!tpu.dma_semaphore, #tpu.memory_space<semaphore_mem>>)
        %dma_wait3A = arith.constant 0 : i32
        %dma_wait3A_21 = tpu.memref_slice %arg5[%mul3A_0, %dma_wait3A] : memref<10240x128xf32, #tpu.memory_space<hbm>> -> memref<640x128xf32, #tpu.memory_space<hbm>>
        %dma_wait3A_22 = arith.constant 0 : i32
        %dma_wait3A_23 = tpu.memref_slice %arg7[%mul3A_0, %dma_wait3A_22] : memref<10240x128xf32, #tpu.memory_space<vmem_shared>> -> memref<640x128xf32, #tpu.memory_space<vmem_shared>>
        tpu.wait_dma2 semaphore(%run_scoped3A : memref<!tpu.dma_semaphore, #tpu.memory_space<semaphore_mem>>) src(%dma_wait3A_23 : memref<640x128xf32, #tpu.memory_space<vmem_shared>>) dst(%dma_wait3A_21 : memref<640x128xf32, #tpu.memory_space<hbm>>)
        tpu.yield
      }) : () -> ()
    } else {
    }
    %eq3A_13 = arith.constant 1 : i32
    %eq3A_14 = arith.cmpi eq, %arg0, %eq3A_13 : i32
    %convert_element_type3A_15 = arith.extui %eq3A_14 : i1 to i32
    %cond3A_16 = arith.constant 0 : i32
    %cond3A_17 = arith.cmpi ne, %convert_element_type3A_15, %cond3A_16 : i32
    scf.if %cond3A_17 {
      "tpu.region"() ({
        %run_scoped3A = tpu.sem_alloc : memref<!tpu.dma_semaphore, #tpu.memory_space<semaphore_mem>>
        %dma_start3A = arith.constant 0 : i32
        %dma_start3A_18 = tpu.memref_slice %arg6[%mul3A_0, %dma_start3A] : memref<10240x128xf32, #tpu.memory_space<hbm>> -> memref<640x128xf32, #tpu.memory_space<hbm>>
        %dma_start3A_19 = arith.constant 0 : i32
        %dma_start3A_20 = tpu.memref_slice %arg7[%mul3A_0, %dma_start3A_19] : memref<10240x128xf32, #tpu.memory_space<vmem_shared>> -> memref<640x128xf32, #tpu.memory_space<vmem_shared>>
        tpu.enqueue_dma source(%dma_start3A_20 : memref<640x128xf32, #tpu.memory_space<vmem_shared>>) target(%dma_start3A_18 : memref<640x128xf32, #tpu.memory_space<hbm>>) target_semaphore(%run_scoped3A : memref<!tpu.dma_semaphore, #tpu.memory_space<semaphore_mem>>)
        %dma_wait3A = arith.constant 0 : i32
        %dma_wait3A_21 = tpu.memref_slice %arg6[%mul3A_0, %dma_wait3A] : memref<10240x128xf32, #tpu.memory_space<hbm>> -> memref<640x128xf32, #tpu.memory_space<hbm>>
        %dma_wait3A_22 = arith.constant 0 : i32
        %dma_wait3A_23 = tpu.memref_slice %arg7[%mul3A_0, %dma_wait3A_22] : memref<10240x128xf32, #tpu.memory_space<vmem_shared>> -> memref<640x128xf32, #tpu.memory_space<vmem_shared>>
        tpu.wait_dma2 semaphore(%run_scoped3A : memref<!tpu.dma_semaphore, #tpu.memory_space<semaphore_mem>>) src(%dma_wait3A_23 : memref<640x128xf32, #tpu.memory_space<vmem_shared>>) dst(%dma_wait3A_21 : memref<640x128xf32, #tpu.memory_space<hbm>>)
        tpu.yield
      }) : () -> ()
    } else {
    }
    return
  }
}

#map = affine_map<(d0, d1) -> (0, 0)>
#map1 = affine_map<(d0, d1) -> (0)>
module attributes {stable_mosaic.version = 14 : i64} {
  func.func @body(%arg0: i32, %arg1: i32, %arg2: memref<10240x128xf32, #tpu.memory_space<hbm>>, %arg3: memref<10240x128xf32, #tpu.memory_space<hbm>>, %arg4: memref<327680xi32, #tpu.memory_space<hbm>>, %arg5: memref<2560x128xi32, #tpu.memory_space<hbm>>, %arg6: memref<10240x128xf32, #tpu.memory_space<hbm>>, %arg7: memref<10240x128xf32, #tpu.memory_space<hbm>>, %arg8: memref<10240x128xf32, #tpu.memory_space<vmem_shared>>, %arg9: memref<4096xi32, #tpu.memory_space<vmem>>, %arg10: memref<32x128xi32, #tpu.memory_space<vmem>>, %arg11: memref<64x64xi32, #tpu.memory_space<vmem>>, %arg12: memref<64x128xf32, #tpu.memory_space<vmem>>, %arg13: memref<64x128xf32, #tpu.memory_space<vmem>>, %arg14: memref<64x128xf32, #tpu.memory_space<vmem>>, %arg15: memref<64x128xf32, #tpu.memory_space<vmem>>, %arg16: memref<!tpu.dma_semaphore, #tpu.memory_space<semaphore_mem>>, %arg17: memref<!tpu.dma_semaphore, #tpu.memory_space<semaphore_mem>>, %arg18: memref<!tpu.dma_semaphore, #tpu.memory_space<semaphore_mem>>, %arg19: memref<!tpu.dma_semaphore, #tpu.memory_space<semaphore_mem>>, %arg20: memref<!tpu.dma_semaphore, #tpu.memory_space<semaphore_mem>>, %arg21: memref<!tpu.dma_semaphore, #tpu.memory_space<semaphore_mem>>, %arg22: memref<!tpu.dma_semaphore, #tpu.memory_space<semaphore_mem>>, %arg23: memref<!tpu.dma_semaphore, #tpu.memory_space<semaphore_mem>>) attributes {dimension_semantics = [#tpu.dimension_semantics<core_parallel>, #tpu.dimension_semantics<subcore_parallel>], iteration_bounds = array<i64: 2, 16>, scalar_prefetch = 0 : i64, scratch_operands = 16 : i64, tpu.core_type = #tpu.core_type<sc_vector_subcore>, window_params = [{transform_indices = #map}, {transform_indices = #map}, {transform_indices = #map1}, {transform_indices = #map}, {transform_indices = #map}, {transform_indices = #map}]} {
    %mul3A = arith.constant 640 : i32
    %mul3A_0 = arith.muli %arg1, %mul3A : i32
    %eq3A = arith.constant 0 : i32
    %eq3A_1 = arith.cmpi eq, %arg0, %eq3A : i32
    %convert_element_type3A = arith.extui %eq3A_1 : i1 to i32
    %cond3A = arith.constant 0 : i32
    %cond3A_2 = arith.cmpi ne, %convert_element_type3A, %cond3A : i32
    scf.if %cond3A_2 {
      "tpu.region"() ({
        %run_scoped3A = tpu.sem_alloc : memref<!tpu.dma_semaphore, #tpu.memory_space<semaphore_mem>>
        %dma_start3A = arith.constant 0 : i32
        %dma_start3A_29 = tpu.memref_slice %arg8[%mul3A_0, %dma_start3A] : memref<10240x128xf32, #tpu.memory_space<vmem_shared>> -> memref<640x128xf32, #tpu.memory_space<vmem_shared>>
        %dma_start3A_30 = arith.constant 0 : i32
        %dma_start3A_31 = tpu.memref_slice %arg2[%mul3A_0, %dma_start3A_30] : memref<10240x128xf32, #tpu.memory_space<hbm>> -> memref<640x128xf32, #tpu.memory_space<hbm>>
        tpu.enqueue_dma source(%dma_start3A_31 : memref<640x128xf32, #tpu.memory_space<hbm>>) target(%dma_start3A_29 : memref<640x128xf32, #tpu.memory_space<vmem_shared>>) target_semaphore(%run_scoped3A : memref<!tpu.dma_semaphore, #tpu.memory_space<semaphore_mem>>)
        %dma_wait3A = arith.constant 0 : i32
        %dma_wait3A_32 = tpu.memref_slice %arg8[%mul3A_0, %dma_wait3A] : memref<10240x128xf32, #tpu.memory_space<vmem_shared>> -> memref<640x128xf32, #tpu.memory_space<vmem_shared>>
        %dma_wait3A_33 = arith.constant 0 : i32
        %dma_wait3A_34 = tpu.memref_slice %arg2[%mul3A_0, %dma_wait3A_33] : memref<10240x128xf32, #tpu.memory_space<hbm>> -> memref<640x128xf32, #tpu.memory_space<hbm>>
        tpu.wait_dma2 semaphore(%run_scoped3A : memref<!tpu.dma_semaphore, #tpu.memory_space<semaphore_mem>>) src(%dma_wait3A_34 : memref<640x128xf32, #tpu.memory_space<hbm>>) dst(%dma_wait3A_32 : memref<640x128xf32, #tpu.memory_space<vmem_shared>>)
        tpu.yield
      }) : () -> ()
    } else {
    }
    %eq3A_3 = arith.constant 1 : i32
    %eq3A_4 = arith.cmpi eq, %arg0, %eq3A_3 : i32
    %convert_element_type3A_5 = arith.extui %eq3A_4 : i1 to i32
    %cond3A_6 = arith.constant 0 : i32
    %cond3A_7 = arith.cmpi ne, %convert_element_type3A_5, %cond3A_6 : i32
    scf.if %cond3A_7 {
      "tpu.region"() ({
        %run_scoped3A = tpu.sem_alloc : memref<!tpu.dma_semaphore, #tpu.memory_space<semaphore_mem>>
        %dma_start3A = arith.constant 0 : i32
        %dma_start3A_29 = tpu.memref_slice %arg8[%mul3A_0, %dma_start3A] : memref<10240x128xf32, #tpu.memory_space<vmem_shared>> -> memref<640x128xf32, #tpu.memory_space<vmem_shared>>
        %dma_start3A_30 = arith.constant 0 : i32
        %dma_start3A_31 = tpu.memref_slice %arg3[%mul3A_0, %dma_start3A_30] : memref<10240x128xf32, #tpu.memory_space<hbm>> -> memref<640x128xf32, #tpu.memory_space<hbm>>
        tpu.enqueue_dma source(%dma_start3A_31 : memref<640x128xf32, #tpu.memory_space<hbm>>) target(%dma_start3A_29 : memref<640x128xf32, #tpu.memory_space<vmem_shared>>) target_semaphore(%run_scoped3A : memref<!tpu.dma_semaphore, #tpu.memory_space<semaphore_mem>>)
        %dma_wait3A = arith.constant 0 : i32
        %dma_wait3A_32 = tpu.memref_slice %arg8[%mul3A_0, %dma_wait3A] : memref<10240x128xf32, #tpu.memory_space<vmem_shared>> -> memref<640x128xf32, #tpu.memory_space<vmem_shared>>
        %dma_wait3A_33 = arith.constant 0 : i32
        %dma_wait3A_34 = tpu.memref_slice %arg3[%mul3A_0, %dma_wait3A_33] : memref<10240x128xf32, #tpu.memory_space<hbm>> -> memref<640x128xf32, #tpu.memory_space<hbm>>
        tpu.wait_dma2 semaphore(%run_scoped3A : memref<!tpu.dma_semaphore, #tpu.memory_space<semaphore_mem>>) src(%dma_wait3A_34 : memref<640x128xf32, #tpu.memory_space<hbm>>) dst(%dma_wait3A_32 : memref<640x128xf32, #tpu.memory_space<vmem_shared>>)
        tpu.yield
      }) : () -> ()
    } else {
    }
    %barrier3A = arith.constant 0 : index
    tpu.barrier barrier_id(%barrier3A)
    %eq3A_8 = arith.constant 0 : i32
    %eq3A_9 = arith.cmpi eq, %arg0, %eq3A_8 : i32
    %convert_element_type3A_10 = arith.extui %eq3A_9 : i1 to i32
    %cond3A_11 = arith.constant 0 : i32
    %cond3A_12 = arith.cmpi ne, %convert_element_type3A_10, %cond3A_11 : i32
    scf.if %cond3A_12 {
      %mul3A_29 = arith.constant 320 : i32
      %mul3A_30 = arith.muli %arg1, %mul3A_29 : i32
      %scan3A = arith.constant 0 : i32
      %scan3A_31 = arith.constant 0 : i32
      %scan3A_32 = arith.constant 5 : i32
      %scan3A_33 = arith.addi %scan3A_31, %scan3A_32 : i32
      %scan3A_34 = arith.constant 1 : i32
      scf.for %scan3A_36 = %scan3A_31 to %scan3A_33 step %scan3A_34  : i32 {
        %mul3A_37 = arith.constant 64 : i32
        %mul3A_38 = arith.muli %scan3A_36, %mul3A_37 : i32
        %add3A = arith.addi %mul3A_30, %mul3A_38 : i32
        %multiple_of3A = tpu.assume_multiple %add3A, 8 : i32
        %jit3A = arith.constant 2 : i32
        %div3A = arith.divsi %mul3A_30, %jit3A : i32
        %sign3A = arith.constant 0 : i32
        %sign3A_39 = arith.cmpi sgt, %mul3A_30, %sign3A : i32
        %sign3A_40 = arith.extui %sign3A_39 : i1 to i32
        %sign3A_41 = arith.constant 0 : i32
        %sign3A_42 = arith.cmpi slt, %mul3A_30, %sign3A_41 : i32
        %sign3A_43 = arith.extui %sign3A_42 : i1 to i32
        %sign3A_44 = arith.subi %sign3A_40, %sign3A_43 : i32
        %sign3A_45 = arith.constant 0 : i32
        %sign3A_46 = arith.cmpi sgt, %jit3A, %sign3A_45 : i32
        %sign3A_47 = arith.extui %sign3A_46 : i1 to i32
        %sign3A_48 = arith.constant 0 : i32
        %sign3A_49 = arith.cmpi slt, %jit3A, %sign3A_48 : i32
        %sign3A_50 = arith.extui %sign3A_49 : i1 to i32
        %sign3A_51 = arith.subi %sign3A_47, %sign3A_50 : i32
        %ne3A = arith.cmpi ne, %sign3A_44, %sign3A_51 : i32
        %rem3A = arith.remsi %mul3A_30, %jit3A : i32
        %ne3A_52 = arith.constant 0 : i32
        %ne3A_53 = arith.cmpi ne, %rem3A, %ne3A_52 : i32
        %and3A = arith.andi %ne3A, %ne3A_53 : i1
        %sub3A = arith.constant 1 : i32
        %sub3A_54 = arith.subi %div3A, %sub3A : i32
        %select_n3A = arith.select %and3A, %sub3A_54, %div3A : i32
        %mul3A_55 = arith.constant 32 : i32
        %mul3A_56 = arith.muli %scan3A_36, %mul3A_55 : i32
        %add3A_57 = arith.addi %select_n3A, %mul3A_56 : i32
        %multiple_of3A_58 = tpu.assume_multiple %add3A_57, 8 : i32
        %mul3A_59 = arith.constant 64 : i32
        %mul3A_60 = arith.muli %multiple_of3A, %mul3A_59 : i32
        "tpu.region"() ({
          %run_scoped3A = tpu.sem_alloc : memref<!tpu.dma_semaphore, #tpu.memory_space<semaphore_mem>>
          %dma_start3A_167 = tpu.memref_slice %arg4[%mul3A_60] : memref<327680xi32, #tpu.memory_space<hbm>> -> memref<4096xi32, #tpu.memory_space<hbm>>
          %dma_start3A_168 = tpu.memref_slice %arg4[%mul3A_60] : memref<327680xi32, #tpu.memory_space<hbm>> -> memref<4096xi32, #tpu.memory_space<hbm>>
          tpu.enqueue_dma source(%dma_start3A_168 : memref<4096xi32, #tpu.memory_space<hbm>>) target(%arg9 : memref<4096xi32, #tpu.memory_space<vmem>>) target_semaphore(%run_scoped3A : memref<!tpu.dma_semaphore, #tpu.memory_space<semaphore_mem>>)
          %dma_wait3A_169 = tpu.memref_slice %arg4[%mul3A_60] : memref<327680xi32, #tpu.memory_space<hbm>> -> memref<4096xi32, #tpu.memory_space<hbm>>
          %dma_wait3A_170 = tpu.memref_slice %arg4[%mul3A_60] : memref<327680xi32, #tpu.memory_space<hbm>> -> memref<4096xi32, #tpu.memory_space<hbm>>
          tpu.wait_dma2 semaphore(%run_scoped3A : memref<!tpu.dma_semaphore, #tpu.memory_space<semaphore_mem>>) src(%dma_wait3A_170 : memref<4096xi32, #tpu.memory_space<hbm>>) dst(%arg9 : memref<4096xi32, #tpu.memory_space<vmem>>)
          tpu.yield
        }) : () -> ()
        "tpu.region"() ({
          %run_scoped3A = tpu.sem_alloc : memref<!tpu.dma_semaphore, #tpu.memory_space<semaphore_mem>>
          %dma_start3A_167 = arith.constant 0 : i32
          %dma_start3A_168 = tpu.memref_slice %arg5[%multiple_of3A_58, %dma_start3A_167] : memref<2560x128xi32, #tpu.memory_space<hbm>> -> memref<32x128xi32, #tpu.memory_space<hbm>>
          %dma_start3A_169 = arith.constant 0 : i32
          %dma_start3A_170 = tpu.memref_slice %arg5[%multiple_of3A_58, %dma_start3A_169] : memref<2560x128xi32, #tpu.memory_space<hbm>> -> memref<32x128xi32, #tpu.memory_space<hbm>>
          tpu.enqueue_dma source(%dma_start3A_170 : memref<32x128xi32, #tpu.memory_space<hbm>>) target(%arg10 : memref<32x128xi32, #tpu.memory_space<vmem>>) target_semaphore(%run_scoped3A : memref<!tpu.dma_semaphore, #tpu.memory_space<semaphore_mem>>)
          %dma_wait3A_171 = arith.constant 0 : i32
          %dma_wait3A_172 = tpu.memref_slice %arg5[%multiple_of3A_58, %dma_wait3A_171] : memref<2560x128xi32, #tpu.memory_space<hbm>> -> memref<32x128xi32, #tpu.memory_space<hbm>>
          %dma_wait3A_173 = arith.constant 0 : i32
          %dma_wait3A_174 = tpu.memref_slice %arg5[%multiple_of3A_58, %dma_wait3A_173] : memref<2560x128xi32, #tpu.memory_space<hbm>> -> memref<32x128xi32, #tpu.memory_space<hbm>>
          tpu.wait_dma2 semaphore(%run_scoped3A : memref<!tpu.dma_semaphore, #tpu.memory_space<semaphore_mem>>) src(%dma_wait3A_174 : memref<32x128xi32, #tpu.memory_space<hbm>>) dst(%arg10 : memref<32x128xi32, #tpu.memory_space<vmem>>)
          tpu.yield
        }) : () -> ()
        %scan3A_61 = arith.constant 0 : i32
        %scan3A_62 = arith.constant 0 : i32
        %scan3A_63 = arith.constant 32 : i32
        %scan3A_64 = arith.addi %scan3A_62, %scan3A_63 : i32
        %scan3A_65 = arith.constant 1 : i32
        scf.for %scan3A_167 = %scan3A_62 to %scan3A_64 step %scan3A_65  : i32 {
          %get3A = arith.index_cast %scan3A_167 : i32 to index
          %get3A_168 = arith.constant 0 : index
          %get3A_169 = tpu.vector_load %arg10[%get3A, %get3A_168] {strides = array<i32>} : memref<32x128xi32, #tpu.memory_space<vmem>>, vector<1x16xi32>,
          %get3A_170 = vector.shape_cast %get3A_169 : vector<1x16xi32> to vector<16xi32>
          %mul3A_171 = arith.constant 2 : i32
          %mul3A_172 = arith.muli %mul3A_171, %scan3A_167 : i32
          %add3A_173 = arith.constant 0 : i32
          %add3A_174 = arith.addi %mul3A_172, %add3A_173 : i32
          %swap3A = arith.index_cast %add3A_174 : i32 to index
          %swap3A_175 = arith.constant 0 : index
          %swap3A_176 = tpu.vector_load %arg11[%swap3A, %swap3A_175] {strides = array<i32>} : memref<64x64xi32, #tpu.memory_space<vmem>>, vector<1x16xi32>,
          %swap3A_177 = vector.shape_cast %swap3A_176 : vector<1x16xi32> to vector<16xi32>
          %swap3A_178 = vector.shape_cast %get3A_170 : vector<16xi32> to vector<1x16xi32>
          tpu.vector_store %arg11[%swap3A, %swap3A_175], %swap3A_178 {strides = array<i32>} : memref<64x64xi32, #tpu.memory_space<vmem>>, vector<1x16xi32>,
          %get3A_179 = arith.index_cast %scan3A_167 : i32 to index
          %get3A_180 = arith.constant 16 : index
          %get3A_181 = tpu.vector_load %arg10[%get3A_179, %get3A_180] {strides = array<i32>} : memref<32x128xi32, #tpu.memory_space<vmem>>, vector<1x16xi32>,
          %get3A_182 = vector.shape_cast %get3A_181 : vector<1x16xi32> to vector<16xi32>
          %mul3A_183 = arith.constant 2 : i32
          %mul3A_184 = arith.muli %mul3A_183, %scan3A_167 : i32
          %add3A_185 = arith.constant 0 : i32
          %add3A_186 = arith.addi %mul3A_184, %add3A_185 : i32
          %swap3A_187 = arith.index_cast %add3A_186 : i32 to index
          %swap3A_188 = arith.constant 16 : index
          %swap3A_189 = tpu.vector_load %arg11[%swap3A_187, %swap3A_188] {strides = array<i32>} : memref<64x64xi32, #tpu.memory_space<vmem>>, vector<1x16xi32>,
          %swap3A_190 = vector.shape_cast %swap3A_189 : vector<1x16xi32> to vector<16xi32>
          %swap3A_191 = vector.shape_cast %get3A_182 : vector<16xi32> to vector<1x16xi32>
          tpu.vector_store %arg11[%swap3A_187, %swap3A_188], %swap3A_191 {strides = array<i32>} : memref<64x64xi32, #tpu.memory_space<vmem>>, vector<1x16xi32>,
          %get3A_192 = arith.index_cast %scan3A_167 : i32 to index
          %get3A_193 = arith.constant 32 : index
          %get3A_194 = tpu.vector_load %arg10[%get3A_192, %get3A_193] {strides = array<i32>} : memref<32x128xi32, #tpu.memory_space<vmem>>, vector<1x16xi32>,
          %get3A_195 = vector.shape_cast %get3A_194 : vector<1x16xi32> to vector<16xi32>
          %mul3A_196 = arith.constant 2 : i32
          %mul3A_197 = arith.muli %mul3A_196, %scan3A_167 : i32
          %add3A_198 = arith.constant 0 : i32
          %add3A_199 = arith.addi %mul3A_197, %add3A_198 : i32
          %swap3A_200 = arith.index_cast %add3A_199 : i32 to index
          %swap3A_201 = arith.constant 32 : index
          %swap3A_202 = tpu.vector_load %arg11[%swap3A_200, %swap3A_201] {strides = array<i32>} : memref<64x64xi32, #tpu.memory_space<vmem>>, vector<1x16xi32>,
          %swap3A_203 = vector.shape_cast %swap3A_202 : vector<1x16xi32> to vector<16xi32>
          %swap3A_204 = vector.shape_cast %get3A_195 : vector<16xi32> to vector<1x16xi32>
          tpu.vector_store %arg11[%swap3A_200, %swap3A_201], %swap3A_204 {strides = array<i32>} : memref<64x64xi32, #tpu.memory_space<vmem>>, vector<1x16xi32>,
          %get3A_205 = arith.index_cast %scan3A_167 : i32 to index
          %get3A_206 = arith.constant 48 : index
          %get3A_207 = tpu.vector_load %arg10[%get3A_205, %get3A_206] {strides = array<i32>} : memref<32x128xi32, #tpu.memory_space<vmem>>, vector<1x16xi32>,
          %get3A_208 = vector.shape_cast %get3A_207 : vector<1x16xi32> to vector<16xi32>
          %mul3A_209 = arith.constant 2 : i32
          %mul3A_210 = arith.muli %mul3A_209, %scan3A_167 : i32
          %add3A_211 = arith.constant 0 : i32
          %add3A_212 = arith.addi %mul3A_210, %add3A_211 : i32
          %swap3A_213 = arith.index_cast %add3A_212 : i32 to index
          %swap3A_214 = arith.constant 48 : index
          %swap3A_215 = tpu.vector_load %arg11[%swap3A_213, %swap3A_214] {strides = array<i32>} : memref<64x64xi32, #tpu.memory_space<vmem>>, vector<1x16xi32>,
          %swap3A_216 = vector.shape_cast %swap3A_215 : vector<1x16xi32> to vector<16xi32>
          %swap3A_217 = vector.shape_cast %get3A_208 : vector<16xi32> to vector<1x16xi32>
          tpu.vector_store %arg11[%swap3A_213, %swap3A_214], %swap3A_217 {strides = array<i32>} : memref<64x64xi32, #tpu.memory_space<vmem>>, vector<1x16xi32>,
          %get3A_218 = arith.index_cast %scan3A_167 : i32 to index
          %get3A_219 = arith.constant 64 : index
          %get3A_220 = tpu.vector_load %arg10[%get3A_218, %get3A_219] {strides = array<i32>} : memref<32x128xi32, #tpu.memory_space<vmem>>, vector<1x16xi32>,
          %get3A_221 = vector.shape_cast %get3A_220 : vector<1x16xi32> to vector<16xi32>
          %mul3A_222 = arith.constant 2 : i32
          %mul3A_223 = arith.muli %mul3A_222, %scan3A_167 : i32
          %add3A_224 = arith.constant 1 : i32
          %add3A_225 = arith.addi %mul3A_223, %add3A_224 : i32
          %swap3A_226 = arith.index_cast %add3A_225 : i32 to index
          %swap3A_227 = arith.constant 0 : index
          %swap3A_228 = tpu.vector_load %arg11[%swap3A_226, %swap3A_227] {strides = array<i32>} : memref<64x64xi32, #tpu.memory_space<vmem>>, vector<1x16xi32>,
          %swap3A_229 = vector.shape_cast %swap3A_228 : vector<1x16xi32> to vector<16xi32>
          %swap3A_230 = vector.shape_cast %get3A_221 : vector<16xi32> to vector<1x16xi32>
          tpu.vector_store %arg11[%swap3A_226, %swap3A_227], %swap3A_230 {strides = array<i32>} : memref<64x64xi32, #tpu.memory_space<vmem>>, vector<1x16xi32>,
          %get3A_231 = arith.index_cast %scan3A_167 : i32 to index
          %get3A_232 = arith.constant 80 : index
          %get3A_233 = tpu.vector_load %arg10[%get3A_231, %get3A_232] {strides = array<i32>} : memref<32x128xi32, #tpu.memory_space<vmem>>, vector<1x16xi32>,
          %get3A_234 = vector.shape_cast %get3A_233 : vector<1x16xi32> to vector<16xi32>
          %mul3A_235 = arith.constant 2 : i32
          %mul3A_236 = arith.muli %mul3A_235, %scan3A_167 : i32
          %add3A_237 = arith.constant 1 : i32
          %add3A_238 = arith.addi %mul3A_236, %add3A_237 : i32
          %swap3A_239 = arith.index_cast %add3A_238 : i32 to index
          %swap3A_240 = arith.constant 16 : index
          %swap3A_241 = tpu.vector_load %arg11[%swap3A_239, %swap3A_240] {strides = array<i32>} : memref<64x64xi32, #tpu.memory_space<vmem>>, vector<1x16xi32>,
          %swap3A_242 = vector.shape_cast %swap3A_241 : vector<1x16xi32> to vector<16xi32>
          %swap3A_243 = vector.shape_cast %get3A_234 : vector<16xi32> to vector<1x16xi32>
          tpu.vector_store %arg11[%swap3A_239, %swap3A_240], %swap3A_243 {strides = array<i32>} : memref<64x64xi32, #tpu.memory_space<vmem>>, vector<1x16xi32>,
          %get3A_244 = arith.index_cast %scan3A_167 : i32 to index
          %get3A_245 = arith.constant 96 : index
          %get3A_246 = tpu.vector_load %arg10[%get3A_244, %get3A_245] {strides = array<i32>} : memref<32x128xi32, #tpu.memory_space<vmem>>, vector<1x16xi32>,
          %get3A_247 = vector.shape_cast %get3A_246 : vector<1x16xi32> to vector<16xi32>
          %mul3A_248 = arith.constant 2 : i32
          %mul3A_249 = arith.muli %mul3A_248, %scan3A_167 : i32
          %add3A_250 = arith.constant 1 : i32
          %add3A_251 = arith.addi %mul3A_249, %add3A_250 : i32
          %swap3A_252 = arith.index_cast %add3A_251 : i32 to index
          %swap3A_253 = arith.constant 32 : index
          %swap3A_254 = tpu.vector_load %arg11[%swap3A_252, %swap3A_253] {strides = array<i32>} : memref<64x64xi32, #tpu.memory_space<vmem>>, vector<1x16xi32>,
          %swap3A_255 = vector.shape_cast %swap3A_254 : vector<1x16xi32> to vector<16xi32>
          %swap3A_256 = vector.shape_cast %get3A_247 : vector<16xi32> to vector<1x16xi32>
          tpu.vector_store %arg11[%swap3A_252, %swap3A_253], %swap3A_256 {strides = array<i32>} : memref<64x64xi32, #tpu.memory_space<vmem>>, vector<1x16xi32>,
          %get3A_257 = arith.index_cast %scan3A_167 : i32 to index
          %get3A_258 = arith.constant 112 : index
          %get3A_259 = tpu.vector_load %arg10[%get3A_257, %get3A_258] {strides = array<i32>} : memref<32x128xi32, #tpu.memory_space<vmem>>, vector<1x16xi32>,
          %get3A_260 = vector.shape_cast %get3A_259 : vector<1x16xi32> to vector<16xi32>
          %mul3A_261 = arith.constant 2 : i32
          %mul3A_262 = arith.muli %mul3A_261, %scan3A_167 : i32
          %add3A_263 = arith.constant 1 : i32
          %add3A_264 = arith.addi %mul3A_262, %add3A_263 : i32
          %swap3A_265 = arith.index_cast %add3A_264 : i32 to index
          %swap3A_266 = arith.constant 48 : index
          %swap3A_267 = tpu.vector_load %arg11[%swap3A_265, %swap3A_266] {strides = array<i32>} : memref<64x64xi32, #tpu.memory_space<vmem>>, vector<1x16xi32>,
          %swap3A_268 = vector.shape_cast %swap3A_267 : vector<1x16xi32> to vector<16xi32>
          %swap3A_269 = vector.shape_cast %get3A_260 : vector<16xi32> to vector<1x16xi32>
          tpu.vector_store %arg11[%swap3A_265, %swap3A_266], %swap3A_269 {strides = array<i32>} : memref<64x64xi32, #tpu.memory_space<vmem>>, vector<1x16xi32>,
        }
        %scan3A_66 = arith.constant 32 : i32
        %dma_start3A = arith.constant 0 : i32
        %dma_start3A_67 = tpu.memref_slice %arg9[%dma_start3A] : memref<4096xi32, #tpu.memory_space<vmem>> -> memref<64xi32, #tpu.memory_space<vmem>>
        %dma_start3A_68 = arith.constant 0 : i32
        %dma_start3A_69 = arith.constant 0 : i32
        %dma_start3A_70 = tpu.memref_slice %arg2[%dma_start3A_68, %dma_start3A_69] : memref<10240x128xf32, #tpu.memory_space<hbm>> -> memref<10240x128xf32, #tpu.memory_space<hbm>>
        tpu.enqueue_indirect_dma source(%dma_start3A_70 : memref<10240x128xf32, #tpu.memory_space<hbm>>) target(%arg12 : memref<64x128xf32, #tpu.memory_space<vmem>>) offsets(%dma_start3A_67 : memref<64xi32, #tpu.memory_space<vmem>>) semaphore(%arg16 : memref<!tpu.dma_semaphore, #tpu.memory_space<semaphore_mem>>)
        %dma_start3A_71 = arith.constant 64 : i32
        %dma_start3A_72 = tpu.memref_slice %arg9[%dma_start3A_71] : memref<4096xi32, #tpu.memory_space<vmem>> -> memref<64xi32, #tpu.memory_space<vmem>>
        %dma_start3A_73 = arith.constant 0 : i32
        %dma_start3A_74 = arith.constant 0 : i32
        %dma_start3A_75 = tpu.memref_slice %arg2[%dma_start3A_73, %dma_start3A_74] : memref<10240x128xf32, #tpu.memory_space<hbm>> -> memref<10240x128xf32, #tpu.memory_space<hbm>>
        tpu.enqueue_indirect_dma source(%dma_start3A_75 : memref<10240x128xf32, #tpu.memory_space<hbm>>) target(%arg13 : memref<64x128xf32, #tpu.memory_space<vmem>>) offsets(%dma_start3A_72 : memref<64xi32, #tpu.memory_space<vmem>>) semaphore(%arg18 : memref<!tpu.dma_semaphore, #tpu.memory_space<semaphore_mem>>)
        %dma_wait3A = arith.constant 0 : i32
        %dma_wait3A_76 = tpu.memref_slice %arg9[%dma_wait3A] : memref<4096xi32, #tpu.memory_space<vmem>> -> memref<64xi32, #tpu.memory_space<vmem>>
        %dma_wait3A_77 = arith.constant 0 : i32
        %dma_wait3A_78 = arith.constant 0 : i32
        %dma_wait3A_79 = tpu.memref_slice %arg2[%dma_wait3A_77, %dma_wait3A_78] : memref<10240x128xf32, #tpu.memory_space<hbm>> -> memref<10240x128xf32, #tpu.memory_space<hbm>>
        tpu.wait_indirect_dma semaphore(%arg16 : memref<!tpu.dma_semaphore, #tpu.memory_space<semaphore_mem>>) src(%dma_wait3A_79 : memref<10240x128xf32, #tpu.memory_space<hbm>>) dst(%arg12 : memref<64x128xf32, #tpu.memory_space<vmem>>)
        %dma_start3A_80 = arith.constant 0 : i32
        %dma_start3A_81 = arith.constant 0 : i32
        %dma_start3A_82 = tpu.memref_slice %arg11[%dma_start3A_80, %dma_start3A_81] : memref<64x64xi32, #tpu.memory_space<vmem>> -> memref<1x64xi32, #tpu.memory_space<vmem>>
        %dma_start3A_83 = tpu.memref_squeeze %dma_start3A_82 : memref<1x64xi32, #tpu.memory_space<vmem>> -> memref<64xi32, #tpu.memory_space<vmem>>
        %dma_start3A_84 = arith.constant 0 : i32
        %dma_start3A_85 = arith.constant 0 : i32
        %dma_start3A_86 = tpu.memref_slice %arg8[%dma_start3A_84, %dma_start3A_85] : memref<10240x128xf32, #tpu.memory_space<vmem_shared>> -> memref<10240x128xf32, #tpu.memory_space<vmem_shared>>
        tpu.enqueue_indirect_dma source(%arg12 : memref<64x128xf32, #tpu.memory_space<vmem>>) target(%dma_start3A_86 : memref<10240x128xf32, #tpu.memory_space<vmem_shared>>) offsets(%dma_start3A_83 : memref<64xi32, #tpu.memory_space<vmem>>) semaphore(%arg17 : memref<!tpu.dma_semaphore, #tpu.memory_space<semaphore_mem>>) {add = true}
        %dma_start3A_87 = arith.constant 128 : i32
        %dma_start3A_88 = tpu.memref_slice %arg9[%dma_start3A_87] : memref<4096xi32, #tpu.memory_space<vmem>> -> memref<64xi32, #tpu.memory_space<vmem>>
        %dma_start3A_89 = arith.constant 0 : i32
        %dma_start3A_90 = arith.constant 0 : i32
        %dma_start3A_91 = tpu.memref_slice %arg2[%dma_start3A_89, %dma_start3A_90] : memref<10240x128xf32, #tpu.memory_space<hbm>> -> memref<10240x128xf32, #tpu.memory_space<hbm>>
        tpu.enqueue_indirect_dma source(%dma_start3A_91 : memref<10240x128xf32, #tpu.memory_space<hbm>>) target(%arg14 : memref<64x128xf32, #tpu.memory_space<vmem>>) offsets(%dma_start3A_88 : memref<64xi32, #tpu.memory_space<vmem>>) semaphore(%arg20 : memref<!tpu.dma_semaphore, #tpu.memory_space<semaphore_mem>>)
        %dma_wait3A_92 = arith.constant 64 : i32
        %dma_wait3A_93 = tpu.memref_slice %arg9[%dma_wait3A_92] : memref<4096xi32, #tpu.memory_space<vmem>> -> memref<64xi32, #tpu.memory_space<vmem>>
        %dma_wait3A_94 = arith.constant 0 : i32
        %dma_wait3A_95 = arith.constant 0 : i32
        %dma_wait3A_96 = tpu.memref_slice %arg2[%dma_wait3A_94, %dma_wait3A_95] : memref<10240x128xf32, #tpu.memory_space<hbm>> -> memref<10240x128xf32, #tpu.memory_space<hbm>>
        tpu.wait_indirect_dma semaphore(%arg18 : memref<!tpu.dma_semaphore, #tpu.memory_space<semaphore_mem>>) src(%dma_wait3A_96 : memref<10240x128xf32, #tpu.memory_space<hbm>>) dst(%arg13 : memref<64x128xf32, #tpu.memory_space<vmem>>)
        %dma_start3A_97 = arith.constant 1 : i32
        %dma_start3A_98 = arith.constant 0 : i32
        %dma_start3A_99 = tpu.memref_slice %arg11[%dma_start3A_97, %dma_start3A_98] : memref<64x64xi32, #tpu.memory_space<vmem>> -> memref<1x64xi32, #tpu.memory_space<vmem>>
        %dma_start3A_100 = tpu.memref_squeeze %dma_start3A_99 : memref<1x64xi32, #tpu.memory_space<vmem>> -> memref<64xi32, #tpu.memory_space<vmem>>
        %dma_start3A_101 = arith.constant 0 : i32
        %dma_start3A_102 = arith.constant 0 : i32
        %dma_start3A_103 = tpu.memref_slice %arg8[%dma_start3A_101, %dma_start3A_102] : memref<10240x128xf32, #tpu.memory_space<vmem_shared>> -> memref<10240x128xf32, #tpu.memory_space<vmem_shared>>
        tpu.enqueue_indirect_dma source(%arg13 : memref<64x128xf32, #tpu.memory_space<vmem>>) target(%dma_start3A_103 : memref<10240x128xf32, #tpu.memory_space<vmem_shared>>) offsets(%dma_start3A_100 : memref<64xi32, #tpu.memory_space<vmem>>) semaphore(%arg19 : memref<!tpu.dma_semaphore, #tpu.memory_space<semaphore_mem>>) {add = true}
        %dma_start3A_104 = arith.constant 192 : i32
        %dma_start3A_105 = tpu.memref_slice %arg9[%dma_start3A_104] : memref<4096xi32, #tpu.memory_space<vmem>> -> memref<64xi32, #tpu.memory_space<vmem>>
        %dma_start3A_106 = arith.constant 0 : i32
        %dma_start3A_107 = arith.constant 0 : i32
        %dma_start3A_108 = tpu.memref_slice %arg2[%dma_start3A_106, %dma_start3A_107] : memref<10240x128xf32, #tpu.memory_space<hbm>> -> memref<10240x128xf32, #tpu.memory_space<hbm>>
        tpu.enqueue_indirect_dma source(%dma_start3A_108 : memref<10240x128xf32, #tpu.memory_space<hbm>>) target(%arg15 : memref<64x128xf32, #tpu.memory_space<vmem>>) offsets(%dma_start3A_105 : memref<64xi32, #tpu.memory_space<vmem>>) semaphore(%arg22 : memref<!tpu.dma_semaphore, #tpu.memory_space<semaphore_mem>>)
        %scan3A_109 = arith.constant 0 : i32
        %scan3A_110 = arith.constant 0 : i32
        %scan3A_111 = arith.constant 15 : i32
        %scan3A_112 = arith.addi %scan3A_110, %scan3A_111 : i32
        %scan3A_113 = arith.constant 1 : i32
        scf.for %scan3A_167 = %scan3A_110 to %scan3A_112 step %scan3A_113  : i32 {
          %mul3A_168 = arith.constant 4 : i32
          %mul3A_169 = arith.muli %mul3A_168, %scan3A_167 : i32
          %add3A_170 = arith.constant 0 : i32
          %add3A_171 = arith.addi %mul3A_169, %add3A_170 : i32
          %add3A_172 = arith.constant 2 : i32
          %add3A_173 = arith.addi %add3A_171, %add3A_172 : i32
          %mul3A_174 = arith.constant 64 : i32
          %mul3A_175 = arith.muli %add3A_173, %mul3A_174 : i32
          %dma_wait3A_176 = tpu.memref_slice %arg9[%mul3A_175] : memref<4096xi32, #tpu.memory_space<vmem>> -> memref<64xi32, #tpu.memory_space<vmem>>
          %dma_wait3A_177 = arith.constant 0 : i32
          %dma_wait3A_178 = arith.constant 0 : i32
          %dma_wait3A_179 = tpu.memref_slice %arg2[%dma_wait3A_177, %dma_wait3A_178] : memref<10240x128xf32, #tpu.memory_space<hbm>> -> memref<10240x128xf32, #tpu.memory_space<hbm>>
          tpu.wait_indirect_dma semaphore(%arg20 : memref<!tpu.dma_semaphore, #tpu.memory_space<semaphore_mem>>) src(%dma_wait3A_179 : memref<10240x128xf32, #tpu.memory_space<hbm>>) dst(%arg14 : memref<64x128xf32, #tpu.memory_space<vmem>>)
          %add3A_180 = arith.constant 0 : i32
          %add3A_181 = arith.addi %mul3A_169, %add3A_180 : i32
          %add3A_182 = arith.constant 2 : i32
          %add3A_183 = arith.addi %add3A_181, %add3A_182 : i32
          %dma_start3A_184 = arith.constant 0 : i32
          %dma_start3A_185 = tpu.memref_slice %arg11[%add3A_183, %dma_start3A_184] : memref<64x64xi32, #tpu.memory_space<vmem>> -> memref<1x64xi32, #tpu.memory_space<vmem>>
          %dma_start3A_186 = tpu.memref_squeeze %dma_start3A_185 : memref<1x64xi32, #tpu.memory_space<vmem>> -> memref<64xi32, #tpu.memory_space<vmem>>
          %dma_start3A_187 = arith.constant 0 : i32
          %dma_start3A_188 = arith.constant 0 : i32
          %dma_start3A_189 = tpu.memref_slice %arg8[%dma_start3A_187, %dma_start3A_188] : memref<10240x128xf32, #tpu.memory_space<vmem_shared>> -> memref<10240x128xf32, #tpu.memory_space<vmem_shared>>
          tpu.enqueue_indirect_dma source(%arg14 : memref<64x128xf32, #tpu.memory_space<vmem>>) target(%dma_start3A_189 : memref<10240x128xf32, #tpu.memory_space<vmem_shared>>) offsets(%dma_start3A_186 : memref<64xi32, #tpu.memory_space<vmem>>) semaphore(%arg21 : memref<!tpu.dma_semaphore, #tpu.memory_space<semaphore_mem>>) {add = true}
          %add3A_190 = arith.constant 0 : i32
          %add3A_191 = arith.addi %mul3A_169, %add3A_190 : i32
          %dma_wait3A_192 = arith.constant 0 : i32
          %dma_wait3A_193 = tpu.memref_slice %arg11[%add3A_191, %dma_wait3A_192] : memref<64x64xi32, #tpu.memory_space<vmem>> -> memref<1x64xi32, #tpu.memory_space<vmem>>
          %dma_wait3A_194 = tpu.memref_squeeze %dma_wait3A_193 : memref<1x64xi32, #tpu.memory_space<vmem>> -> memref<64xi32, #tpu.memory_space<vmem>>
          %dma_wait3A_195 = arith.constant 0 : i32
          %dma_wait3A_196 = arith.constant 0 : i32
          %dma_wait3A_197 = tpu.memref_slice %arg8[%dma_wait3A_195, %dma_wait3A_196] : memref<10240x128xf32, #tpu.memory_space<vmem_shared>> -> memref<10240x128xf32, #tpu.memory_space<vmem_shared>>
          tpu.wait_indirect_dma semaphore(%arg17 : memref<!tpu.dma_semaphore, #tpu.memory_space<semaphore_mem>>) src(%arg12 : memref<64x128xf32, #tpu.memory_space<vmem>>) dst(%dma_wait3A_197 : memref<10240x128xf32, #tpu.memory_space<vmem_shared>>)
          %add3A_198 = arith.constant 0 : i32
          %add3A_199 = arith.addi %mul3A_169, %add3A_198 : i32
          %add3A_200 = arith.constant 4 : i32
          %add3A_201 = arith.addi %add3A_199, %add3A_200 : i32
          %mul3A_202 = arith.constant 64 : i32
          %mul3A_203 = arith.muli %add3A_201, %mul3A_202 : i32
          %dma_start3A_204 = tpu.memref_slice %arg9[%mul3A_203] : memref<4096xi32, #tpu.memory_space<vmem>> -> memref<64xi32, #tpu.memory_space<vmem>>
          %dma_start3A_205 = arith.constant 0 : i32
          %dma_start3A_206 = arith.constant 0 : i32
          %dma_start3A_207 = tpu.memref_slice %arg2[%dma_start3A_205, %dma_start3A_206] : memref<10240x128xf32, #tpu.memory_space<hbm>> -> memref<10240x128xf32, #tpu.memory_space<hbm>>
          tpu.enqueue_indirect_dma source(%dma_start3A_207 : memref<10240x128xf32, #tpu.memory_space<hbm>>) target(%arg12 : memref<64x128xf32, #tpu.memory_space<vmem>>) offsets(%dma_start3A_204 : memref<64xi32, #tpu.memory_space<vmem>>) semaphore(%arg16 : memref<!tpu.dma_semaphore, #tpu.memory_space<semaphore_mem>>)
          %add3A_208 = arith.constant 1 : i32
          %add3A_209 = arith.addi %mul3A_169, %add3A_208 : i32
          %add3A_210 = arith.constant 2 : i32
          %add3A_211 = arith.addi %add3A_209, %add3A_210 : i32
          %mul3A_212 = arith.constant 64 : i32
          %mul3A_213 = arith.muli %add3A_211, %mul3A_212 : i32
          %dma_wait3A_214 = tpu.memref_slice %arg9[%mul3A_213] : memref<4096xi32, #tpu.memory_space<vmem>> -> memref<64xi32, #tpu.memory_space<vmem>>
          %dma_wait3A_215 = arith.constant 0 : i32
          %dma_wait3A_216 = arith.constant 0 : i32
          %dma_wait3A_217 = tpu.memref_slice %arg2[%dma_wait3A_215, %dma_wait3A_216] : memref<10240x128xf32, #tpu.memory_space<hbm>> -> memref<10240x128xf32, #tpu.memory_space<hbm>>
          tpu.wait_indirect_dma semaphore(%arg22 : memref<!tpu.dma_semaphore, #tpu.memory_space<semaphore_mem>>) src(%dma_wait3A_217 : memref<10240x128xf32, #tpu.memory_space<hbm>>) dst(%arg15 : memref<64x128xf32, #tpu.memory_space<vmem>>)
          %add3A_218 = arith.constant 1 : i32
          %add3A_219 = arith.addi %mul3A_169, %add3A_218 : i32
          %add3A_220 = arith.constant 2 : i32
          %add3A_221 = arith.addi %add3A_219, %add3A_220 : i32
          %dma_start3A_222 = arith.constant 0 : i32
          %dma_start3A_223 = tpu.memref_slice %arg11[%add3A_221, %dma_start3A_222] : memref<64x64xi32, #tpu.memory_space<vmem>> -> memref<1x64xi32, #tpu.memory_space<vmem>>
          %dma_start3A_224 = tpu.memref_squeeze %dma_start3A_223 : memref<1x64xi32, #tpu.memory_space<vmem>> -> memref<64xi32, #tpu.memory_space<vmem>>
          %dma_start3A_225 = arith.constant 0 : i32
          %dma_start3A_226 = arith.constant 0 : i32
          %dma_start3A_227 = tpu.memref_slice %arg8[%dma_start3A_225, %dma_start3A_226] : memref<10240x128xf32, #tpu.memory_space<vmem_shared>> -> memref<10240x128xf32, #tpu.memory_space<vmem_shared>>
          tpu.enqueue_indirect_dma source(%arg15 : memref<64x128xf32, #tpu.memory_space<vmem>>) target(%dma_start3A_227 : memref<10240x128xf32, #tpu.memory_space<vmem_shared>>) offsets(%dma_start3A_224 : memref<64xi32, #tpu.memory_space<vmem>>) semaphore(%arg23 : memref<!tpu.dma_semaphore, #tpu.memory_space<semaphore_mem>>) {add = true}
          %add3A_228 = arith.constant 1 : i32
          %add3A_229 = arith.addi %mul3A_169, %add3A_228 : i32
          %dma_wait3A_230 = arith.constant 0 : i32
          %dma_wait3A_231 = tpu.memref_slice %arg11[%add3A_229, %dma_wait3A_230] : memref<64x64xi32, #tpu.memory_space<vmem>> -> memref<1x64xi32, #tpu.memory_space<vmem>>
          %dma_wait3A_232 = tpu.memref_squeeze %dma_wait3A_231 : memref<1x64xi32, #tpu.memory_space<vmem>> -> memref<64xi32, #tpu.memory_space<vmem>>
          %dma_wait3A_233 = arith.constant 0 : i32
          %dma_wait3A_234 = arith.constant 0 : i32
          %dma_wait3A_235 = tpu.memref_slice %arg8[%dma_wait3A_233, %dma_wait3A_234] : memref<10240x128xf32, #tpu.memory_space<vmem_shared>> -> memref<10240x128xf32, #tpu.memory_space<vmem_shared>>
          tpu.wait_indirect_dma semaphore(%arg19 : memref<!tpu.dma_semaphore, #tpu.memory_space<semaphore_mem>>) src(%arg13 : memref<64x128xf32, #tpu.memory_space<vmem>>) dst(%dma_wait3A_235 : memref<10240x128xf32, #tpu.memory_space<vmem_shared>>)
          %add3A_236 = arith.constant 1 : i32
          %add3A_237 = arith.addi %mul3A_169, %add3A_236 : i32
          %add3A_238 = arith.constant 4 : i32
          %add3A_239 = arith.addi %add3A_237, %add3A_238 : i32
          %mul3A_240 = arith.constant 64 : i32
          %mul3A_241 = arith.muli %add3A_239, %mul3A_240 : i32
          %dma_start3A_242 = tpu.memref_slice %arg9[%mul3A_241] : memref<4096xi32, #tpu.memory_space<vmem>> -> memref<64xi32, #tpu.memory_space<vmem>>
          %dma_start3A_243 = arith.constant 0 : i32
          %dma_start3A_244 = arith.constant 0 : i32
          %dma_start3A_245 = tpu.memref_slice %arg2[%dma_start3A_243, %dma_start3A_244] : memref<10240x128xf32, #tpu.memory_space<hbm>> -> memref<10240x128xf32, #tpu.memory_space<hbm>>
          tpu.enqueue_indirect_dma source(%dma_start3A_245 : memref<10240x128xf32, #tpu.memory_space<hbm>>) target(%arg13 : memref<64x128xf32, #tpu.memory_space<vmem>>) offsets(%dma_start3A_242 : memref<64xi32, #tpu.memory_space<vmem>>) semaphore(%arg18 : memref<!tpu.dma_semaphore, #tpu.memory_space<semaphore_mem>>)
          %add3A_246 = arith.constant 2 : i32
          %add3A_247 = arith.addi %mul3A_169, %add3A_246 : i32
          %add3A_248 = arith.constant 2 : i32
          %add3A_249 = arith.addi %add3A_247, %add3A_248 : i32
          %mul3A_250 = arith.constant 64 : i32
          %mul3A_251 = arith.muli %add3A_249, %mul3A_250 : i32
          %dma_wait3A_252 = tpu.memref_slice %arg9[%mul3A_251] : memref<4096xi32, #tpu.memory_space<vmem>> -> memref<64xi32, #tpu.memory_space<vmem>>
          %dma_wait3A_253 = arith.constant 0 : i32
          %dma_wait3A_254 = arith.constant 0 : i32
          %dma_wait3A_255 = tpu.memref_slice %arg2[%dma_wait3A_253, %dma_wait3A_254] : memref<10240x128xf32, #tpu.memory_space<hbm>> -> memref<10240x128xf32, #tpu.memory_space<hbm>>
          tpu.wait_indirect_dma semaphore(%arg16 : memref<!tpu.dma_semaphore, #tpu.memory_space<semaphore_mem>>) src(%dma_wait3A_255 : memref<10240x128xf32, #tpu.memory_space<hbm>>) dst(%arg12 : memref<64x128xf32, #tpu.memory_space<vmem>>)
          %add3A_256 = arith.constant 2 : i32
          %add3A_257 = arith.addi %mul3A_169, %add3A_256 : i32
          %add3A_258 = arith.constant 2 : i32
          %add3A_259 = arith.addi %add3A_257, %add3A_258 : i32
          %dma_start3A_260 = arith.constant 0 : i32
          %dma_start3A_261 = tpu.memref_slice %arg11[%add3A_259, %dma_start3A_260] : memref<64x64xi32, #tpu.memory_space<vmem>> -> memref<1x64xi32, #tpu.memory_space<vmem>>
          %dma_start3A_262 = tpu.memref_squeeze %dma_start3A_261 : memref<1x64xi32, #tpu.memory_space<vmem>> -> memref<64xi32, #tpu.memory_space<vmem>>
          %dma_start3A_263 = arith.constant 0 : i32
          %dma_start3A_264 = arith.constant 0 : i32
          %dma_start3A_265 = tpu.memref_slice %arg8[%dma_start3A_263, %dma_start3A_264] : memref<10240x128xf32, #tpu.memory_space<vmem_shared>> -> memref<10240x128xf32, #tpu.memory_space<vmem_shared>>
          tpu.enqueue_indirect_dma source(%arg12 : memref<64x128xf32, #tpu.memory_space<vmem>>) target(%dma_start3A_265 : memref<10240x128xf32, #tpu.memory_space<vmem_shared>>) offsets(%dma_start3A_262 : memref<64xi32, #tpu.memory_space<vmem>>) semaphore(%arg17 : memref<!tpu.dma_semaphore, #tpu.memory_space<semaphore_mem>>) {add = true}
          %add3A_266 = arith.constant 2 : i32
          %add3A_267 = arith.addi %mul3A_169, %add3A_266 : i32
          %dma_wait3A_268 = arith.constant 0 : i32
          %dma_wait3A_269 = tpu.memref_slice %arg11[%add3A_267, %dma_wait3A_268] : memref<64x64xi32, #tpu.memory_space<vmem>> -> memref<1x64xi32, #tpu.memory_space<vmem>>
          %dma_wait3A_270 = tpu.memref_squeeze %dma_wait3A_269 : memref<1x64xi32, #tpu.memory_space<vmem>> -> memref<64xi32, #tpu.memory_space<vmem>>
          %dma_wait3A_271 = arith.constant 0 : i32
          %dma_wait3A_272 = arith.constant 0 : i32
          %dma_wait3A_273 = tpu.memref_slice %arg8[%dma_wait3A_271, %dma_wait3A_272] : memref<10240x128xf32, #tpu.memory_space<vmem_shared>> -> memref<10240x128xf32, #tpu.memory_space<vmem_shared>>
          tpu.wait_indirect_dma semaphore(%arg21 : memref<!tpu.dma_semaphore, #tpu.memory_space<semaphore_mem>>) src(%arg14 : memref<64x128xf32, #tpu.memory_space<vmem>>) dst(%dma_wait3A_273 : memref<10240x128xf32, #tpu.memory_space<vmem_shared>>)
          %add3A_274 = arith.constant 2 : i32
          %add3A_275 = arith.addi %mul3A_169, %add3A_274 : i32
          %add3A_276 = arith.constant 4 : i32
          %add3A_277 = arith.addi %add3A_275, %add3A_276 : i32
          %mul3A_278 = arith.constant 64 : i32
          %mul3A_279 = arith.muli %add3A_277, %mul3A_278 : i32
          %dma_start3A_280 = tpu.memref_slice %arg9[%mul3A_279] : memref<4096xi32, #tpu.memory_space<vmem>> -> memref<64xi32, #tpu.memory_space<vmem>>
          %dma_start3A_281 = arith.constant 0 : i32
          %dma_start3A_282 = arith.constant 0 : i32
          %dma_start3A_283 = tpu.memref_slice %arg2[%dma_start3A_281, %dma_start3A_282] : memref<10240x128xf32, #tpu.memory_space<hbm>> -> memref<10240x128xf32, #tpu.memory_space<hbm>>
          tpu.enqueue_indirect_dma source(%dma_start3A_283 : memref<10240x128xf32, #tpu.memory_space<hbm>>) target(%arg14 : memref<64x128xf32, #tpu.memory_space<vmem>>) offsets(%dma_start3A_280 : memref<64xi32, #tpu.memory_space<vmem>>) semaphore(%arg20 : memref<!tpu.dma_semaphore, #tpu.memory_space<semaphore_mem>>)
          %add3A_284 = arith.constant 3 : i32
          %add3A_285 = arith.addi %mul3A_169, %add3A_284 : i32
          %add3A_286 = arith.constant 2 : i32
          %add3A_287 = arith.addi %add3A_285, %add3A_286 : i32
          %mul3A_288 = arith.constant 64 : i32
          %mul3A_289 = arith.muli %add3A_287, %mul3A_288 : i32
          %dma_wait3A_290 = tpu.memref_slice %arg9[%mul3A_289] : memref<4096xi32, #tpu.memory_space<vmem>> -> memref<64xi32, #tpu.memory_space<vmem>>
          %dma_wait3A_291 = arith.constant 0 : i32
          %dma_wait3A_292 = arith.constant 0 : i32
          %dma_wait3A_293 = tpu.memref_slice %arg2[%dma_wait3A_291, %dma_wait3A_292] : memref<10240x128xf32, #tpu.memory_space<hbm>> -> memref<10240x128xf32, #tpu.memory_space<hbm>>
          tpu.wait_indirect_dma semaphore(%arg18 : memref<!tpu.dma_semaphore, #tpu.memory_space<semaphore_mem>>) src(%dma_wait3A_293 : memref<10240x128xf32, #tpu.memory_space<hbm>>) dst(%arg13 : memref<64x128xf32, #tpu.memory_space<vmem>>)
          %add3A_294 = arith.constant 3 : i32
          %add3A_295 = arith.addi %mul3A_169, %add3A_294 : i32
          %add3A_296 = arith.constant 2 : i32
          %add3A_297 = arith.addi %add3A_295, %add3A_296 : i32
          %dma_start3A_298 = arith.constant 0 : i32
          %dma_start3A_299 = tpu.memref_slice %arg11[%add3A_297, %dma_start3A_298] : memref<64x64xi32, #tpu.memory_space<vmem>> -> memref<1x64xi32, #tpu.memory_space<vmem>>
          %dma_start3A_300 = tpu.memref_squeeze %dma_start3A_299 : memref<1x64xi32, #tpu.memory_space<vmem>> -> memref<64xi32, #tpu.memory_space<vmem>>
          %dma_start3A_301 = arith.constant 0 : i32
          %dma_start3A_302 = arith.constant 0 : i32
          %dma_start3A_303 = tpu.memref_slice %arg8[%dma_start3A_301, %dma_start3A_302] : memref<10240x128xf32, #tpu.memory_space<vmem_shared>> -> memref<10240x128xf32, #tpu.memory_space<vmem_shared>>
          tpu.enqueue_indirect_dma source(%arg13 : memref<64x128xf32, #tpu.memory_space<vmem>>) target(%dma_start3A_303 : memref<10240x128xf32, #tpu.memory_space<vmem_shared>>) offsets(%dma_start3A_300 : memref<64xi32, #tpu.memory_space<vmem>>) semaphore(%arg19 : memref<!tpu.dma_semaphore, #tpu.memory_space<semaphore_mem>>) {add = true}
          %add3A_304 = arith.constant 3 : i32
          %add3A_305 = arith.addi %mul3A_169, %add3A_304 : i32
          %dma_wait3A_306 = arith.constant 0 : i32
          %dma_wait3A_307 = tpu.memref_slice %arg11[%add3A_305, %dma_wait3A_306] : memref<64x64xi32, #tpu.memory_space<vmem>> -> memref<1x64xi32, #tpu.memory_space<vmem>>
          %dma_wait3A_308 = tpu.memref_squeeze %dma_wait3A_307 : memref<1x64xi32, #tpu.memory_space<vmem>> -> memref<64xi32, #tpu.memory_space<vmem>>
          %dma_wait3A_309 = arith.constant 0 : i32
          %dma_wait3A_310 = arith.constant 0 : i32
          %dma_wait3A_311 = tpu.memref_slice %arg8[%dma_wait3A_309, %dma_wait3A_310] : memref<10240x128xf32, #tpu.memory_space<vmem_shared>> -> memref<10240x128xf32, #tpu.memory_space<vmem_shared>>
          tpu.wait_indirect_dma semaphore(%arg23 : memref<!tpu.dma_semaphore, #tpu.memory_space<semaphore_mem>>) src(%arg15 : memref<64x128xf32, #tpu.memory_space<vmem>>) dst(%dma_wait3A_311 : memref<10240x128xf32, #tpu.memory_space<vmem_shared>>)
          %add3A_312 = arith.constant 3 : i32
          %add3A_313 = arith.addi %mul3A_169, %add3A_312 : i32
          %add3A_314 = arith.constant 4 : i32
          %add3A_315 = arith.addi %add3A_313, %add3A_314 : i32
          %mul3A_316 = arith.constant 64 : i32
          %mul3A_317 = arith.muli %add3A_315, %mul3A_316 : i32
          %dma_start3A_318 = tpu.memref_slice %arg9[%mul3A_317] : memref<4096xi32, #tpu.memory_space<vmem>> -> memref<64xi32, #tpu.memory_space<vmem>>
          %dma_start3A_319 = arith.constant 0 : i32
          %dma_start3A_320 = arith.constant 0 : i32
          %dma_start3A_321 = tpu.memref_slice %arg2[%dma_start3A_319, %dma_start3A_320] : memref<10240x128xf32, #tpu.memory_space<hbm>> -> memref<10240x128xf32, #tpu.memory_space<hbm>>
          tpu.enqueue_indirect_dma source(%dma_start3A_321 : memref<10240x128xf32, #tpu.memory_space<hbm>>) target(%arg15 : memref<64x128xf32, #tpu.memory_space<vmem>>) offsets(%dma_start3A_318 : memref<64xi32, #tpu.memory_space<vmem>>) semaphore(%arg22 : memref<!tpu.dma_semaphore, #tpu.memory_space<semaphore_mem>>)
        }
        %scan3A_114 = arith.constant 15 : i32
        %dma_wait3A_115 = arith.constant 60 : i32
        %dma_wait3A_116 = arith.constant 0 : i32
        %dma_wait3A_117 = tpu.memref_slice %arg11[%dma_wait3A_115, %dma_wait3A_116] : memref<64x64xi32, #tpu.memory_space<vmem>> -> memref<1x64xi32, #tpu.memory_space<vmem>>
        %dma_wait3A_118 = tpu.memref_squeeze %dma_wait3A_117 : memref<1x64xi32, #tpu.memory_space<vmem>> -> memref<64xi32, #tpu.memory_space<vmem>>
        %dma_wait3A_119 = arith.constant 0 : i32
        %dma_wait3A_120 = arith.constant 0 : i32
        %dma_wait3A_121 = tpu.memref_slice %arg8[%dma_wait3A_119, %dma_wait3A_120] : memref<10240x128xf32, #tpu.memory_space<vmem_shared>> -> memref<10240x128xf32, #tpu.memory_space<vmem_shared>>
        tpu.wait_indirect_dma semaphore(%arg17 : memref<!tpu.dma_semaphore, #tpu.memory_space<semaphore_mem>>) src(%arg12 : memref<64x128xf32, #tpu.memory_space<vmem>>) dst(%dma_wait3A_121 : memref<10240x128xf32, #tpu.memory_space<vmem_shared>>)
        %dma_wait3A_122 = arith.constant 3968 : i32
        %dma_wait3A_123 = tpu.memref_slice %arg9[%dma_wait3A_122] : memref<4096xi32, #tpu.memory_space<vmem>> -> memref<64xi32, #tpu.memory_space<vmem>>
        %dma_wait3A_124 = arith.constant 0 : i32
        %dma_wait3A_125 = arith.constant 0 : i32
        %dma_wait3A_126 = tpu.memref_slice %arg2[%dma_wait3A_124, %dma_wait3A_125] : memref<10240x128xf32, #tpu.memory_space<hbm>> -> memref<10240x128xf32, #tpu.memory_space<hbm>>
        tpu.wait_indirect_dma semaphore(%arg20 : memref<!tpu.dma_semaphore, #tpu.memory_space<semaphore_mem>>) src(%dma_wait3A_126 : memref<10240x128xf32, #tpu.memory_space<hbm>>) dst(%arg14 : memref<64x128xf32, #tpu.memory_space<vmem>>)
        %dma_start3A_127 = arith.constant 62 : i32
        %dma_start3A_128 = arith.constant 0 : i32
        %dma_start3A_129 = tpu.memref_slice %arg11[%dma_start3A_127, %dma_start3A_128] : memref<64x64xi32, #tpu.memory_space<vmem>> -> memref<1x64xi32, #tpu.memory_space<vmem>>
        %dma_start3A_130 = tpu.memref_squeeze %dma_start3A_129 : memref<1x64xi32, #tpu.memory_space<vmem>> -> memref<64xi32, #tpu.memory_space<vmem>>
        %dma_start3A_131 = arith.constant 0 : i32
        %dma_start3A_132 = arith.constant 0 : i32
        %dma_start3A_133 = tpu.memref_slice %arg8[%dma_start3A_131, %dma_start3A_132] : memref<10240x128xf32, #tpu.memory_space<vmem_shared>> -> memref<10240x128xf32, #tpu.memory_space<vmem_shared>>
        tpu.enqueue_indirect_dma source(%arg14 : memref<64x128xf32, #tpu.memory_space<vmem>>) target(%dma_start3A_133 : memref<10240x128xf32, #tpu.memory_space<vmem_shared>>) offsets(%dma_start3A_130 : memref<64xi32, #tpu.memory_space<vmem>>) semaphore(%arg21 : memref<!tpu.dma_semaphore, #tpu.memory_space<semaphore_mem>>) {add = true}
        %dma_wait3A_134 = arith.constant 61 : i32
        %dma_wait3A_135 = arith.constant 0 : i32
        %dma_wait3A_136 = tpu.memref_slice %arg11[%dma_wait3A_134, %dma_wait3A_135] : memref<64x64xi32, #tpu.memory_space<vmem>> -> memref<1x64xi32, #tpu.memory_space<vmem>>
        %dma_wait3A_137 = tpu.memref_squeeze %dma_wait3A_136 : memref<1x64xi32, #tpu.memory_space<vmem>> -> memref<64xi32, #tpu.memory_space<vmem>>
        %dma_wait3A_138 = arith.constant 0 : i32
        %dma_wait3A_139 = arith.constant 0 : i32
        %dma_wait3A_140 = tpu.memref_slice %arg8[%dma_wait3A_138, %dma_wait3A_139] : memref<10240x128xf32, #tpu.memory_space<vmem_shared>> -> memref<10240x128xf32, #tpu.memory_space<vmem_shared>>
        tpu.wait_indirect_dma semaphore(%arg19 : memref<!tpu.dma_semaphore, #tpu.memory_space<semaphore_mem>>) src(%arg13 : memref<64x128xf32, #tpu.memory_space<vmem>>) dst(%dma_wait3A_140 : memref<10240x128xf32, #tpu.memory_space<vmem_shared>>)
        %dma_wait3A_141 = arith.constant 4032 : i32
        %dma_wait3A_142 = tpu.memref_slice %arg9[%dma_wait3A_141] : memref<4096xi32, #tpu.memory_space<vmem>> -> memref<64xi32, #tpu.memory_space<vmem>>
        %dma_wait3A_143 = arith.constant 0 : i32
        %dma_wait3A_144 = arith.constant 0 : i32
        %dma_wait3A_145 = tpu.memref_slice %arg2[%dma_wait3A_143, %dma_wait3A_144] : memref<10240x128xf32, #tpu.memory_space<hbm>> -> memref<10240x128xf32, #tpu.memory_space<hbm>>
        tpu.wait_indirect_dma semaphore(%arg22 : memref<!tpu.dma_semaphore, #tpu.memory_space<semaphore_mem>>) src(%dma_wait3A_145 : memref<10240x128xf32, #tpu.memory_space<hbm>>) dst(%arg15 : memref<64x128xf32, #tpu.memory_space<vmem>>)
        %dma_start3A_146 = arith.constant 63 : i32
        %dma_start3A_147 = arith.constant 0 : i32
        %dma_start3A_148 = tpu.memref_slice %arg11[%dma_start3A_146, %dma_start3A_147] : memref<64x64xi32, #tpu.memory_space<vmem>> -> memref<1x64xi32, #tpu.memory_space<vmem>>
        %dma_start3A_149 = tpu.memref_squeeze %dma_start3A_148 : memref<1x64xi32, #tpu.memory_space<vmem>> -> memref<64xi32, #tpu.memory_space<vmem>>
        %dma_start3A_150 = arith.constant 0 : i32
        %dma_start3A_151 = arith.constant 0 : i32
        %dma_start3A_152 = tpu.memref_slice %arg8[%dma_start3A_150, %dma_start3A_151] : memref<10240x128xf32, #tpu.memory_space<vmem_shared>> -> memref<10240x128xf32, #tpu.memory_space<vmem_shared>>
        tpu.enqueue_indirect_dma source(%arg15 : memref<64x128xf32, #tpu.memory_space<vmem>>) target(%dma_start3A_152 : memref<10240x128xf32, #tpu.memory_space<vmem_shared>>) offsets(%dma_start3A_149 : memref<64xi32, #tpu.memory_space<vmem>>) semaphore(%arg23 : memref<!tpu.dma_semaphore, #tpu.memory_space<semaphore_mem>>) {add = true}
        %dma_wait3A_153 = arith.constant 62 : i32
        %dma_wait3A_154 = arith.constant 0 : i32
        %dma_wait3A_155 = tpu.memref_slice %arg11[%dma_wait3A_153, %dma_wait3A_154] : memref<64x64xi32, #tpu.memory_space<vmem>> -> memref<1x64xi32, #tpu.memory_space<vmem>>
        %dma_wait3A_156 = tpu.memref_squeeze %dma_wait3A_155 : memref<1x64xi32, #tpu.memory_space<vmem>> -> memref<64xi32, #tpu.memory_space<vmem>>
        %dma_wait3A_157 = arith.constant 0 : i32
        %dma_wait3A_158 = arith.constant 0 : i32
        %dma_wait3A_159 = tpu.memref_slice %arg8[%dma_wait3A_157, %dma_wait3A_158] : memref<10240x128xf32, #tpu.memory_space<vmem_shared>> -> memref<10240x128xf32, #tpu.memory_space<vmem_shared>>
        tpu.wait_indirect_dma semaphore(%arg21 : memref<!tpu.dma_semaphore, #tpu.memory_space<semaphore_mem>>) src(%arg14 : memref<64x128xf32, #tpu.memory_space<vmem>>) dst(%dma_wait3A_159 : memref<10240x128xf32, #tpu.memory_space<vmem_shared>>)
        %dma_wait3A_160 = arith.constant 63 : i32
        %dma_wait3A_161 = arith.constant 0 : i32
        %dma_wait3A_162 = tpu.memref_slice %arg11[%dma_wait3A_160, %dma_wait3A_161] : memref<64x64xi32, #tpu.memory_space<vmem>> -> memref<1x64xi32, #tpu.memory_space<vmem>>
        %dma_wait3A_163 = tpu.memref_squeeze %dma_wait3A_162 : memref<1x64xi32, #tpu.memory_space<vmem>> -> memref<64xi32, #tpu.memory_space<vmem>>
        %dma_wait3A_164 = arith.constant 0 : i32
        %dma_wait3A_165 = arith.constant 0 : i32
        %dma_wait3A_166 = tpu.memref_slice %arg8[%dma_wait3A_164, %dma_wait3A_165] : memref<10240x128xf32, #tpu.memory_space<vmem_shared>> -> memref<10240x128xf32, #tpu.memory_space<vmem_shared>>
        tpu.wait_indirect_dma semaphore(%arg23 : memref<!tpu.dma_semaphore, #tpu.memory_space<semaphore_mem>>) src(%arg15 : memref<64x128xf32, #tpu.memory_space<vmem>>) dst(%dma_wait3A_166 : memref<10240x128xf32, #tpu.memory_space<vmem_shared>>)
      }
      %scan3A_35 = arith.constant 5 : i32
    } else {
    }
    %eq3A_13 = arith.constant 1 : i32
    %eq3A_14 = arith.cmpi eq, %arg0, %eq3A_13 : i32
    %convert_element_type3A_15 = arith.extui %eq3A_14 : i1 to i32
    %cond3A_16 = arith.constant 0 : i32
    %cond3A_17 = arith.cmpi ne, %convert_element_type3A_15, %cond3A_16 : i32
    scf.if %cond3A_17 {
      %mul3A_29 = arith.constant 320 : i32
      %mul3A_30 = arith.muli %arg1, %mul3A_29 : i32
      %scan3A = arith.constant 0 : i32
      %scan3A_31 = arith.constant 0 : i32
      %scan3A_32 = arith.constant 5 : i32
      %scan3A_33 = arith.addi %scan3A_31, %scan3A_32 : i32
      %scan3A_34 = arith.constant 1 : i32
      scf.for %scan3A_36 = %scan3A_31 to %scan3A_33 step %scan3A_34  : i32 {
        %mul3A_37 = arith.constant 64 : i32
        %mul3A_38 = arith.muli %scan3A_36, %mul3A_37 : i32
        %add3A = arith.addi %mul3A_30, %mul3A_38 : i32
        %multiple_of3A = tpu.assume_multiple %add3A, 8 : i32
        %jit3A = arith.constant 2 : i32
        %div3A = arith.divsi %mul3A_30, %jit3A : i32
        %sign3A = arith.constant 0 : i32
        %sign3A_39 = arith.cmpi sgt, %mul3A_30, %sign3A : i32
        %sign3A_40 = arith.extui %sign3A_39 : i1 to i32
        %sign3A_41 = arith.constant 0 : i32
        %sign3A_42 = arith.cmpi slt, %mul3A_30, %sign3A_41 : i32
        %sign3A_43 = arith.extui %sign3A_42 : i1 to i32
        %sign3A_44 = arith.subi %sign3A_40, %sign3A_43 : i32
        %sign3A_45 = arith.constant 0 : i32
        %sign3A_46 = arith.cmpi sgt, %jit3A, %sign3A_45 : i32
        %sign3A_47 = arith.extui %sign3A_46 : i1 to i32
        %sign3A_48 = arith.constant 0 : i32
        %sign3A_49 = arith.cmpi slt, %jit3A, %sign3A_48 : i32
        %sign3A_50 = arith.extui %sign3A_49 : i1 to i32
        %sign3A_51 = arith.subi %sign3A_47, %sign3A_50 : i32
        %ne3A = arith.cmpi ne, %sign3A_44, %sign3A_51 : i32
        %rem3A = arith.remsi %mul3A_30, %jit3A : i32
        %ne3A_52 = arith.constant 0 : i32
        %ne3A_53 = arith.cmpi ne, %rem3A, %ne3A_52 : i32
        %and3A = arith.andi %ne3A, %ne3A_53 : i1
        %sub3A = arith.constant 1 : i32
        %sub3A_54 = arith.subi %div3A, %sub3A : i32
        %select_n3A = arith.select %and3A, %sub3A_54, %div3A : i32
        %mul3A_55 = arith.constant 32 : i32
        %mul3A_56 = arith.muli %scan3A_36, %mul3A_55 : i32
        %add3A_57 = arith.addi %select_n3A, %mul3A_56 : i32
        %multiple_of3A_58 = tpu.assume_multiple %add3A_57, 8 : i32
        %mul3A_59 = arith.constant 64 : i32
        %mul3A_60 = arith.muli %multiple_of3A, %mul3A_59 : i32
        "tpu.region"() ({
          %run_scoped3A = tpu.sem_alloc : memref<!tpu.dma_semaphore, #tpu.memory_space<semaphore_mem>>
          %dma_start3A_167 = tpu.memref_slice %arg4[%mul3A_60] : memref<327680xi32, #tpu.memory_space<hbm>> -> memref<4096xi32, #tpu.memory_space<hbm>>
          %dma_start3A_168 = tpu.memref_slice %arg4[%mul3A_60] : memref<327680xi32, #tpu.memory_space<hbm>> -> memref<4096xi32, #tpu.memory_space<hbm>>
          tpu.enqueue_dma source(%dma_start3A_168 : memref<4096xi32, #tpu.memory_space<hbm>>) target(%arg9 : memref<4096xi32, #tpu.memory_space<vmem>>) target_semaphore(%run_scoped3A : memref<!tpu.dma_semaphore, #tpu.memory_space<semaphore_mem>>)
          %dma_wait3A_169 = tpu.memref_slice %arg4[%mul3A_60] : memref<327680xi32, #tpu.memory_space<hbm>> -> memref<4096xi32, #tpu.memory_space<hbm>>
          %dma_wait3A_170 = tpu.memref_slice %arg4[%mul3A_60] : memref<327680xi32, #tpu.memory_space<hbm>> -> memref<4096xi32, #tpu.memory_space<hbm>>
          tpu.wait_dma2 semaphore(%run_scoped3A : memref<!tpu.dma_semaphore, #tpu.memory_space<semaphore_mem>>) src(%dma_wait3A_170 : memref<4096xi32, #tpu.memory_space<hbm>>) dst(%arg9 : memref<4096xi32, #tpu.memory_space<vmem>>)
          tpu.yield
        }) : () -> ()
        "tpu.region"() ({
          %run_scoped3A = tpu.sem_alloc : memref<!tpu.dma_semaphore, #tpu.memory_space<semaphore_mem>>
          %dma_start3A_167 = arith.constant 0 : i32
          %dma_start3A_168 = tpu.memref_slice %arg5[%multiple_of3A_58, %dma_start3A_167] : memref<2560x128xi32, #tpu.memory_space<hbm>> -> memref<32x128xi32, #tpu.memory_space<hbm>>
          %dma_start3A_169 = arith.constant 0 : i32
          %dma_start3A_170 = tpu.memref_slice %arg5[%multiple_of3A_58, %dma_start3A_169] : memref<2560x128xi32, #tpu.memory_space<hbm>> -> memref<32x128xi32, #tpu.memory_space<hbm>>
          tpu.enqueue_dma source(%dma_start3A_170 : memref<32x128xi32, #tpu.memory_space<hbm>>) target(%arg10 : memref<32x128xi32, #tpu.memory_space<vmem>>) target_semaphore(%run_scoped3A : memref<!tpu.dma_semaphore, #tpu.memory_space<semaphore_mem>>)
          %dma_wait3A_171 = arith.constant 0 : i32
          %dma_wait3A_172 = tpu.memref_slice %arg5[%multiple_of3A_58, %dma_wait3A_171] : memref<2560x128xi32, #tpu.memory_space<hbm>> -> memref<32x128xi32, #tpu.memory_space<hbm>>
          %dma_wait3A_173 = arith.constant 0 : i32
          %dma_wait3A_174 = tpu.memref_slice %arg5[%multiple_of3A_58, %dma_wait3A_173] : memref<2560x128xi32, #tpu.memory_space<hbm>> -> memref<32x128xi32, #tpu.memory_space<hbm>>
          tpu.wait_dma2 semaphore(%run_scoped3A : memref<!tpu.dma_semaphore, #tpu.memory_space<semaphore_mem>>) src(%dma_wait3A_174 : memref<32x128xi32, #tpu.memory_space<hbm>>) dst(%arg10 : memref<32x128xi32, #tpu.memory_space<vmem>>)
          tpu.yield
        }) : () -> ()
        %scan3A_61 = arith.constant 0 : i32
        %scan3A_62 = arith.constant 0 : i32
        %scan3A_63 = arith.constant 32 : i32
        %scan3A_64 = arith.addi %scan3A_62, %scan3A_63 : i32
        %scan3A_65 = arith.constant 1 : i32
        scf.for %scan3A_167 = %scan3A_62 to %scan3A_64 step %scan3A_65  : i32 {
          %get3A = arith.index_cast %scan3A_167 : i32 to index
          %get3A_168 = arith.constant 0 : index
          %get3A_169 = tpu.vector_load %arg10[%get3A, %get3A_168] {strides = array<i32>} : memref<32x128xi32, #tpu.memory_space<vmem>>, vector<1x16xi32>,
          %get3A_170 = vector.shape_cast %get3A_169 : vector<1x16xi32> to vector<16xi32>
          %mul3A_171 = arith.constant 2 : i32
          %mul3A_172 = arith.muli %mul3A_171, %scan3A_167 : i32
          %add3A_173 = arith.constant 0 : i32
          %add3A_174 = arith.addi %mul3A_172, %add3A_173 : i32
          %swap3A = arith.index_cast %add3A_174 : i32 to index
          %swap3A_175 = arith.constant 0 : index
          %swap3A_176 = tpu.vector_load %arg11[%swap3A, %swap3A_175] {strides = array<i32>} : memref<64x64xi32, #tpu.memory_space<vmem>>, vector<1x16xi32>,
          %swap3A_177 = vector.shape_cast %swap3A_176 : vector<1x16xi32> to vector<16xi32>
          %swap3A_178 = vector.shape_cast %get3A_170 : vector<16xi32> to vector<1x16xi32>
          tpu.vector_store %arg11[%swap3A, %swap3A_175], %swap3A_178 {strides = array<i32>} : memref<64x64xi32, #tpu.memory_space<vmem>>, vector<1x16xi32>,
          %get3A_179 = arith.index_cast %scan3A_167 : i32 to index
          %get3A_180 = arith.constant 16 : index
          %get3A_181 = tpu.vector_load %arg10[%get3A_179, %get3A_180] {strides = array<i32>} : memref<32x128xi32, #tpu.memory_space<vmem>>, vector<1x16xi32>,
          %get3A_182 = vector.shape_cast %get3A_181 : vector<1x16xi32> to vector<16xi32>
          %mul3A_183 = arith.constant 2 : i32
          %mul3A_184 = arith.muli %mul3A_183, %scan3A_167 : i32
          %add3A_185 = arith.constant 0 : i32
          %add3A_186 = arith.addi %mul3A_184, %add3A_185 : i32
          %swap3A_187 = arith.index_cast %add3A_186 : i32 to index
          %swap3A_188 = arith.constant 16 : index
          %swap3A_189 = tpu.vector_load %arg11[%swap3A_187, %swap3A_188] {strides = array<i32>} : memref<64x64xi32, #tpu.memory_space<vmem>>, vector<1x16xi32>,
          %swap3A_190 = vector.shape_cast %swap3A_189 : vector<1x16xi32> to vector<16xi32>
          %swap3A_191 = vector.shape_cast %get3A_182 : vector<16xi32> to vector<1x16xi32>
          tpu.vector_store %arg11[%swap3A_187, %swap3A_188], %swap3A_191 {strides = array<i32>} : memref<64x64xi32, #tpu.memory_space<vmem>>, vector<1x16xi32>,
          %get3A_192 = arith.index_cast %scan3A_167 : i32 to index
          %get3A_193 = arith.constant 32 : index
          %get3A_194 = tpu.vector_load %arg10[%get3A_192, %get3A_193] {strides = array<i32>} : memref<32x128xi32, #tpu.memory_space<vmem>>, vector<1x16xi32>,
          %get3A_195 = vector.shape_cast %get3A_194 : vector<1x16xi32> to vector<16xi32>
          %mul3A_196 = arith.constant 2 : i32
          %mul3A_197 = arith.muli %mul3A_196, %scan3A_167 : i32
          %add3A_198 = arith.constant 0 : i32
          %add3A_199 = arith.addi %mul3A_197, %add3A_198 : i32
          %swap3A_200 = arith.index_cast %add3A_199 : i32 to index
          %swap3A_201 = arith.constant 32 : index
          %swap3A_202 = tpu.vector_load %arg11[%swap3A_200, %swap3A_201] {strides = array<i32>} : memref<64x64xi32, #tpu.memory_space<vmem>>, vector<1x16xi32>,
          %swap3A_203 = vector.shape_cast %swap3A_202 : vector<1x16xi32> to vector<16xi32>
          %swap3A_204 = vector.shape_cast %get3A_195 : vector<16xi32> to vector<1x16xi32>
          tpu.vector_store %arg11[%swap3A_200, %swap3A_201], %swap3A_204 {strides = array<i32>} : memref<64x64xi32, #tpu.memory_space<vmem>>, vector<1x16xi32>,
          %get3A_205 = arith.index_cast %scan3A_167 : i32 to index
          %get3A_206 = arith.constant 48 : index
          %get3A_207 = tpu.vector_load %arg10[%get3A_205, %get3A_206] {strides = array<i32>} : memref<32x128xi32, #tpu.memory_space<vmem>>, vector<1x16xi32>,
          %get3A_208 = vector.shape_cast %get3A_207 : vector<1x16xi32> to vector<16xi32>
          %mul3A_209 = arith.constant 2 : i32
          %mul3A_210 = arith.muli %mul3A_209, %scan3A_167 : i32
          %add3A_211 = arith.constant 0 : i32
          %add3A_212 = arith.addi %mul3A_210, %add3A_211 : i32
          %swap3A_213 = arith.index_cast %add3A_212 : i32 to index
          %swap3A_214 = arith.constant 48 : index
          %swap3A_215 = tpu.vector_load %arg11[%swap3A_213, %swap3A_214] {strides = array<i32>} : memref<64x64xi32, #tpu.memory_space<vmem>>, vector<1x16xi32>,
          %swap3A_216 = vector.shape_cast %swap3A_215 : vector<1x16xi32> to vector<16xi32>
          %swap3A_217 = vector.shape_cast %get3A_208 : vector<16xi32> to vector<1x16xi32>
          tpu.vector_store %arg11[%swap3A_213, %swap3A_214], %swap3A_217 {strides = array<i32>} : memref<64x64xi32, #tpu.memory_space<vmem>>, vector<1x16xi32>,
          %get3A_218 = arith.index_cast %scan3A_167 : i32 to index
          %get3A_219 = arith.constant 64 : index
          %get3A_220 = tpu.vector_load %arg10[%get3A_218, %get3A_219] {strides = array<i32>} : memref<32x128xi32, #tpu.memory_space<vmem>>, vector<1x16xi32>,
          %get3A_221 = vector.shape_cast %get3A_220 : vector<1x16xi32> to vector<16xi32>
          %mul3A_222 = arith.constant 2 : i32
          %mul3A_223 = arith.muli %mul3A_222, %scan3A_167 : i32
          %add3A_224 = arith.constant 1 : i32
          %add3A_225 = arith.addi %mul3A_223, %add3A_224 : i32
          %swap3A_226 = arith.index_cast %add3A_225 : i32 to index
          %swap3A_227 = arith.constant 0 : index
          %swap3A_228 = tpu.vector_load %arg11[%swap3A_226, %swap3A_227] {strides = array<i32>} : memref<64x64xi32, #tpu.memory_space<vmem>>, vector<1x16xi32>,
          %swap3A_229 = vector.shape_cast %swap3A_228 : vector<1x16xi32> to vector<16xi32>
          %swap3A_230 = vector.shape_cast %get3A_221 : vector<16xi32> to vector<1x16xi32>
          tpu.vector_store %arg11[%swap3A_226, %swap3A_227], %swap3A_230 {strides = array<i32>} : memref<64x64xi32, #tpu.memory_space<vmem>>, vector<1x16xi32>,
          %get3A_231 = arith.index_cast %scan3A_167 : i32 to index
          %get3A_232 = arith.constant 80 : index
          %get3A_233 = tpu.vector_load %arg10[%get3A_231, %get3A_232] {strides = array<i32>} : memref<32x128xi32, #tpu.memory_space<vmem>>, vector<1x16xi32>,
          %get3A_234 = vector.shape_cast %get3A_233 : vector<1x16xi32> to vector<16xi32>
          %mul3A_235 = arith.constant 2 : i32
          %mul3A_236 = arith.muli %mul3A_235, %scan3A_167 : i32
          %add3A_237 = arith.constant 1 : i32
          %add3A_238 = arith.addi %mul3A_236, %add3A_237 : i32
          %swap3A_239 = arith.index_cast %add3A_238 : i32 to index
          %swap3A_240 = arith.constant 16 : index
          %swap3A_241 = tpu.vector_load %arg11[%swap3A_239, %swap3A_240] {strides = array<i32>} : memref<64x64xi32, #tpu.memory_space<vmem>>, vector<1x16xi32>,
          %swap3A_242 = vector.shape_cast %swap3A_241 : vector<1x16xi32> to vector<16xi32>
          %swap3A_243 = vector.shape_cast %get3A_234 : vector<16xi32> to vector<1x16xi32>
          tpu.vector_store %arg11[%swap3A_239, %swap3A_240], %swap3A_243 {strides = array<i32>} : memref<64x64xi32, #tpu.memory_space<vmem>>, vector<1x16xi32>,
          %get3A_244 = arith.index_cast %scan3A_167 : i32 to index
          %get3A_245 = arith.constant 96 : index
          %get3A_246 = tpu.vector_load %arg10[%get3A_244, %get3A_245] {strides = array<i32>} : memref<32x128xi32, #tpu.memory_space<vmem>>, vector<1x16xi32>,
          %get3A_247 = vector.shape_cast %get3A_246 : vector<1x16xi32> to vector<16xi32>
          %mul3A_248 = arith.constant 2 : i32
          %mul3A_249 = arith.muli %mul3A_248, %scan3A_167 : i32
          %add3A_250 = arith.constant 1 : i32
          %add3A_251 = arith.addi %mul3A_249, %add3A_250 : i32
          %swap3A_252 = arith.index_cast %add3A_251 : i32 to index
          %swap3A_253 = arith.constant 32 : index
          %swap3A_254 = tpu.vector_load %arg11[%swap3A_252, %swap3A_253] {strides = array<i32>} : memref<64x64xi32, #tpu.memory_space<vmem>>, vector<1x16xi32>,
          %swap3A_255 = vector.shape_cast %swap3A_254 : vector<1x16xi32> to vector<16xi32>
          %swap3A_256 = vector.shape_cast %get3A_247 : vector<16xi32> to vector<1x16xi32>
          tpu.vector_store %arg11[%swap3A_252, %swap3A_253], %swap3A_256 {strides = array<i32>} : memref<64x64xi32, #tpu.memory_space<vmem>>, vector<1x16xi32>,
          %get3A_257 = arith.index_cast %scan3A_167 : i32 to index
          %get3A_258 = arith.constant 112 : index
          %get3A_259 = tpu.vector_load %arg10[%get3A_257, %get3A_258] {strides = array<i32>} : memref<32x128xi32, #tpu.memory_space<vmem>>, vector<1x16xi32>,
          %get3A_260 = vector.shape_cast %get3A_259 : vector<1x16xi32> to vector<16xi32>
          %mul3A_261 = arith.constant 2 : i32
          %mul3A_262 = arith.muli %mul3A_261, %scan3A_167 : i32
          %add3A_263 = arith.constant 1 : i32
          %add3A_264 = arith.addi %mul3A_262, %add3A_263 : i32
          %swap3A_265 = arith.index_cast %add3A_264 : i32 to index
          %swap3A_266 = arith.constant 48 : index
          %swap3A_267 = tpu.vector_load %arg11[%swap3A_265, %swap3A_266] {strides = array<i32>} : memref<64x64xi32, #tpu.memory_space<vmem>>, vector<1x16xi32>,
          %swap3A_268 = vector.shape_cast %swap3A_267 : vector<1x16xi32> to vector<16xi32>
          %swap3A_269 = vector.shape_cast %get3A_260 : vector<16xi32> to vector<1x16xi32>
          tpu.vector_store %arg11[%swap3A_265, %swap3A_266], %swap3A_269 {strides = array<i32>} : memref<64x64xi32, #tpu.memory_space<vmem>>, vector<1x16xi32>,
        }
        %scan3A_66 = arith.constant 32 : i32
        %dma_start3A = arith.constant 0 : i32
        %dma_start3A_67 = tpu.memref_slice %arg9[%dma_start3A] : memref<4096xi32, #tpu.memory_space<vmem>> -> memref<64xi32, #tpu.memory_space<vmem>>
        %dma_start3A_68 = arith.constant 0 : i32
        %dma_start3A_69 = arith.constant 0 : i32
        %dma_start3A_70 = tpu.memref_slice %arg3[%dma_start3A_68, %dma_start3A_69] : memref<10240x128xf32, #tpu.memory_space<hbm>> -> memref<10240x128xf32, #tpu.memory_space<hbm>>
        tpu.enqueue_indirect_dma source(%dma_start3A_70 : memref<10240x128xf32, #tpu.memory_space<hbm>>) target(%arg12 : memref<64x128xf32, #tpu.memory_space<vmem>>) offsets(%dma_start3A_67 : memref<64xi32, #tpu.memory_space<vmem>>) semaphore(%arg16 : memref<!tpu.dma_semaphore, #tpu.memory_space<semaphore_mem>>)
        %dma_start3A_71 = arith.constant 64 : i32
        %dma_start3A_72 = tpu.memref_slice %arg9[%dma_start3A_71] : memref<4096xi32, #tpu.memory_space<vmem>> -> memref<64xi32, #tpu.memory_space<vmem>>
        %dma_start3A_73 = arith.constant 0 : i32
        %dma_start3A_74 = arith.constant 0 : i32
        %dma_start3A_75 = tpu.memref_slice %arg3[%dma_start3A_73, %dma_start3A_74] : memref<10240x128xf32, #tpu.memory_space<hbm>> -> memref<10240x128xf32, #tpu.memory_space<hbm>>
        tpu.enqueue_indirect_dma source(%dma_start3A_75 : memref<10240x128xf32, #tpu.memory_space<hbm>>) target(%arg13 : memref<64x128xf32, #tpu.memory_space<vmem>>) offsets(%dma_start3A_72 : memref<64xi32, #tpu.memory_space<vmem>>) semaphore(%arg18 : memref<!tpu.dma_semaphore, #tpu.memory_space<semaphore_mem>>)
        %dma_wait3A = arith.constant 0 : i32
        %dma_wait3A_76 = tpu.memref_slice %arg9[%dma_wait3A] : memref<4096xi32, #tpu.memory_space<vmem>> -> memref<64xi32, #tpu.memory_space<vmem>>
        %dma_wait3A_77 = arith.constant 0 : i32
        %dma_wait3A_78 = arith.constant 0 : i32
        %dma_wait3A_79 = tpu.memref_slice %arg3[%dma_wait3A_77, %dma_wait3A_78] : memref<10240x128xf32, #tpu.memory_space<hbm>> -> memref<10240x128xf32, #tpu.memory_space<hbm>>
        tpu.wait_indirect_dma semaphore(%arg16 : memref<!tpu.dma_semaphore, #tpu.memory_space<semaphore_mem>>) src(%dma_wait3A_79 : memref<10240x128xf32, #tpu.memory_space<hbm>>) dst(%arg12 : memref<64x128xf32, #tpu.memory_space<vmem>>)
        %dma_start3A_80 = arith.constant 0 : i32
        %dma_start3A_81 = arith.constant 0 : i32
        %dma_start3A_82 = tpu.memref_slice %arg11[%dma_start3A_80, %dma_start3A_81] : memref<64x64xi32, #tpu.memory_space<vmem>> -> memref<1x64xi32, #tpu.memory_space<vmem>>
        %dma_start3A_83 = tpu.memref_squeeze %dma_start3A_82 : memref<1x64xi32, #tpu.memory_space<vmem>> -> memref<64xi32, #tpu.memory_space<vmem>>
        %dma_start3A_84 = arith.constant 0 : i32
        %dma_start3A_85 = arith.constant 0 : i32
        %dma_start3A_86 = tpu.memref_slice %arg8[%dma_start3A_84, %dma_start3A_85] : memref<10240x128xf32, #tpu.memory_space<vmem_shared>> -> memref<10240x128xf32, #tpu.memory_space<vmem_shared>>
        tpu.enqueue_indirect_dma source(%arg12 : memref<64x128xf32, #tpu.memory_space<vmem>>) target(%dma_start3A_86 : memref<10240x128xf32, #tpu.memory_space<vmem_shared>>) offsets(%dma_start3A_83 : memref<64xi32, #tpu.memory_space<vmem>>) semaphore(%arg17 : memref<!tpu.dma_semaphore, #tpu.memory_space<semaphore_mem>>) {add = true}
        %dma_start3A_87 = arith.constant 128 : i32
        %dma_start3A_88 = tpu.memref_slice %arg9[%dma_start3A_87] : memref<4096xi32, #tpu.memory_space<vmem>> -> memref<64xi32, #tpu.memory_space<vmem>>
        %dma_start3A_89 = arith.constant 0 : i32
        %dma_start3A_90 = arith.constant 0 : i32
        %dma_start3A_91 = tpu.memref_slice %arg3[%dma_start3A_89, %dma_start3A_90] : memref<10240x128xf32, #tpu.memory_space<hbm>> -> memref<10240x128xf32, #tpu.memory_space<hbm>>
        tpu.enqueue_indirect_dma source(%dma_start3A_91 : memref<10240x128xf32, #tpu.memory_space<hbm>>) target(%arg14 : memref<64x128xf32, #tpu.memory_space<vmem>>) offsets(%dma_start3A_88 : memref<64xi32, #tpu.memory_space<vmem>>) semaphore(%arg20 : memref<!tpu.dma_semaphore, #tpu.memory_space<semaphore_mem>>)
        %dma_wait3A_92 = arith.constant 64 : i32
        %dma_wait3A_93 = tpu.memref_slice %arg9[%dma_wait3A_92] : memref<4096xi32, #tpu.memory_space<vmem>> -> memref<64xi32, #tpu.memory_space<vmem>>
        %dma_wait3A_94 = arith.constant 0 : i32
        %dma_wait3A_95 = arith.constant 0 : i32
        %dma_wait3A_96 = tpu.memref_slice %arg3[%dma_wait3A_94, %dma_wait3A_95] : memref<10240x128xf32, #tpu.memory_space<hbm>> -> memref<10240x128xf32, #tpu.memory_space<hbm>>
        tpu.wait_indirect_dma semaphore(%arg18 : memref<!tpu.dma_semaphore, #tpu.memory_space<semaphore_mem>>) src(%dma_wait3A_96 : memref<10240x128xf32, #tpu.memory_space<hbm>>) dst(%arg13 : memref<64x128xf32, #tpu.memory_space<vmem>>)
        %dma_start3A_97 = arith.constant 1 : i32
        %dma_start3A_98 = arith.constant 0 : i32
        %dma_start3A_99 = tpu.memref_slice %arg11[%dma_start3A_97, %dma_start3A_98] : memref<64x64xi32, #tpu.memory_space<vmem>> -> memref<1x64xi32, #tpu.memory_space<vmem>>
        %dma_start3A_100 = tpu.memref_squeeze %dma_start3A_99 : memref<1x64xi32, #tpu.memory_space<vmem>> -> memref<64xi32, #tpu.memory_space<vmem>>
        %dma_start3A_101 = arith.constant 0 : i32
        %dma_start3A_102 = arith.constant 0 : i32
        %dma_start3A_103 = tpu.memref_slice %arg8[%dma_start3A_101, %dma_start3A_102] : memref<10240x128xf32, #tpu.memory_space<vmem_shared>> -> memref<10240x128xf32, #tpu.memory_space<vmem_shared>>
        tpu.enqueue_indirect_dma source(%arg13 : memref<64x128xf32, #tpu.memory_space<vmem>>) target(%dma_start3A_103 : memref<10240x128xf32, #tpu.memory_space<vmem_shared>>) offsets(%dma_start3A_100 : memref<64xi32, #tpu.memory_space<vmem>>) semaphore(%arg19 : memref<!tpu.dma_semaphore, #tpu.memory_space<semaphore_mem>>) {add = true}
        %dma_start3A_104 = arith.constant 192 : i32
        %dma_start3A_105 = tpu.memref_slice %arg9[%dma_start3A_104] : memref<4096xi32, #tpu.memory_space<vmem>> -> memref<64xi32, #tpu.memory_space<vmem>>
        %dma_start3A_106 = arith.constant 0 : i32
        %dma_start3A_107 = arith.constant 0 : i32
        %dma_start3A_108 = tpu.memref_slice %arg3[%dma_start3A_106, %dma_start3A_107] : memref<10240x128xf32, #tpu.memory_space<hbm>> -> memref<10240x128xf32, #tpu.memory_space<hbm>>
        tpu.enqueue_indirect_dma source(%dma_start3A_108 : memref<10240x128xf32, #tpu.memory_space<hbm>>) target(%arg15 : memref<64x128xf32, #tpu.memory_space<vmem>>) offsets(%dma_start3A_105 : memref<64xi32, #tpu.memory_space<vmem>>) semaphore(%arg22 : memref<!tpu.dma_semaphore, #tpu.memory_space<semaphore_mem>>)
        %scan3A_109 = arith.constant 0 : i32
        %scan3A_110 = arith.constant 0 : i32
        %scan3A_111 = arith.constant 15 : i32
        %scan3A_112 = arith.addi %scan3A_110, %scan3A_111 : i32
        %scan3A_113 = arith.constant 1 : i32
        scf.for %scan3A_167 = %scan3A_110 to %scan3A_112 step %scan3A_113  : i32 {
          %mul3A_168 = arith.constant 4 : i32
          %mul3A_169 = arith.muli %mul3A_168, %scan3A_167 : i32
          %add3A_170 = arith.constant 0 : i32
          %add3A_171 = arith.addi %mul3A_169, %add3A_170 : i32
          %add3A_172 = arith.constant 2 : i32
          %add3A_173 = arith.addi %add3A_171, %add3A_172 : i32
          %mul3A_174 = arith.constant 64 : i32
          %mul3A_175 = arith.muli %add3A_173, %mul3A_174 : i32
          %dma_wait3A_176 = tpu.memref_slice %arg9[%mul3A_175] : memref<4096xi32, #tpu.memory_space<vmem>> -> memref<64xi32, #tpu.memory_space<vmem>>
          %dma_wait3A_177 = arith.constant 0 : i32
          %dma_wait3A_178 = arith.constant 0 : i32
          %dma_wait3A_179 = tpu.memref_slice %arg3[%dma_wait3A_177, %dma_wait3A_178] : memref<10240x128xf32, #tpu.memory_space<hbm>> -> memref<10240x128xf32, #tpu.memory_space<hbm>>
          tpu.wait_indirect_dma semaphore(%arg20 : memref<!tpu.dma_semaphore, #tpu.memory_space<semaphore_mem>>) src(%dma_wait3A_179 : memref<10240x128xf32, #tpu.memory_space<hbm>>) dst(%arg14 : memref<64x128xf32, #tpu.memory_space<vmem>>)
          %add3A_180 = arith.constant 0 : i32
          %add3A_181 = arith.addi %mul3A_169, %add3A_180 : i32
          %add3A_182 = arith.constant 2 : i32
          %add3A_183 = arith.addi %add3A_181, %add3A_182 : i32
          %dma_start3A_184 = arith.constant 0 : i32
          %dma_start3A_185 = tpu.memref_slice %arg11[%add3A_183, %dma_start3A_184] : memref<64x64xi32, #tpu.memory_space<vmem>> -> memref<1x64xi32, #tpu.memory_space<vmem>>
          %dma_start3A_186 = tpu.memref_squeeze %dma_start3A_185 : memref<1x64xi32, #tpu.memory_space<vmem>> -> memref<64xi32, #tpu.memory_space<vmem>>
          %dma_start3A_187 = arith.constant 0 : i32
          %dma_start3A_188 = arith.constant 0 : i32
          %dma_start3A_189 = tpu.memref_slice %arg8[%dma_start3A_187, %dma_start3A_188] : memref<10240x128xf32, #tpu.memory_space<vmem_shared>> -> memref<10240x128xf32, #tpu.memory_space<vmem_shared>>
          tpu.enqueue_indirect_dma source(%arg14 : memref<64x128xf32, #tpu.memory_space<vmem>>) target(%dma_start3A_189 : memref<10240x128xf32, #tpu.memory_space<vmem_shared>>) offsets(%dma_start3A_186 : memref<64xi32, #tpu.memory_space<vmem>>) semaphore(%arg21 : memref<!tpu.dma_semaphore, #tpu.memory_space<semaphore_mem>>) {add = true}
          %add3A_190 = arith.constant 0 : i32
          %add3A_191 = arith.addi %mul3A_169, %add3A_190 : i32
          %dma_wait3A_192 = arith.constant 0 : i32
          %dma_wait3A_193 = tpu.memref_slice %arg11[%add3A_191, %dma_wait3A_192] : memref<64x64xi32, #tpu.memory_space<vmem>> -> memref<1x64xi32, #tpu.memory_space<vmem>>
          %dma_wait3A_194 = tpu.memref_squeeze %dma_wait3A_193 : memref<1x64xi32, #tpu.memory_space<vmem>> -> memref<64xi32, #tpu.memory_space<vmem>>
          %dma_wait3A_195 = arith.constant 0 : i32
          %dma_wait3A_196 = arith.constant 0 : i32
          %dma_wait3A_197 = tpu.memref_slice %arg8[%dma_wait3A_195, %dma_wait3A_196] : memref<10240x128xf32, #tpu.memory_space<vmem_shared>> -> memref<10240x128xf32, #tpu.memory_space<vmem_shared>>
          tpu.wait_indirect_dma semaphore(%arg17 : memref<!tpu.dma_semaphore, #tpu.memory_space<semaphore_mem>>) src(%arg12 : memref<64x128xf32, #tpu.memory_space<vmem>>) dst(%dma_wait3A_197 : memref<10240x128xf32, #tpu.memory_space<vmem_shared>>)
          %add3A_198 = arith.constant 0 : i32
          %add3A_199 = arith.addi %mul3A_169, %add3A_198 : i32
          %add3A_200 = arith.constant 4 : i32
          %add3A_201 = arith.addi %add3A_199, %add3A_200 : i32
          %mul3A_202 = arith.constant 64 : i32
          %mul3A_203 = arith.muli %add3A_201, %mul3A_202 : i32
          %dma_start3A_204 = tpu.memref_slice %arg9[%mul3A_203] : memref<4096xi32, #tpu.memory_space<vmem>> -> memref<64xi32, #tpu.memory_space<vmem>>
          %dma_start3A_205 = arith.constant 0 : i32
          %dma_start3A_206 = arith.constant 0 : i32
          %dma_start3A_207 = tpu.memref_slice %arg3[%dma_start3A_205, %dma_start3A_206] : memref<10240x128xf32, #tpu.memory_space<hbm>> -> memref<10240x128xf32, #tpu.memory_space<hbm>>
          tpu.enqueue_indirect_dma source(%dma_start3A_207 : memref<10240x128xf32, #tpu.memory_space<hbm>>) target(%arg12 : memref<64x128xf32, #tpu.memory_space<vmem>>) offsets(%dma_start3A_204 : memref<64xi32, #tpu.memory_space<vmem>>) semaphore(%arg16 : memref<!tpu.dma_semaphore, #tpu.memory_space<semaphore_mem>>)
          %add3A_208 = arith.constant 1 : i32
          %add3A_209 = arith.addi %mul3A_169, %add3A_208 : i32
          %add3A_210 = arith.constant 2 : i32
          %add3A_211 = arith.addi %add3A_209, %add3A_210 : i32
          %mul3A_212 = arith.constant 64 : i32
          %mul3A_213 = arith.muli %add3A_211, %mul3A_212 : i32
          %dma_wait3A_214 = tpu.memref_slice %arg9[%mul3A_213] : memref<4096xi32, #tpu.memory_space<vmem>> -> memref<64xi32, #tpu.memory_space<vmem>>
          %dma_wait3A_215 = arith.constant 0 : i32
          %dma_wait3A_216 = arith.constant 0 : i32
          %dma_wait3A_217 = tpu.memref_slice %arg3[%dma_wait3A_215, %dma_wait3A_216] : memref<10240x128xf32, #tpu.memory_space<hbm>> -> memref<10240x128xf32, #tpu.memory_space<hbm>>
          tpu.wait_indirect_dma semaphore(%arg22 : memref<!tpu.dma_semaphore, #tpu.memory_space<semaphore_mem>>) src(%dma_wait3A_217 : memref<10240x128xf32, #tpu.memory_space<hbm>>) dst(%arg15 : memref<64x128xf32, #tpu.memory_space<vmem>>)
          %add3A_218 = arith.constant 1 : i32
          %add3A_219 = arith.addi %mul3A_169, %add3A_218 : i32
          %add3A_220 = arith.constant 2 : i32
          %add3A_221 = arith.addi %add3A_219, %add3A_220 : i32
          %dma_start3A_222 = arith.constant 0 : i32
          %dma_start3A_223 = tpu.memref_slice %arg11[%add3A_221, %dma_start3A_222] : memref<64x64xi32, #tpu.memory_space<vmem>> -> memref<1x64xi32, #tpu.memory_space<vmem>>
          %dma_start3A_224 = tpu.memref_squeeze %dma_start3A_223 : memref<1x64xi32, #tpu.memory_space<vmem>> -> memref<64xi32, #tpu.memory_space<vmem>>
          %dma_start3A_225 = arith.constant 0 : i32
          %dma_start3A_226 = arith.constant 0 : i32
          %dma_start3A_227 = tpu.memref_slice %arg8[%dma_start3A_225, %dma_start3A_226] : memref<10240x128xf32, #tpu.memory_space<vmem_shared>> -> memref<10240x128xf32, #tpu.memory_space<vmem_shared>>
          tpu.enqueue_indirect_dma source(%arg15 : memref<64x128xf32, #tpu.memory_space<vmem>>) target(%dma_start3A_227 : memref<10240x128xf32, #tpu.memory_space<vmem_shared>>) offsets(%dma_start3A_224 : memref<64xi32, #tpu.memory_space<vmem>>) semaphore(%arg23 : memref<!tpu.dma_semaphore, #tpu.memory_space<semaphore_mem>>) {add = true}
          %add3A_228 = arith.constant 1 : i32
          %add3A_229 = arith.addi %mul3A_169, %add3A_228 : i32
          %dma_wait3A_230 = arith.constant 0 : i32
          %dma_wait3A_231 = tpu.memref_slice %arg11[%add3A_229, %dma_wait3A_230] : memref<64x64xi32, #tpu.memory_space<vmem>> -> memref<1x64xi32, #tpu.memory_space<vmem>>
          %dma_wait3A_232 = tpu.memref_squeeze %dma_wait3A_231 : memref<1x64xi32, #tpu.memory_space<vmem>> -> memref<64xi32, #tpu.memory_space<vmem>>
          %dma_wait3A_233 = arith.constant 0 : i32
          %dma_wait3A_234 = arith.constant 0 : i32
          %dma_wait3A_235 = tpu.memref_slice %arg8[%dma_wait3A_233, %dma_wait3A_234] : memref<10240x128xf32, #tpu.memory_space<vmem_shared>> -> memref<10240x128xf32, #tpu.memory_space<vmem_shared>>
          tpu.wait_indirect_dma semaphore(%arg19 : memref<!tpu.dma_semaphore, #tpu.memory_space<semaphore_mem>>) src(%arg13 : memref<64x128xf32, #tpu.memory_space<vmem>>) dst(%dma_wait3A_235 : memref<10240x128xf32, #tpu.memory_space<vmem_shared>>)
          %add3A_236 = arith.constant 1 : i32
          %add3A_237 = arith.addi %mul3A_169, %add3A_236 : i32
          %add3A_238 = arith.constant 4 : i32
          %add3A_239 = arith.addi %add3A_237, %add3A_238 : i32
          %mul3A_240 = arith.constant 64 : i32
          %mul3A_241 = arith.muli %add3A_239, %mul3A_240 : i32
          %dma_start3A_242 = tpu.memref_slice %arg9[%mul3A_241] : memref<4096xi32, #tpu.memory_space<vmem>> -> memref<64xi32, #tpu.memory_space<vmem>>
          %dma_start3A_243 = arith.constant 0 : i32
          %dma_start3A_244 = arith.constant 0 : i32
          %dma_start3A_245 = tpu.memref_slice %arg3[%dma_start3A_243, %dma_start3A_244] : memref<10240x128xf32, #tpu.memory_space<hbm>> -> memref<10240x128xf32, #tpu.memory_space<hbm>>
          tpu.enqueue_indirect_dma source(%dma_start3A_245 : memref<10240x128xf32, #tpu.memory_space<hbm>>) target(%arg13 : memref<64x128xf32, #tpu.memory_space<vmem>>) offsets(%dma_start3A_242 : memref<64xi32, #tpu.memory_space<vmem>>) semaphore(%arg18 : memref<!tpu.dma_semaphore, #tpu.memory_space<semaphore_mem>>)
          %add3A_246 = arith.constant 2 : i32
          %add3A_247 = arith.addi %mul3A_169, %add3A_246 : i32
          %add3A_248 = arith.constant 2 : i32
          %add3A_249 = arith.addi %add3A_247, %add3A_248 : i32
          %mul3A_250 = arith.constant 64 : i32
          %mul3A_251 = arith.muli %add3A_249, %mul3A_250 : i32
          %dma_wait3A_252 = tpu.memref_slice %arg9[%mul3A_251] : memref<4096xi32, #tpu.memory_space<vmem>> -> memref<64xi32, #tpu.memory_space<vmem>>
          %dma_wait3A_253 = arith.constant 0 : i32
          %dma_wait3A_254 = arith.constant 0 : i32
          %dma_wait3A_255 = tpu.memref_slice %arg3[%dma_wait3A_253, %dma_wait3A_254] : memref<10240x128xf32, #tpu.memory_space<hbm>> -> memref<10240x128xf32, #tpu.memory_space<hbm>>
          tpu.wait_indirect_dma semaphore(%arg16 : memref<!tpu.dma_semaphore, #tpu.memory_space<semaphore_mem>>) src(%dma_wait3A_255 : memref<10240x128xf32, #tpu.memory_space<hbm>>) dst(%arg12 : memref<64x128xf32, #tpu.memory_space<vmem>>)
          %add3A_256 = arith.constant 2 : i32
          %add3A_257 = arith.addi %mul3A_169, %add3A_256 : i32
          %add3A_258 = arith.constant 2 : i32
          %add3A_259 = arith.addi %add3A_257, %add3A_258 : i32
          %dma_start3A_260 = arith.constant 0 : i32
          %dma_start3A_261 = tpu.memref_slice %arg11[%add3A_259, %dma_start3A_260] : memref<64x64xi32, #tpu.memory_space<vmem>> -> memref<1x64xi32, #tpu.memory_space<vmem>>
          %dma_start3A_262 = tpu.memref_squeeze %dma_start3A_261 : memref<1x64xi32, #tpu.memory_space<vmem>> -> memref<64xi32, #tpu.memory_space<vmem>>
          %dma_start3A_263 = arith.constant 0 : i32
          %dma_start3A_264 = arith.constant 0 : i32
          %dma_start3A_265 = tpu.memref_slice %arg8[%dma_start3A_263, %dma_start3A_264] : memref<10240x128xf32, #tpu.memory_space<vmem_shared>> -> memref<10240x128xf32, #tpu.memory_space<vmem_shared>>
          tpu.enqueue_indirect_dma source(%arg12 : memref<64x128xf32, #tpu.memory_space<vmem>>) target(%dma_start3A_265 : memref<10240x128xf32, #tpu.memory_space<vmem_shared>>) offsets(%dma_start3A_262 : memref<64xi32, #tpu.memory_space<vmem>>) semaphore(%arg17 : memref<!tpu.dma_semaphore, #tpu.memory_space<semaphore_mem>>) {add = true}
          %add3A_266 = arith.constant 2 : i32
          %add3A_267 = arith.addi %mul3A_169, %add3A_266 : i32
          %dma_wait3A_268 = arith.constant 0 : i32
          %dma_wait3A_269 = tpu.memref_slice %arg11[%add3A_267, %dma_wait3A_268] : memref<64x64xi32, #tpu.memory_space<vmem>> -> memref<1x64xi32, #tpu.memory_space<vmem>>
          %dma_wait3A_270 = tpu.memref_squeeze %dma_wait3A_269 : memref<1x64xi32, #tpu.memory_space<vmem>> -> memref<64xi32, #tpu.memory_space<vmem>>
          %dma_wait3A_271 = arith.constant 0 : i32
          %dma_wait3A_272 = arith.constant 0 : i32
          %dma_wait3A_273 = tpu.memref_slice %arg8[%dma_wait3A_271, %dma_wait3A_272] : memref<10240x128xf32, #tpu.memory_space<vmem_shared>> -> memref<10240x128xf32, #tpu.memory_space<vmem_shared>>
          tpu.wait_indirect_dma semaphore(%arg21 : memref<!tpu.dma_semaphore, #tpu.memory_space<semaphore_mem>>) src(%arg14 : memref<64x128xf32, #tpu.memory_space<vmem>>) dst(%dma_wait3A_273 : memref<10240x128xf32, #tpu.memory_space<vmem_shared>>)
          %add3A_274 = arith.constant 2 : i32
          %add3A_275 = arith.addi %mul3A_169, %add3A_274 : i32
          %add3A_276 = arith.constant 4 : i32
          %add3A_277 = arith.addi %add3A_275, %add3A_276 : i32
          %mul3A_278 = arith.constant 64 : i32
          %mul3A_279 = arith.muli %add3A_277, %mul3A_278 : i32
          %dma_start3A_280 = tpu.memref_slice %arg9[%mul3A_279] : memref<4096xi32, #tpu.memory_space<vmem>> -> memref<64xi32, #tpu.memory_space<vmem>>
          %dma_start3A_281 = arith.constant 0 : i32
          %dma_start3A_282 = arith.constant 0 : i32
          %dma_start3A_283 = tpu.memref_slice %arg3[%dma_start3A_281, %dma_start3A_282] : memref<10240x128xf32, #tpu.memory_space<hbm>> -> memref<10240x128xf32, #tpu.memory_space<hbm>>
          tpu.enqueue_indirect_dma source(%dma_start3A_283 : memref<10240x128xf32, #tpu.memory_space<hbm>>) target(%arg14 : memref<64x128xf32, #tpu.memory_space<vmem>>) offsets(%dma_start3A_280 : memref<64xi32, #tpu.memory_space<vmem>>) semaphore(%arg20 : memref<!tpu.dma_semaphore, #tpu.memory_space<semaphore_mem>>)
          %add3A_284 = arith.constant 3 : i32
          %add3A_285 = arith.addi %mul3A_169, %add3A_284 : i32
          %add3A_286 = arith.constant 2 : i32
          %add3A_287 = arith.addi %add3A_285, %add3A_286 : i32
          %mul3A_288 = arith.constant 64 : i32
          %mul3A_289 = arith.muli %add3A_287, %mul3A_288 : i32
          %dma_wait3A_290 = tpu.memref_slice %arg9[%mul3A_289] : memref<4096xi32, #tpu.memory_space<vmem>> -> memref<64xi32, #tpu.memory_space<vmem>>
          %dma_wait3A_291 = arith.constant 0 : i32
          %dma_wait3A_292 = arith.constant 0 : i32
          %dma_wait3A_293 = tpu.memref_slice %arg3[%dma_wait3A_291, %dma_wait3A_292] : memref<10240x128xf32, #tpu.memory_space<hbm>> -> memref<10240x128xf32, #tpu.memory_space<hbm>>
          tpu.wait_indirect_dma semaphore(%arg18 : memref<!tpu.dma_semaphore, #tpu.memory_space<semaphore_mem>>) src(%dma_wait3A_293 : memref<10240x128xf32, #tpu.memory_space<hbm>>) dst(%arg13 : memref<64x128xf32, #tpu.memory_space<vmem>>)
          %add3A_294 = arith.constant 3 : i32
          %add3A_295 = arith.addi %mul3A_169, %add3A_294 : i32
          %add3A_296 = arith.constant 2 : i32
          %add3A_297 = arith.addi %add3A_295, %add3A_296 : i32
          %dma_start3A_298 = arith.constant 0 : i32
          %dma_start3A_299 = tpu.memref_slice %arg11[%add3A_297, %dma_start3A_298] : memref<64x64xi32, #tpu.memory_space<vmem>> -> memref<1x64xi32, #tpu.memory_space<vmem>>
          %dma_start3A_300 = tpu.memref_squeeze %dma_start3A_299 : memref<1x64xi32, #tpu.memory_space<vmem>> -> memref<64xi32, #tpu.memory_space<vmem>>
          %dma_start3A_301 = arith.constant 0 : i32
          %dma_start3A_302 = arith.constant 0 : i32
          %dma_start3A_303 = tpu.memref_slice %arg8[%dma_start3A_301, %dma_start3A_302] : memref<10240x128xf32, #tpu.memory_space<vmem_shared>> -> memref<10240x128xf32, #tpu.memory_space<vmem_shared>>
          tpu.enqueue_indirect_dma source(%arg13 : memref<64x128xf32, #tpu.memory_space<vmem>>) target(%dma_start3A_303 : memref<10240x128xf32, #tpu.memory_space<vmem_shared>>) offsets(%dma_start3A_300 : memref<64xi32, #tpu.memory_space<vmem>>) semaphore(%arg19 : memref<!tpu.dma_semaphore, #tpu.memory_space<semaphore_mem>>) {add = true}
          %add3A_304 = arith.constant 3 : i32
          %add3A_305 = arith.addi %mul3A_169, %add3A_304 : i32
          %dma_wait3A_306 = arith.constant 0 : i32
          %dma_wait3A_307 = tpu.memref_slice %arg11[%add3A_305, %dma_wait3A_306] : memref<64x64xi32, #tpu.memory_space<vmem>> -> memref<1x64xi32, #tpu.memory_space<vmem>>
          %dma_wait3A_308 = tpu.memref_squeeze %dma_wait3A_307 : memref<1x64xi32, #tpu.memory_space<vmem>> -> memref<64xi32, #tpu.memory_space<vmem>>
          %dma_wait3A_309 = arith.constant 0 : i32
          %dma_wait3A_310 = arith.constant 0 : i32
          %dma_wait3A_311 = tpu.memref_slice %arg8[%dma_wait3A_309, %dma_wait3A_310] : memref<10240x128xf32, #tpu.memory_space<vmem_shared>> -> memref<10240x128xf32, #tpu.memory_space<vmem_shared>>
          tpu.wait_indirect_dma semaphore(%arg23 : memref<!tpu.dma_semaphore, #tpu.memory_space<semaphore_mem>>) src(%arg15 : memref<64x128xf32, #tpu.memory_space<vmem>>) dst(%dma_wait3A_311 : memref<10240x128xf32, #tpu.memory_space<vmem_shared>>)
          %add3A_312 = arith.constant 3 : i32
          %add3A_313 = arith.addi %mul3A_169, %add3A_312 : i32
          %add3A_314 = arith.constant 4 : i32
          %add3A_315 = arith.addi %add3A_313, %add3A_314 : i32
          %mul3A_316 = arith.constant 64 : i32
          %mul3A_317 = arith.muli %add3A_315, %mul3A_316 : i32
          %dma_start3A_318 = tpu.memref_slice %arg9[%mul3A_317] : memref<4096xi32, #tpu.memory_space<vmem>> -> memref<64xi32, #tpu.memory_space<vmem>>
          %dma_start3A_319 = arith.constant 0 : i32
          %dma_start3A_320 = arith.constant 0 : i32
          %dma_start3A_321 = tpu.memref_slice %arg3[%dma_start3A_319, %dma_start3A_320] : memref<10240x128xf32, #tpu.memory_space<hbm>> -> memref<10240x128xf32, #tpu.memory_space<hbm>>
          tpu.enqueue_indirect_dma source(%dma_start3A_321 : memref<10240x128xf32, #tpu.memory_space<hbm>>) target(%arg15 : memref<64x128xf32, #tpu.memory_space<vmem>>) offsets(%dma_start3A_318 : memref<64xi32, #tpu.memory_space<vmem>>) semaphore(%arg22 : memref<!tpu.dma_semaphore, #tpu.memory_space<semaphore_mem>>)
        }
        %scan3A_114 = arith.constant 15 : i32
        %dma_wait3A_115 = arith.constant 60 : i32
        %dma_wait3A_116 = arith.constant 0 : i32
        %dma_wait3A_117 = tpu.memref_slice %arg11[%dma_wait3A_115, %dma_wait3A_116] : memref<64x64xi32, #tpu.memory_space<vmem>> -> memref<1x64xi32, #tpu.memory_space<vmem>>
        %dma_wait3A_118 = tpu.memref_squeeze %dma_wait3A_117 : memref<1x64xi32, #tpu.memory_space<vmem>> -> memref<64xi32, #tpu.memory_space<vmem>>
        %dma_wait3A_119 = arith.constant 0 : i32
        %dma_wait3A_120 = arith.constant 0 : i32
        %dma_wait3A_121 = tpu.memref_slice %arg8[%dma_wait3A_119, %dma_wait3A_120] : memref<10240x128xf32, #tpu.memory_space<vmem_shared>> -> memref<10240x128xf32, #tpu.memory_space<vmem_shared>>
        tpu.wait_indirect_dma semaphore(%arg17 : memref<!tpu.dma_semaphore, #tpu.memory_space<semaphore_mem>>) src(%arg12 : memref<64x128xf32, #tpu.memory_space<vmem>>) dst(%dma_wait3A_121 : memref<10240x128xf32, #tpu.memory_space<vmem_shared>>)
        %dma_wait3A_122 = arith.constant 3968 : i32
        %dma_wait3A_123 = tpu.memref_slice %arg9[%dma_wait3A_122] : memref<4096xi32, #tpu.memory_space<vmem>> -> memref<64xi32, #tpu.memory_space<vmem>>
        %dma_wait3A_124 = arith.constant 0 : i32
        %dma_wait3A_125 = arith.constant 0 : i32
        %dma_wait3A_126 = tpu.memref_slice %arg3[%dma_wait3A_124, %dma_wait3A_125] : memref<10240x128xf32, #tpu.memory_space<hbm>> -> memref<10240x128xf32, #tpu.memory_space<hbm>>
        tpu.wait_indirect_dma semaphore(%arg20 : memref<!tpu.dma_semaphore, #tpu.memory_space<semaphore_mem>>) src(%dma_wait3A_126 : memref<10240x128xf32, #tpu.memory_space<hbm>>) dst(%arg14 : memref<64x128xf32, #tpu.memory_space<vmem>>)
        %dma_start3A_127 = arith.constant 62 : i32
        %dma_start3A_128 = arith.constant 0 : i32
        %dma_start3A_129 = tpu.memref_slice %arg11[%dma_start3A_127, %dma_start3A_128] : memref<64x64xi32, #tpu.memory_space<vmem>> -> memref<1x64xi32, #tpu.memory_space<vmem>>
        %dma_start3A_130 = tpu.memref_squeeze %dma_start3A_129 : memref<1x64xi32, #tpu.memory_space<vmem>> -> memref<64xi32, #tpu.memory_space<vmem>>
        %dma_start3A_131 = arith.constant 0 : i32
        %dma_start3A_132 = arith.constant 0 : i32
        %dma_start3A_133 = tpu.memref_slice %arg8[%dma_start3A_131, %dma_start3A_132] : memref<10240x128xf32, #tpu.memory_space<vmem_shared>> -> memref<10240x128xf32, #tpu.memory_space<vmem_shared>>
        tpu.enqueue_indirect_dma source(%arg14 : memref<64x128xf32, #tpu.memory_space<vmem>>) target(%dma_start3A_133 : memref<10240x128xf32, #tpu.memory_space<vmem_shared>>) offsets(%dma_start3A_130 : memref<64xi32, #tpu.memory_space<vmem>>) semaphore(%arg21 : memref<!tpu.dma_semaphore, #tpu.memory_space<semaphore_mem>>) {add = true}
        %dma_wait3A_134 = arith.constant 61 : i32
        %dma_wait3A_135 = arith.constant 0 : i32
        %dma_wait3A_136 = tpu.memref_slice %arg11[%dma_wait3A_134, %dma_wait3A_135] : memref<64x64xi32, #tpu.memory_space<vmem>> -> memref<1x64xi32, #tpu.memory_space<vmem>>
        %dma_wait3A_137 = tpu.memref_squeeze %dma_wait3A_136 : memref<1x64xi32, #tpu.memory_space<vmem>> -> memref<64xi32, #tpu.memory_space<vmem>>
        %dma_wait3A_138 = arith.constant 0 : i32
        %dma_wait3A_139 = arith.constant 0 : i32
        %dma_wait3A_140 = tpu.memref_slice %arg8[%dma_wait3A_138, %dma_wait3A_139] : memref<10240x128xf32, #tpu.memory_space<vmem_shared>> -> memref<10240x128xf32, #tpu.memory_space<vmem_shared>>
        tpu.wait_indirect_dma semaphore(%arg19 : memref<!tpu.dma_semaphore, #tpu.memory_space<semaphore_mem>>) src(%arg13 : memref<64x128xf32, #tpu.memory_space<vmem>>) dst(%dma_wait3A_140 : memref<10240x128xf32, #tpu.memory_space<vmem_shared>>)
        %dma_wait3A_141 = arith.constant 4032 : i32
        %dma_wait3A_142 = tpu.memref_slice %arg9[%dma_wait3A_141] : memref<4096xi32, #tpu.memory_space<vmem>> -> memref<64xi32, #tpu.memory_space<vmem>>
        %dma_wait3A_143 = arith.constant 0 : i32
        %dma_wait3A_144 = arith.constant 0 : i32
        %dma_wait3A_145 = tpu.memref_slice %arg3[%dma_wait3A_143, %dma_wait3A_144] : memref<10240x128xf32, #tpu.memory_space<hbm>> -> memref<10240x128xf32, #tpu.memory_space<hbm>>
        tpu.wait_indirect_dma semaphore(%arg22 : memref<!tpu.dma_semaphore, #tpu.memory_space<semaphore_mem>>) src(%dma_wait3A_145 : memref<10240x128xf32, #tpu.memory_space<hbm>>) dst(%arg15 : memref<64x128xf32, #tpu.memory_space<vmem>>)
        %dma_start3A_146 = arith.constant 63 : i32
        %dma_start3A_147 = arith.constant 0 : i32
        %dma_start3A_148 = tpu.memref_slice %arg11[%dma_start3A_146, %dma_start3A_147] : memref<64x64xi32, #tpu.memory_space<vmem>> -> memref<1x64xi32, #tpu.memory_space<vmem>>
        %dma_start3A_149 = tpu.memref_squeeze %dma_start3A_148 : memref<1x64xi32, #tpu.memory_space<vmem>> -> memref<64xi32, #tpu.memory_space<vmem>>
        %dma_start3A_150 = arith.constant 0 : i32
        %dma_start3A_151 = arith.constant 0 : i32
        %dma_start3A_152 = tpu.memref_slice %arg8[%dma_start3A_150, %dma_start3A_151] : memref<10240x128xf32, #tpu.memory_space<vmem_shared>> -> memref<10240x128xf32, #tpu.memory_space<vmem_shared>>
        tpu.enqueue_indirect_dma source(%arg15 : memref<64x128xf32, #tpu.memory_space<vmem>>) target(%dma_start3A_152 : memref<10240x128xf32, #tpu.memory_space<vmem_shared>>) offsets(%dma_start3A_149 : memref<64xi32, #tpu.memory_space<vmem>>) semaphore(%arg23 : memref<!tpu.dma_semaphore, #tpu.memory_space<semaphore_mem>>) {add = true}
        %dma_wait3A_153 = arith.constant 62 : i32
        %dma_wait3A_154 = arith.constant 0 : i32
        %dma_wait3A_155 = tpu.memref_slice %arg11[%dma_wait3A_153, %dma_wait3A_154] : memref<64x64xi32, #tpu.memory_space<vmem>> -> memref<1x64xi32, #tpu.memory_space<vmem>>
        %dma_wait3A_156 = tpu.memref_squeeze %dma_wait3A_155 : memref<1x64xi32, #tpu.memory_space<vmem>> -> memref<64xi32, #tpu.memory_space<vmem>>
        %dma_wait3A_157 = arith.constant 0 : i32
        %dma_wait3A_158 = arith.constant 0 : i32
        %dma_wait3A_159 = tpu.memref_slice %arg8[%dma_wait3A_157, %dma_wait3A_158] : memref<10240x128xf32, #tpu.memory_space<vmem_shared>> -> memref<10240x128xf32, #tpu.memory_space<vmem_shared>>
        tpu.wait_indirect_dma semaphore(%arg21 : memref<!tpu.dma_semaphore, #tpu.memory_space<semaphore_mem>>) src(%arg14 : memref<64x128xf32, #tpu.memory_space<vmem>>) dst(%dma_wait3A_159 : memref<10240x128xf32, #tpu.memory_space<vmem_shared>>)
        %dma_wait3A_160 = arith.constant 63 : i32
        %dma_wait3A_161 = arith.constant 0 : i32
        %dma_wait3A_162 = tpu.memref_slice %arg11[%dma_wait3A_160, %dma_wait3A_161] : memref<64x64xi32, #tpu.memory_space<vmem>> -> memref<1x64xi32, #tpu.memory_space<vmem>>
        %dma_wait3A_163 = tpu.memref_squeeze %dma_wait3A_162 : memref<1x64xi32, #tpu.memory_space<vmem>> -> memref<64xi32, #tpu.memory_space<vmem>>
        %dma_wait3A_164 = arith.constant 0 : i32
        %dma_wait3A_165 = arith.constant 0 : i32
        %dma_wait3A_166 = tpu.memref_slice %arg8[%dma_wait3A_164, %dma_wait3A_165] : memref<10240x128xf32, #tpu.memory_space<vmem_shared>> -> memref<10240x128xf32, #tpu.memory_space<vmem_shared>>
        tpu.wait_indirect_dma semaphore(%arg23 : memref<!tpu.dma_semaphore, #tpu.memory_space<semaphore_mem>>) src(%arg15 : memref<64x128xf32, #tpu.memory_space<vmem>>) dst(%dma_wait3A_166 : memref<10240x128xf32, #tpu.memory_space<vmem_shared>>)
      }
      %scan3A_35 = arith.constant 5 : i32
    } else {
    }
    %barrier3A_18 = arith.constant 0 : index
    tpu.barrier barrier_id(%barrier3A_18)
    %eq3A_19 = arith.constant 0 : i32
    %eq3A_20 = arith.cmpi eq, %arg0, %eq3A_19 : i32
    %convert_element_type3A_21 = arith.extui %eq3A_20 : i1 to i32
    %cond3A_22 = arith.constant 0 : i32
    %cond3A_23 = arith.cmpi ne, %convert_element_type3A_21, %cond3A_22 : i32
    scf.if %cond3A_23 {
      "tpu.region"() ({
        %run_scoped3A = tpu.sem_alloc : memref<!tpu.dma_semaphore, #tpu.memory_space<semaphore_mem>>
        %dma_start3A = arith.constant 0 : i32
        %dma_start3A_29 = tpu.memref_slice %arg6[%mul3A_0, %dma_start3A] : memref<10240x128xf32, #tpu.memory_space<hbm>> -> memref<640x128xf32, #tpu.memory_space<hbm>>
        %dma_start3A_30 = arith.constant 0 : i32
        %dma_start3A_31 = tpu.memref_slice %arg8[%mul3A_0, %dma_start3A_30] : memref<10240x128xf32, #tpu.memory_space<vmem_shared>> -> memref<640x128xf32, #tpu.memory_space<vmem_shared>>
        tpu.enqueue_dma source(%dma_start3A_31 : memref<640x128xf32, #tpu.memory_space<vmem_shared>>) target(%dma_start3A_29 : memref<640x128xf32, #tpu.memory_space<hbm>>) target_semaphore(%run_scoped3A : memref<!tpu.dma_semaphore, #tpu.memory_space<semaphore_mem>>)
        %dma_wait3A = arith.constant 0 : i32
        %dma_wait3A_32 = tpu.memref_slice %arg6[%mul3A_0, %dma_wait3A] : memref<10240x128xf32, #tpu.memory_space<hbm>> -> memref<640x128xf32, #tpu.memory_space<hbm>>
        %dma_wait3A_33 = arith.constant 0 : i32
        %dma_wait3A_34 = tpu.memref_slice %arg8[%mul3A_0, %dma_wait3A_33] : memref<10240x128xf32, #tpu.memory_space<vmem_shared>> -> memref<640x128xf32, #tpu.memory_space<vmem_shared>>
        tpu.wait_dma2 semaphore(%run_scoped3A : memref<!tpu.dma_semaphore, #tpu.memory_space<semaphore_mem>>) src(%dma_wait3A_34 : memref<640x128xf32, #tpu.memory_space<vmem_shared>>) dst(%dma_wait3A_32 : memref<640x128xf32, #tpu.memory_space<hbm>>)
        tpu.yield
      }) : () -> ()
    } else {
    }
    %eq3A_24 = arith.constant 1 : i32
    %eq3A_25 = arith.cmpi eq, %arg0, %eq3A_24 : i32
    %convert_element_type3A_26 = arith.extui %eq3A_25 : i1 to i32
    %cond3A_27 = arith.constant 0 : i32
    %cond3A_28 = arith.cmpi ne, %convert_element_type3A_26, %cond3A_27 : i32
    scf.if %cond3A_28 {
      "tpu.region"() ({
        %run_scoped3A = tpu.sem_alloc : memref<!tpu.dma_semaphore, #tpu.memory_space<semaphore_mem>>
        %dma_start3A = arith.constant 0 : i32
        %dma_start3A_29 = tpu.memref_slice %arg7[%mul3A_0, %dma_start3A] : memref<10240x128xf32, #tpu.memory_space<hbm>> -> memref<640x128xf32, #tpu.memory_space<hbm>>
        %dma_start3A_30 = arith.constant 0 : i32
        %dma_start3A_31 = tpu.memref_slice %arg8[%mul3A_0, %dma_start3A_30] : memref<10240x128xf32, #tpu.memory_space<vmem_shared>> -> memref<640x128xf32, #tpu.memory_space<vmem_shared>>
        tpu.enqueue_dma source(%dma_start3A_31 : memref<640x128xf32, #tpu.memory_space<vmem_shared>>) target(%dma_start3A_29 : memref<640x128xf32, #tpu.memory_space<hbm>>) target_semaphore(%run_scoped3A : memref<!tpu.dma_semaphore, #tpu.memory_space<semaphore_mem>>)
        %dma_wait3A = arith.constant 0 : i32
        %dma_wait3A_32 = tpu.memref_slice %arg7[%mul3A_0, %dma_wait3A] : memref<10240x128xf32, #tpu.memory_space<hbm>> -> memref<640x128xf32, #tpu.memory_space<hbm>>
        %dma_wait3A_33 = arith.constant 0 : i32
        %dma_wait3A_34 = tpu.memref_slice %arg8[%mul3A_0, %dma_wait3A_33] : memref<10240x128xf32, #tpu.memory_space<vmem_shared>> -> memref<640x128xf32, #tpu.memory_space<vmem_shared>>
        tpu.wait_dma2 semaphore(%run_scoped3A : memref<!tpu.dma_semaphore, #tpu.memory_space<semaphore_mem>>) src(%dma_wait3A_34 : memref<640x128xf32, #tpu.memory_space<vmem_shared>>) dst(%dma_wait3A_32 : memref<640x128xf32, #tpu.memory_space<hbm>>)
        tpu.yield
      }) : () -> ()
    } else {
    }
    return
  }
}

module attributes {stable_mosaic.version = 14 : i64} {
  func.func @body(%arg0: memref<10000x128xf32, #tpu.memory_space<vmem>>, %arg1: memref<128x256xf32, #tpu.memory_space<vmem>>, %arg2: memref<10240x1xf32, #tpu.memory_space<vmem>>, %arg3: memref<10240x1xf32, #tpu.memory_space<vmem>>, %arg4: memref<10000x1xf32, #tpu.memory_space<vmem>>, %arg5: memref<10240x128xf32, #tpu.memory_space<vmem>>, %arg6: memref<10240x128xf32, #tpu.memory_space<vmem>>) attributes {dimension_semantics = [], scalar_prefetch = 0 : i64, scratch_operands = 0 : i64, tpu.core_type = #tpu.core_type<tc>} {
    %get3A = arith.constant 0 : index
    %get3A_0 = arith.constant 0 : index
    %get3A_1 = vector.load %arg2[%get3A, %get3A_0] : memref<10240x1xf32, #tpu.memory_space<vmem>>, vector<10000x1xf32>
    %get3A_2 = arith.constant 0 : index
    %get3A_3 = arith.constant 0 : index
    %get3A_4 = vector.load %arg3[%get3A_2, %get3A_3] : memref<10240x1xf32, #tpu.memory_space<vmem>>, vector<10000x1xf32>
    %add3A = arith.addf %get3A_1, %get3A_4 : vector<10000x1xf32>
    %add3A_5 = arith.constant 1.000000e+00 : f32
    %add3A_6 = vector.broadcast %add3A_5 : f32 to vector<10000x1xf32>
    %add3A_7 = arith.addf %add3A, %add3A_6 : vector<10000x1xf32>
    %rsqrt3A = math.rsqrt %add3A_7 : vector<10000x1xf32>
    %swap3A = arith.constant 0 : index
    %swap3A_8 = arith.constant 0 : index
    %swap3A_9 = vector.load %arg4[%swap3A, %swap3A_8] : memref<10000x1xf32, #tpu.memory_space<vmem>>, vector<10000x1xf32>
    tpu.vector_store %arg4[%swap3A, %swap3A_8], %rsqrt3A {strides = array<i32>} : memref<10000x1xf32, #tpu.memory_space<vmem>>, vector<10000x1xf32>,
    %get3A_10 = arith.constant 0 : index
    %get3A_11 = arith.constant 0 : index
    %get3A_12 = vector.load %arg0[%get3A_10, %get3A_11] : memref<10000x128xf32, #tpu.memory_space<vmem>>, vector<10000x128xf32>
    %get3A_13 = arith.constant 0 : index
    %get3A_14 = arith.constant 0 : index
    %get3A_15 = vector.load %arg1[%get3A_13, %get3A_14] : memref<128x256xf32, #tpu.memory_space<vmem>>, vector<128x256xf32>
    %dot_general3A = arith.constant dense<0.000000e+00> : vector<10000x256xf32>
    %dot_general3A_16 = tpu.matmul %get3A_12, %get3A_15, %dot_general3A {dimension_numbers = #tpu.dot_dimension_numbers<[1], [0], [0], [1], [0, 0, 1, 1], [], []>, transpose_lhs_hint = false} : vector<10000x128xf32>, vector<128x256xf32>, vector<10000x256xf32> -> vector<10000x256xf32>
    %mul3A = vector.broadcast %rsqrt3A : vector<10000x1xf32> to vector<10000x256xf32>
    %mul3A_17 = arith.mulf %dot_general3A_16, %mul3A : vector<10000x256xf32>
    %slice3A = vector.extract_strided_slice %mul3A_17 {offsets = [0, 0], sizes = [10000, 128], strides = [1, 1]} : vector<10000x256xf32> to vector<10000x128xf32>
    %swap3A_18 = arith.constant 0 : index
    %swap3A_19 = arith.constant 0 : index
    %swap3A_20 = vector.load %arg5[%swap3A_18, %swap3A_19] : memref<10240x128xf32, #tpu.memory_space<vmem>>, vector<10000x128xf32>
    tpu.vector_store %arg5[%swap3A_18, %swap3A_19], %slice3A {strides = array<i32>} : memref<10240x128xf32, #tpu.memory_space<vmem>>, vector<10000x128xf32>,
    %slice3A_21 = vector.extract_strided_slice %mul3A_17 {offsets = [0, 128], sizes = [10000, 128], strides = [1, 1]} : vector<10000x256xf32> to vector<10000x128xf32>
    %swap3A_22 = arith.constant 0 : index
    %swap3A_23 = arith.constant 0 : index
    %swap3A_24 = vector.load %arg6[%swap3A_22, %swap3A_23] : memref<10240x128xf32, #tpu.memory_space<vmem>>, vector<10000x128xf32>
    tpu.vector_store %arg6[%swap3A_22, %swap3A_23], %slice3A_21 {strides = array<i32>} : memref<10240x128xf32, #tpu.memory_space<vmem>>, vector<10000x128xf32>,
    %broadcast_in_dim3A = arith.constant 0.000000e+00 : f32
    %broadcast_in_dim3A_25 = vector.broadcast %broadcast_in_dim3A : f32 to vector<240x128xf32>
    %swap3A_26 = arith.constant 10000 : index
    %swap3A_27 = arith.constant 0 : index
    %swap3A_28 = vector.load %arg5[%swap3A_26, %swap3A_27] : memref<10240x128xf32, #tpu.memory_space<vmem>>, vector<240x128xf32>
    tpu.vector_store %arg5[%swap3A_26, %swap3A_27], %broadcast_in_dim3A_25 {strides = array<i32>} : memref<10240x128xf32, #tpu.memory_space<vmem>>, vector<240x128xf32>,
    %broadcast_in_dim3A_29 = arith.constant 0.000000e+00 : f32
    %broadcast_in_dim3A_30 = vector.broadcast %broadcast_in_dim3A_29 : f32 to vector<240x128xf32>
    %swap3A_31 = arith.constant 10000 : index
    %swap3A_32 = arith.constant 0 : index
    %swap3A_33 = vector.load %arg6[%swap3A_31, %swap3A_32] : memref<10240x128xf32, #tpu.memory_space<vmem>>, vector<240x128xf32>
    tpu.vector_store %arg6[%swap3A_31, %swap3A_32], %broadcast_in_dim3A_30 {strides = array<i32>} : memref<10240x128xf32, #tpu.memory_space<vmem>>, vector<240x128xf32>,
    return
  }
}

module attributes {stable_mosaic.version = 14 : i64} {
  func.func @body(%arg0: memref<10240x128xf32, #tpu.memory_space<vmem>>, %arg1: memref<10240x128xf32, #tpu.memory_space<vmem>>, %arg2: memref<10000x1xf32, #tpu.memory_space<vmem>>, %arg3: memref<256xf32, #tpu.memory_space<vmem>>, %arg4: memref<256xf32, #tpu.memory_space<vmem>>, %arg5: memref<256xf32, #tpu.memory_space<vmem>>, %arg6: memref<256x128xf32, #tpu.memory_space<vmem>>, %arg7: memref<10240x128xf32, #tpu.memory_space<vmem>>) attributes {dimension_semantics = [], scalar_prefetch = 0 : i64, scratch_operands = 0 : i64, tpu.core_type = #tpu.core_type<tc>} {
    %get3A = arith.constant 0 : index
    %get3A_0 = arith.constant 0 : index
    %get3A_1 = vector.load %arg2[%get3A, %get3A_0] : memref<10000x1xf32, #tpu.memory_space<vmem>>, vector<10000x1xf32>
    %get3A_2 = arith.constant 0 : index
    %get3A_3 = arith.constant 0 : index
    %get3A_4 = vector.load %arg0[%get3A_2, %get3A_3] : memref<10240x128xf32, #tpu.memory_space<vmem>>, vector<10000x128xf32>
    %get3A_5 = arith.constant 0 : index
    %get3A_6 = arith.constant 0 : index
    %get3A_7 = vector.load %arg1[%get3A_5, %get3A_6] : memref<10240x128xf32, #tpu.memory_space<vmem>>, vector<10000x128xf32>
    %concatenate3A = tpu.concatenate %get3A_4, %get3A_7 in 1 : vector<10000x128xf32>, vector<10000x128xf32> -> vector<10000x256xf32>
    %mul3A = vector.broadcast %get3A_1 : vector<10000x1xf32> to vector<10000x256xf32>
    %mul3A_8 = arith.mulf %concatenate3A, %mul3A : vector<10000x256xf32>
    %get3A_9 = arith.constant 0 : index
    %get3A_10 = vector.load %arg3[%get3A_9] : memref<256xf32, #tpu.memory_space<vmem>>, vector<256xf32>
    %broadcast_in_dim3A = vector.shape_cast %get3A_10 : vector<256xf32> to vector<1x256xf32>
    %add3A = vector.broadcast %broadcast_in_dim3A : vector<1x256xf32> to vector<10000x256xf32>
    %add3A_11 = arith.addf %mul3A_8, %add3A : vector<10000x256xf32>
    %reduce_sum3A = arith.constant dense<0.000000e+00> : vector<256xf32>
    %reduce_sum3A_12 = vector.multi_reduction <add>, %add3A_11, %reduce_sum3A [0] : vector<10000x256xf32> to vector<256xf32>
    %broadcast_in_dim3A_13 = vector.shape_cast %reduce_sum3A_12 : vector<256xf32> to vector<1x256xf32>
    %div3A = arith.constant 1.000000e+04 : f32
    %div3A_14 = vector.broadcast %div3A : f32 to vector<1x256xf32>
    %div3A_15 = arith.divf %broadcast_in_dim3A_13, %div3A_14 : vector<1x256xf32>
    %sub3A = vector.broadcast %div3A_15 : vector<1x256xf32> to vector<10000x256xf32>
    %sub3A_16 = arith.subf %add3A_11, %sub3A : vector<10000x256xf32>
    %integer_pow3A = arith.mulf %sub3A_16, %sub3A_16 : vector<10000x256xf32>
    %reduce_sum3A_17 = arith.constant dense<0.000000e+00> : vector<256xf32>
    %reduce_sum3A_18 = vector.multi_reduction <add>, %integer_pow3A, %reduce_sum3A_17 [0] : vector<10000x256xf32> to vector<256xf32>
    %broadcast_in_dim3A_19 = vector.shape_cast %reduce_sum3A_18 : vector<256xf32> to vector<1x256xf32>
    %div3A_20 = arith.constant 1.000000e+04 : f32
    %div3A_21 = vector.broadcast %div3A_20 : f32 to vector<1x256xf32>
    %div3A_22 = arith.divf %broadcast_in_dim3A_19, %div3A_21 : vector<1x256xf32>
    %sub3A_23 = vector.broadcast %div3A_15 : vector<1x256xf32> to vector<10000x256xf32>
    %sub3A_24 = arith.subf %add3A_11, %sub3A_23 : vector<10000x256xf32>
    %add3A_25 = arith.constant 9.99999974E-6 : f32
    %add3A_26 = vector.broadcast %add3A_25 : f32 to vector<1x256xf32>
    %add3A_27 = arith.addf %div3A_22, %add3A_26 : vector<1x256xf32>
    %rsqrt3A = math.rsqrt %add3A_27 : vector<1x256xf32>
    %mul3A_28 = vector.broadcast %rsqrt3A : vector<1x256xf32> to vector<10000x256xf32>
    %mul3A_29 = arith.mulf %sub3A_24, %mul3A_28 : vector<10000x256xf32>
    %get3A_30 = arith.constant 0 : index
    %get3A_31 = vector.load %arg4[%get3A_30] : memref<256xf32, #tpu.memory_space<vmem>>, vector<256xf32>
    %broadcast_in_dim3A_32 = vector.shape_cast %get3A_31 : vector<256xf32> to vector<1x256xf32>
    %mul3A_33 = vector.broadcast %broadcast_in_dim3A_32 : vector<1x256xf32> to vector<10000x256xf32>
    %mul3A_34 = arith.mulf %mul3A_29, %mul3A_33 : vector<10000x256xf32>
    %get3A_35 = arith.constant 0 : index
    %get3A_36 = vector.load %arg5[%get3A_35] : memref<256xf32, #tpu.memory_space<vmem>>, vector<256xf32>
    %broadcast_in_dim3A_37 = vector.shape_cast %get3A_36 : vector<256xf32> to vector<1x256xf32>
    %add3A_38 = vector.broadcast %broadcast_in_dim3A_37 : vector<1x256xf32> to vector<10000x256xf32>
    %add3A_39 = arith.addf %mul3A_34, %add3A_38 : vector<10000x256xf32>
    %max3A = arith.constant 0.000000e+00 : f32
    %max3A_40 = vector.broadcast %max3A : f32 to vector<10000x256xf32>
    %max3A_41 = arith.maximumf %add3A_39, %max3A_40 : vector<10000x256xf32>
    %get3A_42 = arith.constant 0 : index
    %get3A_43 = arith.constant 0 : index
    %get3A_44 = vector.load %arg6[%get3A_42, %get3A_43] : memref<256x128xf32, #tpu.memory_space<vmem>>, vector<256x128xf32>
    %dot_general3A = arith.constant dense<0.000000e+00> : vector<10000x128xf32>
    %dot_general3A_45 = tpu.matmul %max3A_41, %get3A_44, %dot_general3A {dimension_numbers = #tpu.dot_dimension_numbers<[1], [0], [0], [1], [0, 0, 1, 1], [], []>, transpose_lhs_hint = false} : vector<10000x256xf32>, vector<256x128xf32>, vector<10000x128xf32> -> vector<10000x128xf32>
    %mul3A_46 = vector.broadcast %get3A_1 : vector<10000x1xf32> to vector<10000x128xf32>
    %mul3A_47 = arith.mulf %dot_general3A_45, %mul3A_46 : vector<10000x128xf32>
    %swap3A = arith.constant 0 : index
    %swap3A_48 = arith.constant 0 : index
    %swap3A_49 = vector.load %arg7[%swap3A, %swap3A_48] : memref<10240x128xf32, #tpu.memory_space<vmem>>, vector<10000x128xf32>
    tpu.vector_store %arg7[%swap3A, %swap3A_48], %mul3A_47 {strides = array<i32>} : memref<10240x128xf32, #tpu.memory_space<vmem>>, vector<10000x128xf32>,
    %broadcast_in_dim3A_50 = arith.constant 0.000000e+00 : f32
    %broadcast_in_dim3A_51 = vector.broadcast %broadcast_in_dim3A_50 : f32 to vector<240x128xf32>
    %swap3A_52 = arith.constant 10000 : index
    %swap3A_53 = arith.constant 0 : index
    %swap3A_54 = vector.load %arg7[%swap3A_52, %swap3A_53] : memref<10240x128xf32, #tpu.memory_space<vmem>>, vector<240x128xf32>
    tpu.vector_store %arg7[%swap3A_52, %swap3A_53], %broadcast_in_dim3A_51 {strides = array<i32>} : memref<10240x128xf32, #tpu.memory_space<vmem>>, vector<240x128xf32>,
    return
  }
}

module attributes {stable_mosaic.version = 14 : i64} {
  func.func @body(%arg0: memref<10240x128xf32, #tpu.memory_space<vmem>>, %arg1: memref<10240x128xf32, #tpu.memory_space<vmem>>, %arg2: memref<10240x128xf32, #tpu.memory_space<vmem>>, %arg3: memref<10000x1xf32, #tpu.memory_space<vmem>>, %arg4: memref<128xf32, #tpu.memory_space<vmem>>, %arg5: memref<128xf32, #tpu.memory_space<vmem>>, %arg6: memref<128xf32, #tpu.memory_space<vmem>>, %arg7: memref<10000x128xf32, #tpu.memory_space<vmem>>) attributes {dimension_semantics = [], scalar_prefetch = 0 : i64, scratch_operands = 0 : i64, tpu.core_type = #tpu.core_type<tc>} {
    %get3A = arith.constant 0 : index
    %get3A_0 = arith.constant 0 : index
    %get3A_1 = vector.load %arg0[%get3A, %get3A_0] : memref<10240x128xf32, #tpu.memory_space<vmem>>, vector<10000x128xf32>
    %get3A_2 = arith.constant 0 : index
    %get3A_3 = arith.constant 0 : index
    %get3A_4 = vector.load %arg1[%get3A_2, %get3A_3] : memref<10240x128xf32, #tpu.memory_space<vmem>>, vector<10000x128xf32>
    %add3A = arith.addf %get3A_1, %get3A_4 : vector<10000x128xf32>
    %get3A_5 = arith.constant 0 : index
    %get3A_6 = arith.constant 0 : index
    %get3A_7 = vector.load %arg2[%get3A_5, %get3A_6] : memref<10240x128xf32, #tpu.memory_space<vmem>>, vector<10000x128xf32>
    %sub3A = arith.subf %add3A, %get3A_7 : vector<10000x128xf32>
    %get3A_8 = arith.constant 0 : index
    %get3A_9 = arith.constant 0 : index
    %get3A_10 = vector.load %arg3[%get3A_8, %get3A_9] : memref<10000x1xf32, #tpu.memory_space<vmem>>, vector<10000x1xf32>
    %mul3A = vector.broadcast %get3A_10 : vector<10000x1xf32> to vector<10000x128xf32>
    %mul3A_11 = arith.mulf %sub3A, %mul3A : vector<10000x128xf32>
    %get3A_12 = arith.constant 0 : index
    %get3A_13 = vector.load %arg4[%get3A_12] : memref<128xf32, #tpu.memory_space<vmem>>, vector<128xf32>
    %broadcast_in_dim3A = vector.shape_cast %get3A_13 : vector<128xf32> to vector<1x128xf32>
    %add3A_14 = vector.broadcast %broadcast_in_dim3A : vector<1x128xf32> to vector<10000x128xf32>
    %add3A_15 = arith.addf %mul3A_11, %add3A_14 : vector<10000x128xf32>
    %reduce_sum3A = arith.constant dense<0.000000e+00> : vector<128xf32>
    %reduce_sum3A_16 = vector.multi_reduction <add>, %add3A_15, %reduce_sum3A [0] : vector<10000x128xf32> to vector<128xf32>
    %broadcast_in_dim3A_17 = vector.shape_cast %reduce_sum3A_16 : vector<128xf32> to vector<1x128xf32>
    %div3A = arith.constant 1.000000e+04 : f32
    %div3A_18 = vector.broadcast %div3A : f32 to vector<1x128xf32>
    %div3A_19 = arith.divf %broadcast_in_dim3A_17, %div3A_18 : vector<1x128xf32>
    %sub3A_20 = vector.broadcast %div3A_19 : vector<1x128xf32> to vector<10000x128xf32>
    %sub3A_21 = arith.subf %add3A_15, %sub3A_20 : vector<10000x128xf32>
    %integer_pow3A = arith.mulf %sub3A_21, %sub3A_21 : vector<10000x128xf32>
    %reduce_sum3A_22 = arith.constant dense<0.000000e+00> : vector<128xf32>
    %reduce_sum3A_23 = vector.multi_reduction <add>, %integer_pow3A, %reduce_sum3A_22 [0] : vector<10000x128xf32> to vector<128xf32>
    %broadcast_in_dim3A_24 = vector.shape_cast %reduce_sum3A_23 : vector<128xf32> to vector<1x128xf32>
    %div3A_25 = arith.constant 1.000000e+04 : f32
    %div3A_26 = vector.broadcast %div3A_25 : f32 to vector<1x128xf32>
    %div3A_27 = arith.divf %broadcast_in_dim3A_24, %div3A_26 : vector<1x128xf32>
    %sub3A_28 = vector.broadcast %div3A_19 : vector<1x128xf32> to vector<10000x128xf32>
    %sub3A_29 = arith.subf %add3A_15, %sub3A_28 : vector<10000x128xf32>
    %add3A_30 = arith.constant 9.99999974E-6 : f32
    %add3A_31 = vector.broadcast %add3A_30 : f32 to vector<1x128xf32>
    %add3A_32 = arith.addf %div3A_27, %add3A_31 : vector<1x128xf32>
    %rsqrt3A = math.rsqrt %add3A_32 : vector<1x128xf32>
    %mul3A_33 = vector.broadcast %rsqrt3A : vector<1x128xf32> to vector<10000x128xf32>
    %mul3A_34 = arith.mulf %sub3A_29, %mul3A_33 : vector<10000x128xf32>
    %get3A_35 = arith.constant 0 : index
    %get3A_36 = vector.load %arg5[%get3A_35] : memref<128xf32, #tpu.memory_space<vmem>>, vector<128xf32>
    %broadcast_in_dim3A_37 = vector.shape_cast %get3A_36 : vector<128xf32> to vector<1x128xf32>
    %mul3A_38 = vector.broadcast %broadcast_in_dim3A_37 : vector<1x128xf32> to vector<10000x128xf32>
    %mul3A_39 = arith.mulf %mul3A_34, %mul3A_38 : vector<10000x128xf32>
    %get3A_40 = arith.constant 0 : index
    %get3A_41 = vector.load %arg6[%get3A_40] : memref<128xf32, #tpu.memory_space<vmem>>, vector<128xf32>
    %broadcast_in_dim3A_42 = vector.shape_cast %get3A_41 : vector<128xf32> to vector<1x128xf32>
    %add3A_43 = vector.broadcast %broadcast_in_dim3A_42 : vector<1x128xf32> to vector<10000x128xf32>
    %add3A_44 = arith.addf %mul3A_39, %add3A_43 : vector<10000x128xf32>
    %swap3A = arith.constant 0 : index
    %swap3A_45 = arith.constant 0 : index
    %swap3A_46 = vector.load %arg7[%swap3A, %swap3A_45] : memref<10000x128xf32, #tpu.memory_space<vmem>>, vector<10000x128xf32>
    tpu.vector_store %arg7[%swap3A, %swap3A_45], %add3A_44 {strides = array<i32>} : memref<10000x128xf32, #tpu.memory_space<vmem>>, vector<10000x128xf32>,
    return
  }
}

</mosaic_0001>

<sc_bundles>
// kernel: kernel.11.cloned.1.call-start
scs
__scs_entry_jumppad:
0x0: {  	(pc) =	sbr.rel $0x88, $3  }
0x1: {  	(tag) =	ssettag $0x0;
	lr =	simm.s32 $0x1  }
0x2: {  	[smem:$0x3F97] =	sst lr;
	_ =	strace $0xD0000000  }
0x3: {  	_ = 	snop  }
0x4: {  	_ = 	snop  }
0x5: {  	_ = 	snop  }
0x6: {  	_ = 	snop  }
0x7: {  	_ = 	snop  }
__scs_overlays_trampoline_lowered:
0x8: {  	[smem:$0x3FA6] =	sst s0  }
0x9: {  	[smem:$0x3FA7] =	sst s1  }
0xa: {  	[smem:$0x3FA8] =	sst s2  }
0xb: {  	[smem:$0x3FA9] =	sst s3  }
0xc: {  	[smem:$0x3FAA] =	sst s4  }
0xd: {  	[smem:$0x3FAB] =	sst s5  }
0xe: {  	[smem:$0x3FAC] =	sst s6  }
0xf: {  	[smem:$0x3FAD] =	sst s7  }
0x10: {  	[smem:$0x3FAE] =	sst s8  }
0x11: {  	[smem:$0x3FAF] =	sst s9;
	s0 =	simm.s32 @!p0 $0x0  }
0x12: {  	s1 =	sld [smem:$0x3F95];
	s0 =	simm.s32 @p0 $0x1  }
0x13: {  	[smem:$0x3FB0] =	sst s0;
	s0 =	simm.s32 @!p1 $0x0  }
0x14: {  	s2 =	sld [smem:$0x3F94];
	s0 =	simm.s32 @p1 $0x1  }
0x15: {  	[smem:$0x3FB1] =	sst s0;
	s0 =	simm.s32 @!p2 $0x0  }
0x16: {  	s3 =	sld [smem:$0x3FDB];
	s0 =	simm.s32 @p2 $0x1  }
0x17: {  	s4 =	simm.s32 $0x1BF5;
	[smem:$0x3FB3] =	sst s0  }
0x18: {  	s0 =	sld [smem:$0x3F96];
	_ =	swait.ge [sflag:s4], $0x0  }
0x19: {  	s7 =	sld [smem:$0x3F97]  }
0x1a: {  	s8 =	sadd.s32 $0xFFFFE003, lr  }
0x1b: {  	s9 =	sadd.s32 $0xFFFFFEF7, lr;
	s5 =	simm.s32 $0xFFFFFFFF;
	p2 =	slt.u32 s8, $0xFFFFF086  }
0x1c: {  	p1 =	slt.u32 s9, $0xF7A;
	s5 =	simm.s32 @!p2 $0x0  }
0x1d: {  	s5 =	simm.s32 @p1 $0x1;
	p0 =	seq.s32 s7, s2  }
0x1e: {  	s7 =	smul.u32 @!p0 $0xF7A, s2;
	p2 =	seq.s32 @!p0 s5, $0x0  }
0x1f: {  	s9 =	smul.u32 $0xF7A, s1;
	s8 =	simm.s32 @!p0 $0x1BF5;
	p2 =	por !p2, p0  }
0x20: {  	[sflag:s8] =	ssyncset.s32 @!p0 $0xFFFFF086;
	s6 =	sadd.s32 @!p0 s3, s7;
	s7 =	simm.s32 @!p0 $0x108  }
0x21: {  	s3 =	sadd.s32 s3, s9;
	s6 =	sadd.s32 @!p0 $0x88, s6;
	s7 =	simm.s32 @p2 $0x1082  }
0x22: {  	[simem:s7], [sflag:s8] =	dma.local @!p0 [hbm:s6], $0xF7A  }
0x23: {  	s9 =	sor.u32 $0xD0000000, s2;
	s6 =	simm.s32 $0x108;
	_ =	swait.ge @!p0 [sflag:s8], $0x0  }
0x24: {  	s3 =	sadd.s32 $0x88, s3;
	s6 =	simm.s32 @!p1 $0x1082;
	[sflag:s4] =	ssyncset.s32 $0xFFFFF086  }
0x25: {  	[simem:s6], [sflag:s4] =	dma.local [hbm:s3], $0xF7A  }
0x26: {  	[smem:$0x3F97] =	sst s1;
	(tag) =	ssettag s2;
	_ =	strace s9  }
0x27: {  	s1 =	sld [smem:$0x3FA7]  }
0x28: {  	s2 =	sld [smem:$0x3FA8]  }
0x29: {  	s4 =	sld [smem:$0x3FAA]  }
0x2a: {  	p0 =	seq.s32 s5, $0x0;
	s5 =	sld [smem:$0x3FAB]  }
0x2b: {  	s6 =	sld [smem:$0x3FAC]  }
0x2c: {  	s7 =	sld [smem:$0x3FAD]  }
0x2d: {  	s3 =	simm.s32 $0x108;
	s8 =	sld [smem:$0x3FAE]  }
0x2e: {  	s3 =	simm.s32 @!p0 $0x1082;
	s9 =	sld [smem:$0x3FAF]  }
0x2f: {  	lr =	sadd.s32 s0, s3;
	s0 =	sld [smem:$0x3FA6]  }
0x30: {  	s3 =	sld [smem:$0x3FA9]  }
0x31: {  	[smem:$0x3FB2] =	sst s10  }
0x32: {  	s10 =	sld [smem:$0x3FB0];
	_ =	sdelay $0x3  }
0x33: {  	p0 =	seq.s32 s10, $0x1;
	s10 =	sld [smem:$0x3FB2];
	_ =	sdelay $0x3  }
0x34: {  	[smem:$0x3FB2] =	sst s10  }
0x35: {  	s10 =	sld [smem:$0x3FB1];
	_ =	sdelay $0x3  }
0x36: {  	p1 =	seq.s32 s10, $0x1;
	s10 =	sld [smem:$0x3FB2];
	_ =	sdelay $0x3  }
0x37: {  	[smem:$0x3FB2] =	sst s10  }
0x38: {  	s10 =	sld [smem:$0x3FB3]  }
0x39: {  	_ = 	snop;
	(pc) =	sbr.ind lr, $3  }
0x3a: {  	_ = 	snop  }
0x3b: {  	_ = 	snop  }
0x3c: {  	p2 =	seq.s32 s10, $0x1;
	s10 =	sld [smem:$0x3FB2]  }
0x3d: {  	_ =	shalt  }
0x3e: {  	_ =	shalt  }
0x3f: {  	_ =	shalt  }
0x40: {  	_ =	shalt  }
0x41: {  	_ =	shalt  }
0x42: {  	_ =	shalt  }
0x43: {  	_ =	shalt  }
0x44: {  	_ =	shalt  }
0x45: {  	_ =	shalt  }
0x46: {  	_ =	shalt  }
0x47: {  	_ =	shalt  }
0x48: {  	_ =	shalt  }
0x49: {  	_ =	shalt  }
0x4a: {  	_ =	shalt  }
0x4b: {  	_ =	shalt  }
0x4c: {  	_ =	shalt  }
0x4d: {  	_ =	shalt  }
0x4e: {  	_ =	shalt  }
0x4f: {  	_ =	shalt  }
0x50: {  	_ =	shalt  }
0x51: {  	_ =	shalt  }
0x52: {  	_ =	shalt  }
0x53: {  	_ =	shalt  }
0x54: {  	_ =	shalt  }
0x55: {  	_ =	shalt  }
0x56: {  	_ =	shalt  }
0x57: {  	_ =	shalt  }
0x58: {  	_ =	shalt  }
0x59: {  	_ =	shalt  }
0x5a: {  	_ =	shalt  }
0x5b: {  	_ =	shalt  }
0x5c: {  	_ =	shalt  }
0x5d: {  	_ =	shalt  }
0x5e: {  	_ =	shalt  }
0x5f: {  	_ =	shalt  }
0x60: {  	_ =	shalt  }
0x61: {  	_ =	shalt  }
0x62: {  	_ =	shalt  }
0x63: {  	_ =	shalt  }
0x64: {  	_ =	shalt  }
0x65: {  	_ =	shalt  }
0x66: {  	_ =	shalt  }
0x67: {  	_ =	shalt  }
0x68: {  	_ =	shalt  }
0x69: {  	_ =	shalt  }
0x6a: {  	_ =	shalt  }
0x6b: {  	_ =	shalt  }
0x6c: {  	_ =	shalt  }
0x6d: {  	_ =	shalt  }
0x6e: {  	_ =	shalt  }
0x6f: {  	_ =	shalt  }
0x70: {  	_ =	shalt  }
0x71: {  	_ =	shalt  }
0x72: {  	_ =	shalt  }
0x73: {  	_ =	shalt  }
0x74: {  	_ =	shalt  }
0x75: {  	_ =	shalt  }
0x76: {  	_ =	shalt  }
0x77: {  	_ =	shalt  }
0x78: {  	_ =	shalt  }
0x79: {  	_ =	shalt  }
0x7a: {  	_ =	shalt  }
0x7b: {  	_ =	shalt  }
0x7c: {  	_ =	shalt  }
0x7d: {  	_ =	shalt  }
0x7e: {  	_ =	shalt  }
0x7f: {  	_ =	shalt  }
0x80: {  	_ =	shalt  }
0x81: {  	_ =	shalt  }
0x82: {  	_ =	shalt  }
0x83: {  	_ =	shalt  }
0x84: {  	_ =	shalt  }
0x85: {  	_ =	shalt  }
0x86: {  	_ =	shalt  }
0x87: {  	_ =	shalt  }
.Lfunc_end0:
.L_simem_size_0:
called_computation.1_lowered:
.L_overlay_start_0:
0x88: {  	s2 =	sld [smem:$0x3FD9]  }
0x89: {  	s3 =	sld [smem:$0x3FFE];
	_ =	sdelay $0x1  }
0x8a: {  	s1 =	srdreg.scid  }
0x8b: {  	s0 =	sand.u32 $0x1, s1  }
0x8c: {  	s17 =	sshll.u32 s0, $0xA;
	s2 =	sadd.s32 s3, s2  }
0x8d: {  	s2 =	sadd.s32 s2, s17  }
0x8e: {  	[smem:$0x3FBE] =	sst s2  }
0x8f: {  	_ = 	snop  }
0x90: {  	s2 =	sld [smem:$0x3FD0];
	(tm) =	ssettm $0x1  }
0x91: {  	s18 =	sld [smem:$0x3FFB];
	_ =	sdelay $0x3  }
0x92: {  	_ =	strace s18  }
0x93: {  	s3 =	sld [smem:$0x3FFC];
	_ =	sdelay $0x3  }
0x94: {  	_ =	strace s3  }
0x95: {  	s3 =	sld [smem:$0x3FFD];
	_ =	sdelay $0x3  }
0x96: {  	_ =	strace s3  }
0x97: {  	_ =	strace $0x8FFFFFFF  }
0x98: {  	s19 =	sld [smem:$0x3FDB];
	_ =	sdelay $0x1  }
0x99: {  	s4 =	simm.s32 $_scs_section_size  }
0x9a: {  	s5 =	simm.s32 $_size__tile_overlayer_lowered;
	s6 =	simm.s32 $_tile_overlayer_lowered  }
0x9b: {  	s22 =	simm.s32 $0x1BFF;
	s21 =	sshll.u32 s6, $0x1;
	s3 =	sadd.s32 s4, s19  }
0x9c: {  	s7 =	simm.s32 $0x0;
	s20 =	sshll.u32 s5, $0x1;
	s5 =	sadd.s32 s21, s3  }
0x9d: {  	[timem:s7], [sflag:s22] =	dma.local [hbm:s5], s20  }
0x9e: {  	_ =	swait.ge [sflag:s22], s20  }
0x9f: {  	s4 =	ssub.s32 $0x0, s20;
	[sflag:s22] =	ssyncset.done $0x0  }
0xa0: {  	[sflag:s22] =	ssyncadd.s32 s4;
	_ =	sdelay $0x1  }
0xa1: {  	s23 =	simm.s32 $0x1B8B  }
0xa2: {  	_ =	swait.ge [sflag:s23], $0x1  }
0xa3: {  	[sflag:s23] =	ssyncset.done $0x0  }
0xa4: {  	s25 =	simm.s32 $0x1B8E;
	s24 =	sld [smem:$0x3FFE];
	[sflag:s23] =	ssyncadd.s32 $0xFFFFFFFF  }
0xa5: {  	s26 =	simm.s32 $execute0_lowered;
	[smem:$0x3FD2] =	sst s25  }
0xa6: {  	s5 =	sshll.u32 s26, $0x1;
	_ =	strace $0x80000049;
	[dreg:$0x1] =	wrdreg $0xFFFFFFFF  }
0xa7: {  	s28 =	simm.s32 $_size_execute0_lowered;
	s3 =	sadd.s32 s3, s5;
	[dreg:$0x0] =	wrdreg $0x0  }
0xa8: {  	s5 =	sshll.u32 s28, $0x1;
	[dreg:$0x2] =	wrdreg s3  }
0xa9: {  	[dreg:$0x3] =	wrdreg s5  }
0xaa: {  	[dreg:$0x4] =	wrdreg $0xC0  }
0xab: {  	_ =	task [dreg:s7], $0x5FFFF  }
0xac: {  	[dreg:$0x1] =	wrdreg $0xFFFFFFFF  }
0xad: {  	[dreg:$0x0] =	wrdreg $0x60  }
0xae: {  	[dreg:$0x2] =	wrdreg s24  }
0xaf: {  	[dreg:$0x3] =	wrdreg s2  }
0xb0: {  	[dreg:$0x4] =	wrdreg $0x0  }
0xb1: {  	[dreg:$0x5] =	wrdreg $0x9  }
0xb2: {  	_ =	task.clear_ibuf [dreg:s7], $0x6FFFF;
	_ =	strace $0x90000049  }
0xb3: {  	s29 =	simm.s32 $0x9;
	_ =	strace $0x8000004B  }
0xb4: {  	_ =	swait.ge [sflag:s29], $0x1  }
0xb5: {  	[sflag:s29] =	ssyncadd.s32 $0xFFFFFFFF  }
0xb6: {  	_ =	strace $0x9000004B  }
0xb7: {  	_ =	sfence  }
0xb8: {  	s30 =	sld [smem:$0x0];
	_ =	sdelay $0x2  }
0xb9: {  	s31 =	sshll.u32 s1, $0xD;
	s1 =	sshrl.u32 s1, $0x2  }
0xba: {  	s3 =	sand.u32 $0x4000, s31;
	s1 =	sadd.s32 s1, s30  }
0xbb: {  	s0 =	sor.u32 s3, s0;
	s1 =	sshll.u32 s1, $0x11  }
0xbc: {  	s0 =	sor.u32 s1, s0  }
0xbd: {  	s0 =	sadd.s32 $0x8F2B, s0  }
0xbe: {  	[sflag:s0] =	ssyncadd.remote.s32 $0x1  }
0xbf: {  	_ =	sfence.sel $0xFFFF  }
0xc0: {  	[dreg:$0x0] =	wrdreg $0xFFFFFFFF;
	(pc) =	sbr.abs _section_cstart, $3  }
0xc1: {  	[dreg:$0x1] =	wrdreg $0xFFFFFFFF  }
0xc2: {  	_ =	task.clear_ibuf [dreg:s7], $0x2FFFF;
	_ =	strace $0x9FFFFFFF  }
0xc3: {  	(tm) =	ssettm $0x7FFFFFFF  }
tec
execute0_lowered:
.L_overlay_start_1:
0x0: {  	(tag) =	ssettag $0x1  }
0x1: {  	s0 =	rddreg [dreg:$0x0]  }
0x2: {  	s2 =	rddreg [dreg:$0x2];
	s16 =	simm.s32 $0x0  }
0x3: {  	s1 =	srdreg.scid;
	s8 =	stileid.u32;
	s17 =	simm.s32 $0x9  }
0x4: {  	s18 =	simm.s32 $0x14000;
	s20 =	simm.s32 $0x40;
	s21 =	simm.s32 $0x18000  }
0x5: {  	s28 =	simm.s32 $0x1C000;
	s29 =	simm.s32 $0x3;
	s30 =	simm.s32 $0x16080  }
0x6: {  	s31 =	simm.s32 $0x140C0;
	s11 =	simm.s32 $0x7;
	s12 =	simm.s32 $0x4  }
0x7: {  	s10 =	simm.s32 $0x6;
	s14 =	simm.s32 $0x8;
	s15 =	simm.s32 $0x17F80  }
0x8: {  	[smem:$0x7FF] =	sst s16;
	s5 =	sadd.s32 $0xE800, s0;
	s6 =	sadd.s32 $0x36800, s0  }
0x9: {  	s7 =	sadd.s32 $0x4800, s0;
	s1 =	sand.u32 $0x1, s1;
	s3 =	smul.u32 $0x50000, s8  }
0xa: {  	s4 =	sadd.s32 $0x5E800, s0;
	s9 =	smul.u32 $0x2800, s8;
	s0 =	sadd.s32 $0x86800, s0  }
0xb: {  	s13 =	smul.u32 $0x5000, s8;
	s26 =	sshll.u32 s8, $0x6;
	s8 =	simm.s32 $0x2  }
0xc: {  	_ =	strace $0x8000004A;
	[dreg:$0x5] =	wrdreg s4;
	s22 =	ssub.s32 $0x2, s1  }
0xd: {  	[dreg:$0x7] =	wrdreg s0;
	p0 =	seq.s32 s1, $0x0;
	s19 =	sor.u32 $0x1C09, s26  }
0xe: {  	s26 =	simm.s32 $0x14080;
	s4 =	simm.s32 $0x5;
	s23 =	sshrl.u32 s22, $0x1  }
0xf: {  	s3 =	sshrl.u32 s3, $0x2;
	s24 =	sadd.s32 s6, s9;
	[dreg:$0x6] =	wrdreg s9  }
.Ltmp0:
0x10: {  	s25 =	sadd.s32 s5, s9;
	[dreg:$0xb] =	wrdreg s19;
	(pc) =	sbr.rel .LBB2_1-.Ltmp0, $4  }
0x11: {  	s9 =	simm.s32 $0x17F00;
	s0 =	ssub.s32 s22, s23;
	[dreg:$0x8] =	wrdreg s24  }
0x12: {  	s3 =	sadd.s32 s3, s2;
	[dreg:$0x9] =	wrdreg s25;
	s0 =	smax.u32 s0, $0x1  }
0x13: {  	s23 =	simm.s32 $0x1A000;
	s3 =	sshrl.u32 s3, $0x3;
	[dreg:$0xa] =	wrdreg s0  }
0x14: {  	s24 =	simm.s32 $0x1;
	s0 =	simm.s32 $0x1E000;
	[dreg:$0xc] =	wrdreg s3  }
.LBB2_16:
0x15: {  	s3 =	rddreg [dreg:$0x6]  }
0x16: {  	s19 =	rddreg [dreg:$0xb]  }
0x17: {  	s1 =	sadd.s32 s1, s3;
	s3 =	rddreg [dreg:$0xc]  }
0x18: {  	[hbm:s1], [sflag:s19] =	dma.local [spmem:s3], $0x2800  }
0x19: {  	_ =	swait.ge [sflag:s17], $0x2800  }
0x1a: {  	s16 =	sadd.s32 $0x1, s16;
	s25 =	rddreg [dreg:$0xa]  }
0x1b: {  	p1 =	sne.s32 s16, s25  }
.Ltmp1:
0x1c: {  	_ = 	snop;
	(pc) =	sbr.rel @!p1 .LBB2_17-.Ltmp1, $3  }
0x1d: {  	_ =	sdelay $0x1  }
0x1e: {  	[sflag:s17] =	ssyncset.done $0x0  }
0x1f: {  	[sflag:s17] =	ssyncadd.s32 $0xFFFFD800  }
.LBB2_1:
.Ltmp2:
0x20: {  	(pc) =	sbr.rel @!p0 .LBB2_2-.Ltmp2, $2  }
0x21: {  	_ =	sdelay $0x2  }
0x22: {  	[dreg:$0x4] =	wrdreg s16  }
0x23: {  	s1 =	rddreg [dreg:$0x9]  }
0x24: {  	[spmem:s3], [sflag:s19] =	dma.local [hbm:s1], $0x2800  }
0x25: {  	_ =	swait.ge [sflag:s17], $0x2800  }
0x26: {  	[sflag:s17] =	ssyncset.done $0x0  }
0x27: {  	[sflag:s17] =	ssyncadd.s32 $0xFFFFD800  }
0x28: {  	s16 =	simm.s32 $0x0;
	s3 =	simm.s32 $0x0;
	[bflag:$0x0] =	sbarrier.arrive $0xFFFF  }
.LBB2_10:
0x29: {  	s1 =	sshll.u32 s3, $0xC  }
0x2a: {  	s1 =	sadd.s32 s13, s1  }
0x2b: {  	s1 =	sshrl.u32 s1, $0x3  }
0x2c: {  	s19 =	sadd.s32 s7, s1  }
0x2d: {  	[tilespmem:s18], [sflag:$0x9] =	stream.linear.gather [hbm4b:s19+s16], $0x1000, $0x38;
	v63 =	vld [tilespmem:$0x0]  }
0x2e: {  	_ =	swait.ge [sflag:s17], $0x1000  }
0x2f: {  	[sflag:s17] =	ssyncset.done $0x0  }
0x30: {  	[sflag:s17] =	ssyncadd.s32 $0xFFFFF000  }
0x31: {  	s25 =	rddreg [dreg:$0x1]  }
0x32: {  	s22 =	simm.s32 $0x15000;
	s1 =	sadd.s32 s25, s1  }
0x33: {  	[tilespmem:s22], [sflag:$0x9] =	stream.linear.gather [hbm4b:s1+s16], $0x1000, $0x38;
	v63 =	vld [tilespmem:$0x0]  }
0x34: {  	_ =	swait.ge [sflag:s17], $0x1000  }
0x35: {  	[sflag:s17] =	ssyncset.done $0x0  }
0x36: {  	s25 =	simm.s32 $0x0;
	[sflag:s17] =	ssyncadd.s32 $0xFFFFF000  }
0x37: {  	v0 =	vld [tilespmem:s25+$0x15000];
	_ =	sdelay $0x3  }
0x38: {  	s1 =	simm.s32 $0x16080  }
0x39: {  	[tilespmem:s1+$0xFFFFFF80] =	vst v0  }
0x3a: {  	v0 =	vld [tilespmem:s25+$0x15010];
	_ =	sdelay $0x4  }
0x3b: {  	[tilespmem:s1+$0xFFFFFF90] =	vst v0  }
0x3c: {  	v0 =	vld [tilespmem:s25+$0x15020];
	_ =	sdelay $0x4  }
0x3d: {  	[tilespmem:s1+$0xFFFFFFA0] =	vst v0  }
0x3e: {  	v0 =	vld [tilespmem:s25+$0x15030];
	_ =	sdelay $0x4  }
0x3f: {  	[tilespmem:s1+$0xFFFFFFB0] =	vst v0  }
0x40: {  	v0 =	vld [tilespmem:s25+$0x15040];
	_ =	sdelay $0x4  }
0x41: {  	[tilespmem:s1+$0x0] =	vst v0  }
0x42: {  	v0 =	vld [tilespmem:s25+$0x15050];
	_ =	sdelay $0x4  }
0x43: {  	[tilespmem:s1+$0x10] =	vst v0  }
0x44: {  	v0 =	vld [tilespmem:s25+$0x15060];
	_ =	sdelay $0x4  }
0x45: {  	[tilespmem:s1+$0x20] =	vst v0  }
0x46: {  	v0 =	vld [tilespmem:s25+$0x15070];
	_ =	sdelay $0x4  }
0x47: {  	s19 =	simm.s32 $0x80;
	s22 =	simm.s32 $0x400;
	[tilespmem:s1+$0x30] =	vst v0  }
.LBB2_11:
0x48: {  	p1 =	sne.s32 s22, $0x3E00;
	v0 =	vld [tilespmem:s19+$0x15000];
	_ =	sdelay $0x3  }
0x49: {  	s1 =	sadd.s32 $0x100, s1  }
0x4a: {  	[tilespmem:s1+$0xFFFFFF80] =	vst v0  }
0x4b: {  	v0 =	vld [tilespmem:s19+$0x15010];
	_ =	sdelay $0x4  }
0x4c: {  	[tilespmem:s1+$0xFFFFFF90] =	vst v0  }
0x4d: {  	v0 =	vld [tilespmem:s19+$0x15020];
	_ =	sdelay $0x4  }
0x4e: {  	[tilespmem:s1+$0xFFFFFFA0] =	vst v0  }
0x4f: {  	v0 =	vld [tilespmem:s19+$0x15030];
	_ =	sdelay $0x4  }
0x50: {  	[tilespmem:s1+$0xFFFFFFB0] =	vst v0  }
0x51: {  	v0 =	vld [tilespmem:s19+$0x15040];
	_ =	sdelay $0x4  }
0x52: {  	[tilespmem:s1+$0x0] =	vst v0  }
0x53: {  	v0 =	vld [tilespmem:s19+$0x15050];
	_ =	sdelay $0x4  }
0x54: {  	[tilespmem:s1+$0x10] =	vst v0  }
0x55: {  	v0 =	vld [tilespmem:s19+$0x15060];
	_ =	sdelay $0x4  }
0x56: {  	[tilespmem:s1+$0x20] =	vst v0  }
0x57: {  	v0 =	vld [tilespmem:s19+$0x15070]  }
.Ltmp3:
0x58: {  	(pc) =	sbr.rel @p1 .LBB2_11-.Ltmp3, $2  }
0x59: {  	_ =	sdelay $0x2  }
0x5a: {  	s19 =	sshra.s32 s22, $0x2;
	s22 =	sadd.s32 $0x200, s22;
	[tilespmem:s1+$0x30] =	vst v0  }
0x5b: {  	v0 =	vld [tilespmem:s19+$0x15000];
	_ =	sdelay $0x3  }
0x5c: {  	s1 =	sadd.s32 $0x100, s1  }
0x5d: {  	[tilespmem:s1+$0xFFFFFF80] =	vst v0  }
0x5e: {  	v0 =	vld [tilespmem:s19+$0x15010];
	_ =	sdelay $0x4  }
0x5f: {  	[tilespmem:s1+$0xFFFFFF90] =	vst v0  }
0x60: {  	v0 =	vld [tilespmem:s19+$0x15020];
	_ =	sdelay $0x4  }
0x61: {  	[tilespmem:s1+$0xFFFFFFA0] =	vst v0  }
0x62: {  	v0 =	vld [tilespmem:s19+$0x15030];
	_ =	sdelay $0x4  }
0x63: {  	[tilespmem:s1+$0xFFFFFFB0] =	vst v0  }
0x64: {  	v0 =	vld [tilespmem:s19+$0x15040];
	_ =	sdelay $0x4  }
0x65: {  	[tilespmem:s1+$0x0] =	vst v0  }
0x66: {  	v0 =	vld [tilespmem:s19+$0x15050];
	_ =	sdelay $0x4  }
0x67: {  	[tilespmem:s1+$0x10] =	vst v0  }
0x68: {  	v0 =	vld [tilespmem:s19+$0x15060];
	_ =	sdelay $0x4  }
0x69: {  	[tilespmem:s1+$0x20] =	vst v0  }
0x6a: {  	v0 =	vld [tilespmem:s19+$0x15070];
	_ =	sdelay $0x4  }
0x6b: {  	[tilespmem:s1+$0x30] =	vst v0  }
0x6c: {  	[tilespmem:s21], [sflag:$0x1] =	stream.indirect.gather [hbm4b:s5+s20], $0x80, s18, s20, $0xb8;
	v63 =	vld [tilespmem:$0x0]  }
0x6d: {  	s19 =	simm.s32 $0x14040  }
0x6e: {  	[tilespmem:s23], [sflag:$0x3] =	stream.indirect.gather [hbm4b:s5+s20], $0x80, s19, s20, $0xb8;
	v63 =	vld [tilespmem:$0x0]  }
0x6f: {  	_ =	swait.ge [sflag:s24], $0x2000  }
0x70: {  	[sflag:s24] =	ssyncset.done $0x0  }
0x71: {  	s22 =	simm.s32 $0x16000;
	[sflag:s24] =	ssyncadd.s32 $0xFFFFE000  }
0x72: {  	[spmem:s2] =	stream.indirect.scatter.add.f32 [tilespmem:s21], [sflag:$0x2], $0x80, s22, s20, $0xb8;
	v63 =	vld [tilespmem:$0x0]  }
0x73: {  	_ = 	snop  }
0x74: {  	[tilespmem:s28], [sflag:$0x5] =	stream.indirect.gather [hbm4b:s5+s20], $0x80, s26, s20, $0xb8;
	v63 =	vld [tilespmem:$0x0]  }
0x75: {  	_ =	swait.ge [sflag:s29], $0x2000  }
0x76: {  	[sflag:s29] =	ssyncset.done $0x0  }
0x77: {  	[sflag:s29] =	ssyncadd.s32 $0xFFFFE000  }
0x78: {  	[spmem:s2] =	stream.indirect.scatter.add.f32 [tilespmem:s23], [sflag:$0x4], $0x80, s30, s20, $0xb8;
	v63 =	vld [tilespmem:$0x0]  }
0x79: {  	_ = 	snop  }
0x7a: {  	[tilespmem:s0], [sflag:$0x7] =	stream.indirect.gather [hbm4b:s5+s20], $0x80, s31, s20, $0xb8;
	v63 =	vld [tilespmem:$0x0]  }
0x7b: {  	_ =	swait.ge [sflag:s4], $0x2000  }
0x7c: {  	[sflag:s4] =	ssyncset.done $0x0  }
0x7d: {  	s25 =	simm.s32 $0x16100;
	[sflag:s4] =	ssyncadd.s32 $0xFFFFE000  }
0x7e: {  	[spmem:s2] =	stream.indirect.scatter.add.f32 [tilespmem:s28], [sflag:$0x6], $0x80, s25, s20, $0xb8;
	v63 =	vld [tilespmem:$0x0]  }
0x7f: {  	_ =	swait.ge [sflag:s8], $0x2000  }
0x80: {  	[sflag:s8] =	ssyncset.done $0x0  }
0x81: {  	s19 =	simm.s32 $0x14100;
	[sflag:s8] =	ssyncadd.s32 $0xFFFFE000  }
0x82: {  	[tilespmem:s21], [sflag:$0x1] =	stream.indirect.gather [hbm4b:s5+s20], $0x80, s19, s20, $0xb8;
	v63 =	vld [tilespmem:$0x0]  }
0x83: {  	_ =	swait.ge [sflag:s11], $0x2000  }
0x84: {  	[sflag:s11] =	ssyncset.done $0x0  }
0x85: {  	s22 =	simm.s32 $0x16180;
	[sflag:s11] =	ssyncadd.s32 $0xFFFFE000  }
0x86: {  	[spmem:s2] =	stream.indirect.scatter.add.f32 [tilespmem:s0], [sflag:$0x8], $0x80, s22, s20, $0xb8;
	v63 =	vld [tilespmem:$0x0]  }
0x87: {  	_ =	swait.ge [sflag:s12], $0x2000  }
0x88: {  	[sflag:s12] =	ssyncset.done $0x0  }
0x89: {  	s25 =	simm.s32 $0x14140;
	[sflag:s12] =	ssyncadd.s32 $0xFFFFE000  }
0x8a: {  	[tilespmem:s23], [sflag:$0x3] =	stream.indirect.gather [hbm4b:s5+s20], $0x80, s25, s20, $0xb8;
	v63 =	vld [tilespmem:$0x0]  }
0x8b: {  	_ =	swait.ge [sflag:s24], $0x2000  }
0x8c: {  	[sflag:s24] =	ssyncset.done $0x0  }
0x8d: {  	s19 =	simm.s32 $0x16200;
	[sflag:s24] =	ssyncadd.s32 $0xFFFFE000  }
0x8e: {  	[spmem:s2] =	stream.indirect.scatter.add.f32 [tilespmem:s21], [sflag:$0x2], $0x80, s19, s20, $0xb8;
	v63 =	vld [tilespmem:$0x0]  }
0x8f: {  	_ =	swait.ge [sflag:s10], $0x2000  }
0x90: {  	[sflag:s10] =	ssyncset.done $0x0  }
0x91: {  	s22 =	simm.s32 $0x14180;
	[sflag:s10] =	ssyncadd.s32 $0xFFFFE000  }
0x92: {  	[tilespmem:s28], [sflag:$0x5] =	stream.indirect.gather [hbm4b:s5+s20], $0x80, s22, s20, $0xb8;
	v63 =	vld [tilespmem:$0x0]  }
0x93: {  	_ =	swait.ge [sflag:s29], $0x2000  }
0x94: {  	[sflag:s29] =	ssyncset.done $0x0  }
0x95: {  	s25 =	simm.s32 $0x16280;
	[sflag:s29] =	ssyncadd.s32 $0xFFFFE000  }
0x96: {  	[spmem:s2] =	stream.indirect.scatter.add.f32 [tilespmem:s23], [sflag:$0x4], $0x80, s25, s20, $0xb8;
	v63 =	vld [tilespmem:$0x0]  }
0x97: {  	_ =	swait.ge [sflag:s14], $0x2000  }
0x98: {  	s1 =	simm.s32 $0x400;
	[sflag:s14] =	ssyncset.done $0x0  }
0x99: {  	s19 =	simm.s32 $0x16380;
	s22 =	simm.s32 $0x141C0;
	[sflag:s14] =	ssyncadd.s32 $0xFFFFE000  }
.LBB2_13:
0x9a: {  	[tilespmem:s0], [sflag:$0x7] =	stream.indirect.gather [hbm4b:s5+s20], $0x80, s22, s20, $0xb8;
	v63 =	vld [tilespmem:$0x0]  }
0x9b: {  	s22 =	smov.u32 s1  }
0x9c: {  	p1 =	sne.s32 s1, $0x3800;
	s1 =	sadd.s32 $0x400, s1;
	_ =	swait.ge [sflag:s4], $0x2000  }
0x9d: {  	[sflag:s4] =	ssyncset.done $0x0  }
0x9e: {  	s25 =	sadd.s32 $0xFFFFFF80, s19;
	[sflag:s4] =	ssyncadd.s32 $0xFFFFE000  }
0x9f: {  	[spmem:s2] =	stream.indirect.scatter.add.f32 [tilespmem:s28], [sflag:$0x6], $0x80, s25, s20, $0xb8;
	v63 =	vld [tilespmem:$0x0]  }
0xa0: {  	_ =	swait.ge [sflag:s8], $0x2000  }
0xa1: {  	s22 =	sshra.s32 s22, $0x2;
	[sflag:s8] =	ssyncset.done $0x0  }
0xa2: {  	s25 =	sadd.s32 $0x14100, s22;
	[sflag:s8] =	ssyncadd.s32 $0xFFFFE000  }
0xa3: {  	[tilespmem:s21], [sflag:$0x1] =	stream.indirect.gather [hbm4b:s5+s20], $0x80, s25, s20, $0xb8;
	v63 =	vld [tilespmem:$0x0]  }
0xa4: {  	_ =	swait.ge [sflag:s11], $0x2000  }
0xa5: {  	[sflag:s11] =	ssyncset.done $0x0  }
0xa6: {  	[sflag:s11] =	ssyncadd.s32 $0xFFFFE000  }
0xa7: {  	[spmem:s2] =	stream.indirect.scatter.add.f32 [tilespmem:s0], [sflag:$0x8], $0x80, s19, s20, $0xb8;
	v63 =	vld [tilespmem:$0x0]  }
0xa8: {  	_ =	swait.ge [sflag:s12], $0x2000  }
0xa9: {  	[sflag:s12] =	ssyncset.done $0x0  }
0xaa: {  	s25 =	sadd.s32 $0x14140, s22;
	[sflag:s12] =	ssyncadd.s32 $0xFFFFE000  }
0xab: {  	[tilespmem:s23], [sflag:$0x3] =	stream.indirect.gather [hbm4b:s5+s20], $0x80, s25, s20, $0xb8;
	v63 =	vld [tilespmem:$0x0]  }
0xac: {  	_ =	swait.ge [sflag:s24], $0x2000  }
0xad: {  	[sflag:s24] =	ssyncset.done $0x0  }
0xae: {  	s25 =	sadd.s32 $0x80, s19;
	[sflag:s24] =	ssyncadd.s32 $0xFFFFE000  }
0xaf: {  	[spmem:s2] =	stream.indirect.scatter.add.f32 [tilespmem:s21], [sflag:$0x2], $0x80, s25, s20, $0xb8;
	v63 =	vld [tilespmem:$0x0]  }
0xb0: {  	_ =	swait.ge [sflag:s10], $0x2000  }
0xb1: {  	[sflag:s10] =	ssyncset.done $0x0  }
0xb2: {  	s25 =	sadd.s32 $0x14180, s22;
	[sflag:s10] =	ssyncadd.s32 $0xFFFFE000  }
0xb3: {  	[tilespmem:s28], [sflag:$0x5] =	stream.indirect.gather [hbm4b:s5+s20], $0x80, s25, s20, $0xb8;
	v63 =	vld [tilespmem:$0x0]  }
0xb4: {  	_ =	swait.ge [sflag:s29], $0x2000  }
0xb5: {  	[sflag:s29] =	ssyncset.done $0x0  }
.Ltmp4:
0xb6: {  	s25 =	sadd.s32 $0x100, s19;
	[sflag:s29] =	ssyncadd.s32 $0xFFFFE000;
	(pc) =	sbr.rel @p1 .LBB2_13-.Ltmp4, $4  }
0xb7: {  	[spmem:s2] =	stream.indirect.scatter.add.f32 [tilespmem:s23], [sflag:$0x4], $0x80, s25, s20, $0xb8;
	v63 =	vld [tilespmem:$0x0]  }
0xb8: {  	_ =	swait.ge [sflag:s14], $0x2000  }
0xb9: {  	[sflag:s14] =	ssyncset.done $0x0  }
0xba: {  	s22 =	sadd.s32 $0x141C0, s22;
	s19 =	sadd.s32 $0x200, s19;
	[sflag:s14] =	ssyncadd.s32 $0xFFFFE000  }
0xbb: {  	[tilespmem:s0], [sflag:$0x7] =	stream.indirect.gather [hbm4b:s5+s20], $0x80, s22, s20, $0xb8;
	v63 =	vld [tilespmem:$0x0]  }
0xbc: {  	_ =	swait.ge [sflag:s8], $0x2000  }
0xbd: {  	[sflag:s8] =	ssyncset.done $0x0  }
0xbe: {  	[sflag:s8] =	ssyncadd.s32 $0xFFFFE000  }
0xbf: {  	_ =	swait.ge [sflag:s4], $0x2000  }
0xc0: {  	[sflag:s4] =	ssyncset.done $0x0  }
0xc1: {  	[sflag:s4] =	ssyncadd.s32 $0xFFFFE000  }
0xc2: {  	[spmem:s2] =	stream.indirect.scatter.add.f32 [tilespmem:s28], [sflag:$0x6], $0x80, s9, s20, $0xb8;
	v63 =	vld [tilespmem:$0x0]  }
0xc3: {  	_ =	swait.ge [sflag:s12], $0x2000  }
0xc4: {  	[sflag:s12] =	ssyncset.done $0x0  }
0xc5: {  	[sflag:s12] =	ssyncadd.s32 $0xFFFFE000  }
0xc6: {  	_ =	swait.ge [sflag:s11], $0x2000  }
0xc7: {  	[sflag:s11] =	ssyncset.done $0x0  }
0xc8: {  	s3 =	sadd.s32 $0x1, s3;
	[sflag:s11] =	ssyncadd.s32 $0xFFFFE000  }
0xc9: {  	[spmem:s2] =	stream.indirect.scatter.add.f32 [tilespmem:s0], [sflag:$0x8], $0x80, s15, s20, $0xb8;
	v63 =	vld [tilespmem:$0x0]  }
0xca: {  	p1 =	sne.s32 s3, $0x5;
	_ =	swait.ge [sflag:s10], $0x2000  }
.Ltmp5:
0xcb: {  	[sflag:s10] =	ssyncset.done $0x0;
	(pc) =	sbr.rel @p1 .LBB2_10-.Ltmp5, $4  }
0xcc: {  	[sflag:s10] =	ssyncadd.s32 $0xFFFFE000  }
0xcd: {  	_ =	swait.ge [sflag:s14], $0x2000  }
0xce: {  	[sflag:s14] =	ssyncset.done $0x0  }
0xcf: {  	[sflag:s14] =	ssyncadd.s32 $0xFFFFE000  }
.Ltmp6:
0xd0: {  	(pc) =	sbr.rel .LBB2_16-.Ltmp6, $4  }
0xd1: {  	_ = 	snop  }
0xd2: {  	[bflag:$0x0] =	sbarrier.arrive $0xFFFF  }
0xd3: {  	s1 =	rddreg [dreg:$0x5]  }
0xd4: {  	s16 =	rddreg [dreg:$0x4]  }
.LBB2_2:
0xd5: {  	s1 =	rddreg [dreg:$0x8]  }
0xd6: {  	[spmem:s3], [sflag:s19] =	dma.local [hbm:s1], $0x2800  }
0xd7: {  	_ =	swait.ge [sflag:s17], $0x2800  }
0xd8: {  	[sflag:s17] =	ssyncset.done $0x0  }
0xd9: {  	[sflag:s17] =	ssyncadd.s32 $0xFFFFD800  }
0xda: {  	s16 =	simm.s32 $0x0;
	s3 =	simm.s32 $0x0;
	[bflag:$0x0] =	sbarrier.arrive $0xFFFF  }
.LBB2_3:
0xdb: {  	s1 =	sshll.u32 s3, $0xC  }
0xdc: {  	s1 =	sadd.s32 s13, s1  }
0xdd: {  	s1 =	sshrl.u32 s1, $0x3  }
0xde: {  	s19 =	sadd.s32 s7, s1  }
0xdf: {  	[tilespmem:s18], [sflag:$0x9] =	stream.linear.gather [hbm4b:s19+s16], $0x1000, $0x38;
	v63 =	vld [tilespmem:$0x0]  }
0xe0: {  	_ =	swait.ge [sflag:s17], $0x1000  }
0xe1: {  	[sflag:s17] =	ssyncset.done $0x0  }
0xe2: {  	[sflag:s17] =	ssyncadd.s32 $0xFFFFF000  }
0xe3: {  	s25 =	rddreg [dreg:$0x1]  }
0xe4: {  	s22 =	simm.s32 $0x15000;
	s1 =	sadd.s32 s25, s1  }
0xe5: {  	[tilespmem:s22], [sflag:$0x9] =	stream.linear.gather [hbm4b:s1+s16], $0x1000, $0x38;
	v63 =	vld [tilespmem:$0x0]  }
0xe6: {  	_ =	swait.ge [sflag:s17], $0x1000  }
0xe7: {  	[sflag:s17] =	ssyncset.done $0x0  }
0xe8: {  	s25 =	simm.s32 $0x0;
	[sflag:s17] =	ssyncadd.s32 $0xFFFFF000  }
0xe9: {  	v0 =	vld [tilespmem:s25+$0x15000];
	_ =	sdelay $0x3  }
0xea: {  	s1 =	simm.s32 $0x16080  }
0xeb: {  	[tilespmem:s1+$0xFFFFFF80] =	vst v0  }
0xec: {  	v0 =	vld [tilespmem:s25+$0x15010];
	_ =	sdelay $0x4  }
0xed: {  	[tilespmem:s1+$0xFFFFFF90] =	vst v0  }
0xee: {  	v0 =	vld [tilespmem:s25+$0x15020];
	_ =	sdelay $0x4  }
0xef: {  	[tilespmem:s1+$0xFFFFFFA0] =	vst v0  }
0xf0: {  	v0 =	vld [tilespmem:s25+$0x15030];
	_ =	sdelay $0x4  }
0xf1: {  	[tilespmem:s1+$0xFFFFFFB0] =	vst v0  }
0xf2: {  	v0 =	vld [tilespmem:s25+$0x15040];
	_ =	sdelay $0x4  }
0xf3: {  	[tilespmem:s1+$0x0] =	vst v0  }
0xf4: {  	v0 =	vld [tilespmem:s25+$0x15050];
	_ =	sdelay $0x4  }
0xf5: {  	[tilespmem:s1+$0x10] =	vst v0  }
0xf6: {  	v0 =	vld [tilespmem:s25+$0x15060];
	_ =	sdelay $0x4  }
0xf7: {  	[tilespmem:s1+$0x20] =	vst v0  }
0xf8: {  	v0 =	vld [tilespmem:s25+$0x15070];
	_ =	sdelay $0x4  }
0xf9: {  	s19 =	simm.s32 $0x80;
	s22 =	simm.s32 $0x400;
	[tilespmem:s1+$0x30] =	vst v0  }
.LBB2_4:
0xfa: {  	p1 =	sne.s32 s22, $0x3E00;
	v0 =	vld [tilespmem:s19+$0x15000];
	_ =	sdelay $0x3  }
0xfb: {  	s1 =	sadd.s32 $0x100, s1  }
0xfc: {  	[tilespmem:s1+$0xFFFFFF80] =	vst v0  }
0xfd: {  	v0 =	vld [tilespmem:s19+$0x15010];
	_ =	sdelay $0x4  }
0xfe: {  	[tilespmem:s1+$0xFFFFFF90] =	vst v0  }
0xff: {  	v0 =	vld [tilespmem:s19+$0x15020];
	_ =	sdelay $0x4  }
0x100: {  	[tilespmem:s1+$0xFFFFFFA0] =	vst v0  }
0x101: {  	v0 =	vld [tilespmem:s19+$0x15030];
	_ =	sdelay $0x4  }
0x102: {  	[tilespmem:s1+$0xFFFFFFB0] =	vst v0  }
0x103: {  	v0 =	vld [tilespmem:s19+$0x15040];
	_ =	sdelay $0x4  }
0x104: {  	[tilespmem:s1+$0x0] =	vst v0  }
0x105: {  	v0 =	vld [tilespmem:s19+$0x15050];
	_ =	sdelay $0x4  }
0x106: {  	[tilespmem:s1+$0x10] =	vst v0  }
0x107: {  	v0 =	vld [tilespmem:s19+$0x15060];
	_ =	sdelay $0x4  }
0x108: {  	[tilespmem:s1+$0x20] =	vst v0  }
0x109: {  	v0 =	vld [tilespmem:s19+$0x15070]  }
.Ltmp7:
0x10a: {  	(pc) =	sbr.rel @p1 .LBB2_4-.Ltmp7, $2  }
0x10b: {  	_ =	sdelay $0x2  }
0x10c: {  	s19 =	sshra.s32 s22, $0x2;
	s22 =	sadd.s32 $0x200, s22;
	[tilespmem:s1+$0x30] =	vst v0  }
0x10d: {  	v0 =	vld [tilespmem:s19+$0x15000];
	_ =	sdelay $0x3  }
0x10e: {  	s1 =	sadd.s32 $0x100, s1  }
0x10f: {  	[tilespmem:s1+$0xFFFFFF80] =	vst v0  }
0x110: {  	v0 =	vld [tilespmem:s19+$0x15010];
	_ =	sdelay $0x4  }
0x111: {  	[tilespmem:s1+$0xFFFFFF90] =	vst v0  }
0x112: {  	v0 =	vld [tilespmem:s19+$0x15020];
	_ =	sdelay $0x4  }
0x113: {  	[tilespmem:s1+$0xFFFFFFA0] =	vst v0  }
0x114: {  	v0 =	vld [tilespmem:s19+$0x15030];
	_ =	sdelay $0x4  }
0x115: {  	[tilespmem:s1+$0xFFFFFFB0] =	vst v0  }
0x116: {  	v0 =	vld [tilespmem:s19+$0x15040];
	_ =	sdelay $0x4  }
0x117: {  	[tilespmem:s1+$0x0] =	vst v0  }
0x118: {  	v0 =	vld [tilespmem:s19+$0x15050];
	_ =	sdelay $0x4  }
0x119: {  	[tilespmem:s1+$0x10] =	vst v0  }
0x11a: {  	v0 =	vld [tilespmem:s19+$0x15060];
	_ =	sdelay $0x4  }
0x11b: {  	[tilespmem:s1+$0x20] =	vst v0  }
0x11c: {  	v0 =	vld [tilespmem:s19+$0x15070];
	_ =	sdelay $0x4  }
0x11d: {  	[tilespmem:s1+$0x30] =	vst v0  }
0x11e: {  	[tilespmem:s21], [sflag:$0x1] =	stream.indirect.gather [hbm4b:s6+s20], $0x80, s18, s20, $0xb8;
	v63 =	vld [tilespmem:$0x0]  }
0x11f: {  	s19 =	simm.s32 $0x14040  }
0x120: {  	[tilespmem:s23], [sflag:$0x3] =	stream.indirect.gather [hbm4b:s6+s20], $0x80, s19, s20, $0xb8;
	v63 =	vld [tilespmem:$0x0]  }
0x121: {  	_ =	swait.ge [sflag:s24], $0x2000  }
0x122: {  	[sflag:s24] =	ssyncset.done $0x0  }
0x123: {  	s22 =	simm.s32 $0x16000;
	[sflag:s24] =	ssyncadd.s32 $0xFFFFE000  }
0x124: {  	[spmem:s2] =	stream.indirect.scatter.add.f32 [tilespmem:s21], [sflag:$0x2], $0x80, s22, s20, $0xb8;
	v63 =	vld [tilespmem:$0x0]  }
0x125: {  	_ = 	snop  }
0x126: {  	[tilespmem:s28], [sflag:$0x5] =	stream.indirect.gather [hbm4b:s6+s20], $0x80, s26, s20, $0xb8;
	v63 =	vld [tilespmem:$0x0]  }
0x127: {  	_ =	swait.ge [sflag:s29], $0x2000  }
0x128: {  	[sflag:s29] =	ssyncset.done $0x0  }
0x129: {  	[sflag:s29] =	ssyncadd.s32 $0xFFFFE000  }
0x12a: {  	[spmem:s2] =	stream.indirect.scatter.add.f32 [tilespmem:s23], [sflag:$0x4], $0x80, s30, s20, $0xb8;
	v63 =	vld [tilespmem:$0x0]  }
0x12b: {  	_ = 	snop  }
0x12c: {  	[tilespmem:s0], [sflag:$0x7] =	stream.indirect.gather [hbm4b:s6+s20], $0x80, s31, s20, $0xb8;
	v63 =	vld [tilespmem:$0x0]  }
0x12d: {  	_ =	swait.ge [sflag:s4], $0x2000  }
0x12e: {  	[sflag:s4] =	ssyncset.done $0x0  }
0x12f: {  	s25 =	simm.s32 $0x16100;
	[sflag:s4] =	ssyncadd.s32 $0xFFFFE000  }
0x130: {  	[spmem:s2] =	stream.indirect.scatter.add.f32 [tilespmem:s28], [sflag:$0x6], $0x80, s25, s20, $0xb8;
	v63 =	vld [tilespmem:$0x0]  }
0x131: {  	_ =	swait.ge [sflag:s8], $0x2000  }
0x132: {  	[sflag:s8] =	ssyncset.done $0x0  }
0x133: {  	s19 =	simm.s32 $0x14100;
	[sflag:s8] =	ssyncadd.s32 $0xFFFFE000  }
0x134: {  	[tilespmem:s21], [sflag:$0x1] =	stream.indirect.gather [hbm4b:s6+s20], $0x80, s19, s20, $0xb8;
	v63 =	vld [tilespmem:$0x0]  }
0x135: {  	_ =	swait.ge [sflag:s11], $0x2000  }
0x136: {  	[sflag:s11] =	ssyncset.done $0x0  }
0x137: {  	s22 =	simm.s32 $0x16180;
	[sflag:s11] =	ssyncadd.s32 $0xFFFFE000  }
0x138: {  	[spmem:s2] =	stream.indirect.scatter.add.f32 [tilespmem:s0], [sflag:$0x8], $0x80, s22, s20, $0xb8;
	v63 =	vld [tilespmem:$0x0]  }
0x139: {  	_ =	swait.ge [sflag:s12], $0x2000  }
0x13a: {  	[sflag:s12] =	ssyncset.done $0x0  }
0x13b: {  	s25 =	simm.s32 $0x14140;
	[sflag:s12] =	ssyncadd.s32 $0xFFFFE000  }
0x13c: {  	[tilespmem:s23], [sflag:$0x3] =	stream.indirect.gather [hbm4b:s6+s20], $0x80, s25, s20, $0xb8;
	v63 =	vld [tilespmem:$0x0]  }
0x13d: {  	_ =	swait.ge [sflag:s24], $0x2000  }
0x13e: {  	[sflag:s24] =	ssyncset.done $0x0  }
0x13f: {  	s19 =	simm.s32 $0x16200;
	[sflag:s24] =	ssyncadd.s32 $0xFFFFE000  }
0x140: {  	[spmem:s2] =	stream.indirect.scatter.add.f32 [tilespmem:s21], [sflag:$0x2], $0x80, s19, s20, $0xb8;
	v63 =	vld [tilespmem:$0x0]  }
0x141: {  	_ =	swait.ge [sflag:s10], $0x2000  }
0x142: {  	[sflag:s10] =	ssyncset.done $0x0  }
0x143: {  	s22 =	simm.s32 $0x14180;
	[sflag:s10] =	ssyncadd.s32 $0xFFFFE000  }
0x144: {  	[tilespmem:s28], [sflag:$0x5] =	stream.indirect.gather [hbm4b:s6+s20], $0x80, s22, s20, $0xb8;
	v63 =	vld [tilespmem:$0x0]  }
0x145: {  	_ =	swait.ge [sflag:s29], $0x2000  }
0x146: {  	[sflag:s29] =	ssyncset.done $0x0  }
0x147: {  	s25 =	simm.s32 $0x16280;
	[sflag:s29] =	ssyncadd.s32 $0xFFFFE000  }
0x148: {  	[spmem:s2] =	stream.indirect.scatter.add.f32 [tilespmem:s23], [sflag:$0x4], $0x80, s25, s20, $0xb8;
	v63 =	vld [tilespmem:$0x0]  }
0x149: {  	_ =	swait.ge [sflag:s14], $0x2000  }
0x14a: {  	s1 =	simm.s32 $0x400;
	[sflag:s14] =	ssyncset.done $0x0  }
0x14b: {  	s19 =	simm.s32 $0x16380;
	s22 =	simm.s32 $0x141C0;
	[sflag:s14] =	ssyncadd.s32 $0xFFFFE000  }
.LBB2_6:
0x14c: {  	[tilespmem:s0], [sflag:$0x7] =	stream.indirect.gather [hbm4b:s6+s20], $0x80, s22, s20, $0xb8;
	v63 =	vld [tilespmem:$0x0]  }
0x14d: {  	s22 =	smov.u32 s1  }
0x14e: {  	p1 =	sne.s32 s1, $0x3800;
	s1 =	sadd.s32 $0x400, s1;
	_ =	swait.ge [sflag:s4], $0x2000  }
0x14f: {  	[sflag:s4] =	ssyncset.done $0x0  }
0x150: {  	s25 =	sadd.s32 $0xFFFFFF80, s19;
	[sflag:s4] =	ssyncadd.s32 $0xFFFFE000  }
0x151: {  	[spmem:s2] =	stream.indirect.scatter.add.f32 [tilespmem:s28], [sflag:$0x6], $0x80, s25, s20, $0xb8;
	v63 =	vld [tilespmem:$0x0]  }
0x152: {  	_ =	swait.ge [sflag:s8], $0x2000  }
0x153: {  	s22 =	sshra.s32 s22, $0x2;
	[sflag:s8] =	ssyncset.done $0x0  }
0x154: {  	s25 =	sadd.s32 $0x14100, s22;
	[sflag:s8] =	ssyncadd.s32 $0xFFFFE000  }
0x155: {  	[tilespmem:s21], [sflag:$0x1] =	stream.indirect.gather [hbm4b:s6+s20], $0x80, s25, s20, $0xb8;
	v63 =	vld [tilespmem:$0x0]  }
0x156: {  	_ =	swait.ge [sflag:s11], $0x2000  }
0x157: {  	[sflag:s11] =	ssyncset.done $0x0  }
0x158: {  	[sflag:s11] =	ssyncadd.s32 $0xFFFFE000  }
0x159: {  	[spmem:s2] =	stream.indirect.scatter.add.f32 [tilespmem:s0], [sflag:$0x8], $0x80, s19, s20, $0xb8;
	v63 =	vld [tilespmem:$0x0]  }
0x15a: {  	_ =	swait.ge [sflag:s12], $0x2000  }
0x15b: {  	[sflag:s12] =	ssyncset.done $0x0  }
0x15c: {  	s25 =	sadd.s32 $0x14140, s22;
	[sflag:s12] =	ssyncadd.s32 $0xFFFFE000  }
0x15d: {  	[tilespmem:s23], [sflag:$0x3] =	stream.indirect.gather [hbm4b:s6+s20], $0x80, s25, s20, $0xb8;
	v63 =	vld [tilespmem:$0x0]  }
0x15e: {  	_ =	swait.ge [sflag:s24], $0x2000  }
0x15f: {  	[sflag:s24] =	ssyncset.done $0x0  }
0x160: {  	s25 =	sadd.s32 $0x80, s19;
	[sflag:s24] =	ssyncadd.s32 $0xFFFFE000  }
0x161: {  	[spmem:s2] =	stream.indirect.scatter.add.f32 [tilespmem:s21], [sflag:$0x2], $0x80, s25, s20, $0xb8;
	v63 =	vld [tilespmem:$0x0]  }
0x162: {  	_ =	swait.ge [sflag:s10], $0x2000  }
0x163: {  	[sflag:s10] =	ssyncset.done $0x0  }
0x164: {  	s25 =	sadd.s32 $0x14180, s22;
	[sflag:s10] =	ssyncadd.s32 $0xFFFFE000  }
0x165: {  	[tilespmem:s28], [sflag:$0x5] =	stream.indirect.gather [hbm4b:s6+s20], $0x80, s25, s20, $0xb8;
	v63 =	vld [tilespmem:$0x0]  }
0x166: {  	_ =	swait.ge [sflag:s29], $0x2000  }
0x167: {  	[sflag:s29] =	ssyncset.done $0x0  }
.Ltmp8:
0x168: {  	s25 =	sadd.s32 $0x100, s19;
	[sflag:s29] =	ssyncadd.s32 $0xFFFFE000;
	(pc) =	sbr.rel @p1 .LBB2_6-.Ltmp8, $4  }
0x169: {  	[spmem:s2] =	stream.indirect.scatter.add.f32 [tilespmem:s23], [sflag:$0x4], $0x80, s25, s20, $0xb8;
	v63 =	vld [tilespmem:$0x0]  }
0x16a: {  	_ =	swait.ge [sflag:s14], $0x2000  }
0x16b: {  	[sflag:s14] =	ssyncset.done $0x0  }
0x16c: {  	s22 =	sadd.s32 $0x141C0, s22;
	s19 =	sadd.s32 $0x200, s19;
	[sflag:s14] =	ssyncadd.s32 $0xFFFFE000  }
0x16d: {  	[tilespmem:s0], [sflag:$0x7] =	stream.indirect.gather [hbm4b:s6+s20], $0x80, s22, s20, $0xb8;
	v63 =	vld [tilespmem:$0x0]  }
0x16e: {  	_ =	swait.ge [sflag:s8], $0x2000  }
0x16f: {  	[sflag:s8] =	ssyncset.done $0x0  }
0x170: {  	[sflag:s8] =	ssyncadd.s32 $0xFFFFE000  }
0x171: {  	_ =	swait.ge [sflag:s4], $0x2000  }
0x172: {  	[sflag:s4] =	ssyncset.done $0x0  }
0x173: {  	[sflag:s4] =	ssyncadd.s32 $0xFFFFE000  }
0x174: {  	[spmem:s2] =	stream.indirect.scatter.add.f32 [tilespmem:s28], [sflag:$0x6], $0x80, s9, s20, $0xb8;
	v63 =	vld [tilespmem:$0x0]  }
0x175: {  	_ =	swait.ge [sflag:s12], $0x2000  }
0x176: {  	[sflag:s12] =	ssyncset.done $0x0  }
0x177: {  	[sflag:s12] =	ssyncadd.s32 $0xFFFFE000  }
0x178: {  	_ =	swait.ge [sflag:s11], $0x2000  }
0x179: {  	[sflag:s11] =	ssyncset.done $0x0  }
0x17a: {  	s3 =	sadd.s32 $0x1, s3;
	[sflag:s11] =	ssyncadd.s32 $0xFFFFE000  }
0x17b: {  	[spmem:s2] =	stream.indirect.scatter.add.f32 [tilespmem:s0], [sflag:$0x8], $0x80, s15, s20, $0xb8;
	v63 =	vld [tilespmem:$0x0]  }
0x17c: {  	p1 =	sne.s32 s3, $0x5;
	_ =	swait.ge [sflag:s10], $0x2000  }
.Ltmp9:
0x17d: {  	[sflag:s10] =	ssyncset.done $0x0;
	(pc) =	sbr.rel @p1 .LBB2_3-.Ltmp9, $4  }
0x17e: {  	[sflag:s10] =	ssyncadd.s32 $0xFFFFE000  }
0x17f: {  	_ =	swait.ge [sflag:s14], $0x2000  }
0x180: {  	[sflag:s14] =	ssyncset.done $0x0  }
0x181: {  	[sflag:s14] =	ssyncadd.s32 $0xFFFFE000  }
.Ltmp10:
0x182: {  	(pc) =	sbr.rel .LBB2_16-.Ltmp10, $4  }
0x183: {  	_ = 	snop  }
0x184: {  	[bflag:$0x0] =	sbarrier.arrive $0xFFFF  }
0x185: {  	s1 =	rddreg [dreg:$0x7]  }
0x186: {  	s16 =	rddreg [dreg:$0x4]  }
.LBB2_17:
0x187: {  	_ =	sfence.sel $0x180000  }
0x188: {  	[bflag:$0x0] =	sbarrier.arrive $0xFFFF  }
0x189: {  	_ =	strace $0x9000004A  }
0x18a: {  	s0 =	stileid.u32;
	[bflag:$0x2] =	sbarrier.arrive $0xFFFF  }
0x18b: {  	p0 =	sne.s32 s0, $0x0;
	s0 =	rddreg [dreg:$0x3]  }
0x18c: {  	s0 =	sadd.s32 @!p0 $0x100000, s0  }
0x18d: {  	[sflag:s0] =	ssyncadd.tile.s32 @!p0 $0x1;
	_ =	shalt  }
.Lfunc_end2:
_tile_overlayer_lowered:
.L_overlay_start_2:
0x18e: {  	(tag) =	ssettag $0x2  }
0x18f: {  	s0 =	rddreg [dreg:$0x0];
	s2 =	stileid.u32  }
0x190: {  	s1 =	rddreg [dreg:$0x1];
	p0 =	sne.s32 s2, $0x0  }
0x191: {  	s3 =	rddreg [dreg:$0x2];
	[bflag:$0x3] =	sbarrier.arrive $0xFFFF;
	s2 =	simm.s32 @!p0 $0x1C09  }
0x192: {  	[timem:s3], [sflag:s2] =	dma.local @!p0 [hbm:s0], s1  }
0x193: {  	s0 =	simm.s32 @!p0 $0x9  }
0x194: {  	_ =	swait.ge @!p0 [sflag:s0], s1  }
0x195: {  	s1 =	ssub.s32 @!p0 $0x0, s1;
	[sflag:s0] =	ssyncset.done @!p0 $0x0  }
0x196: {  	[sflag:s0] =	ssyncadd.s32 @!p0 s1  }
0x197: {  	[bflag:$0x3] =	sbarrier.arrive $0xFFFF  }
0x198: {  	_ =	shalt  }

// kernel: kernel.14.cloned.1.call-start
scs
__scs_entry_jumppad:
0x0: {  	(pc) =	sbr.rel $0x88, $3  }
0x1: {  	(tag) =	ssettag $0x0;
	lr =	simm.s32 $0x1  }
0x2: {  	[smem:$0x3F97] =	sst lr;
	_ =	strace $0xD0000000  }
0x3: {  	_ = 	snop  }
0x4: {  	_ = 	snop  }
0x5: {  	_ = 	snop  }
0x6: {  	_ = 	snop  }
0x7: {  	_ = 	snop  }
__scs_overlays_trampoline_lowered:
0x8: {  	[smem:$0x3FA6] =	sst s0  }
0x9: {  	[smem:$0x3FA7] =	sst s1  }
0xa: {  	[smem:$0x3FA8] =	sst s2  }
0xb: {  	[smem:$0x3FA9] =	sst s3  }
0xc: {  	[smem:$0x3FAA] =	sst s4  }
0xd: {  	[smem:$0x3FAB] =	sst s5  }
0xe: {  	[smem:$0x3FAC] =	sst s6  }
0xf: {  	[smem:$0x3FAD] =	sst s7  }
0x10: {  	[smem:$0x3FAE] =	sst s8  }
0x11: {  	[smem:$0x3FAF] =	sst s9;
	s0 =	simm.s32 @!p0 $0x0  }
0x12: {  	s1 =	sld [smem:$0x3F95];
	s0 =	simm.s32 @p0 $0x1  }
0x13: {  	[smem:$0x3FB0] =	sst s0;
	s0 =	simm.s32 @!p1 $0x0  }
0x14: {  	s2 =	sld [smem:$0x3F94];
	s0 =	simm.s32 @p1 $0x1  }
0x15: {  	[smem:$0x3FB1] =	sst s0;
	s0 =	simm.s32 @!p2 $0x0  }
0x16: {  	s3 =	sld [smem:$0x3FDB];
	s0 =	simm.s32 @p2 $0x1  }
0x17: {  	s4 =	simm.s32 $0x1BF5;
	[smem:$0x3FB3] =	sst s0  }
0x18: {  	s0 =	sld [smem:$0x3F96];
	_ =	swait.ge [sflag:s4], $0x0  }
0x19: {  	s7 =	sld [smem:$0x3F97]  }
0x1a: {  	s8 =	sadd.s32 $0xFFFFE003, lr  }
0x1b: {  	s9 =	sadd.s32 $0xFFFFFEF7, lr;
	s5 =	simm.s32 $0xFFFFFFFF;
	p2 =	slt.u32 s8, $0xFFFFF086  }
0x1c: {  	p1 =	slt.u32 s9, $0xF7A;
	s5 =	simm.s32 @!p2 $0x0  }
0x1d: {  	s5 =	simm.s32 @p1 $0x1;
	p0 =	seq.s32 s7, s2  }
0x1e: {  	s7 =	smul.u32 @!p0 $0xF7A, s2;
	p2 =	seq.s32 @!p0 s5, $0x0  }
0x1f: {  	s9 =	smul.u32 $0xF7A, s1;
	s8 =	simm.s32 @!p0 $0x1BF5;
	p2 =	por !p2, p0  }
0x20: {  	[sflag:s8] =	ssyncset.s32 @!p0 $0xFFFFF086;
	s6 =	sadd.s32 @!p0 s3, s7;
	s7 =	simm.s32 @!p0 $0x108  }
0x21: {  	s3 =	sadd.s32 s3, s9;
	s6 =	sadd.s32 @!p0 $0x88, s6;
	s7 =	simm.s32 @p2 $0x1082  }
0x22: {  	[simem:s7], [sflag:s8] =	dma.local @!p0 [hbm:s6], $0xF7A  }
0x23: {  	s9 =	sor.u32 $0xD0000000, s2;
	s6 =	simm.s32 $0x108;
	_ =	swait.ge @!p0 [sflag:s8], $0x0  }
0x24: {  	s3 =	sadd.s32 $0x88, s3;
	s6 =	simm.s32 @!p1 $0x1082;
	[sflag:s4] =	ssyncset.s32 $0xFFFFF086  }
0x25: {  	[simem:s6], [sflag:s4] =	dma.local [hbm:s3], $0xF7A  }
0x26: {  	[smem:$0x3F97] =	sst s1;
	(tag) =	ssettag s2;
	_ =	strace s9  }
0x27: {  	s1 =	sld [smem:$0x3FA7]  }
0x28: {  	s2 =	sld [smem:$0x3FA8]  }
0x29: {  	s4 =	sld [smem:$0x3FAA]  }
0x2a: {  	p0 =	seq.s32 s5, $0x0;
	s5 =	sld [smem:$0x3FAB]  }
0x2b: {  	s6 =	sld [smem:$0x3FAC]  }
0x2c: {  	s7 =	sld [smem:$0x3FAD]  }
0x2d: {  	s3 =	simm.s32 $0x108;
	s8 =	sld [smem:$0x3FAE]  }
0x2e: {  	s3 =	simm.s32 @!p0 $0x1082;
	s9 =	sld [smem:$0x3FAF]  }
0x2f: {  	lr =	sadd.s32 s0, s3;
	s0 =	sld [smem:$0x3FA6]  }
0x30: {  	s3 =	sld [smem:$0x3FA9]  }
0x31: {  	[smem:$0x3FB2] =	sst s10  }
0x32: {  	s10 =	sld [smem:$0x3FB0];
	_ =	sdelay $0x3  }
0x33: {  	p0 =	seq.s32 s10, $0x1;
	s10 =	sld [smem:$0x3FB2];
	_ =	sdelay $0x3  }
0x34: {  	[smem:$0x3FB2] =	sst s10  }
0x35: {  	s10 =	sld [smem:$0x3FB1];
	_ =	sdelay $0x3  }
0x36: {  	p1 =	seq.s32 s10, $0x1;
	s10 =	sld [smem:$0x3FB2];
	_ =	sdelay $0x3  }
0x37: {  	[smem:$0x3FB2] =	sst s10  }
0x38: {  	s10 =	sld [smem:$0x3FB3]  }
0x39: {  	_ = 	snop;
	(pc) =	sbr.ind lr, $3  }
0x3a: {  	_ = 	snop  }
0x3b: {  	_ = 	snop  }
0x3c: {  	p2 =	seq.s32 s10, $0x1;
	s10 =	sld [smem:$0x3FB2]  }
0x3d: {  	_ =	shalt  }
0x3e: {  	_ =	shalt  }
0x3f: {  	_ =	shalt  }
0x40: {  	_ =	shalt  }
0x41: {  	_ =	shalt  }
0x42: {  	_ =	shalt  }
0x43: {  	_ =	shalt  }
0x44: {  	_ =	shalt  }
0x45: {  	_ =	shalt  }
0x46: {  	_ =	shalt  }
0x47: {  	_ =	shalt  }
0x48: {  	_ =	shalt  }
0x49: {  	_ =	shalt  }
0x4a: {  	_ =	shalt  }
0x4b: {  	_ =	shalt  }
0x4c: {  	_ =	shalt  }
0x4d: {  	_ =	shalt  }
0x4e: {  	_ =	shalt  }
0x4f: {  	_ =	shalt  }
0x50: {  	_ =	shalt  }
0x51: {  	_ =	shalt  }
0x52: {  	_ =	shalt  }
0x53: {  	_ =	shalt  }
0x54: {  	_ =	shalt  }
0x55: {  	_ =	shalt  }
0x56: {  	_ =	shalt  }
0x57: {  	_ =	shalt  }
0x58: {  	_ =	shalt  }
0x59: {  	_ =	shalt  }
0x5a: {  	_ =	shalt  }
0x5b: {  	_ =	shalt  }
0x5c: {  	_ =	shalt  }
0x5d: {  	_ =	shalt  }
0x5e: {  	_ =	shalt  }
0x5f: {  	_ =	shalt  }
0x60: {  	_ =	shalt  }
0x61: {  	_ =	shalt  }
0x62: {  	_ =	shalt  }
0x63: {  	_ =	shalt  }
0x64: {  	_ =	shalt  }
0x65: {  	_ =	shalt  }
0x66: {  	_ =	shalt  }
0x67: {  	_ =	shalt  }
0x68: {  	_ =	shalt  }
0x69: {  	_ =	shalt  }
0x6a: {  	_ =	shalt  }
0x6b: {  	_ =	shalt  }
0x6c: {  	_ =	shalt  }
0x6d: {  	_ =	shalt  }
0x6e: {  	_ =	shalt  }
0x6f: {  	_ =	shalt  }
0x70: {  	_ =	shalt  }
0x71: {  	_ =	shalt  }
0x72: {  	_ =	shalt  }
0x73: {  	_ =	shalt  }
0x74: {  	_ =	shalt  }
0x75: {  	_ =	shalt  }
0x76: {  	_ =	shalt  }
0x77: {  	_ =	shalt  }
0x78: {  	_ =	shalt  }
0x79: {  	_ =	shalt  }
0x7a: {  	_ =	shalt  }
0x7b: {  	_ =	shalt  }
0x7c: {  	_ =	shalt  }
0x7d: {  	_ =	shalt  }
0x7e: {  	_ =	shalt  }
0x7f: {  	_ =	shalt  }
0x80: {  	_ =	shalt  }
0x81: {  	_ =	shalt  }
0x82: {  	_ =	shalt  }
0x83: {  	_ =	shalt  }
0x84: {  	_ =	shalt  }
0x85: {  	_ =	shalt  }
0x86: {  	_ =	shalt  }
0x87: {  	_ =	shalt  }
.Lfunc_end0:
.L_simem_size_0:
called_computation.2_lowered:
.L_overlay_start_0:
0x88: {  	s2 =	sld [smem:$0x3FD9]  }
0x89: {  	s3 =	sld [smem:$0x3FFE];
	_ =	sdelay $0x1  }
0x8a: {  	s1 =	srdreg.scid  }
0x8b: {  	s0 =	sand.u32 $0x1, s1  }
0x8c: {  	s17 =	sshll.u32 s0, $0xA;
	s2 =	sadd.s32 s3, s2  }
0x8d: {  	s2 =	sadd.s32 s2, s17  }
0x8e: {  	[smem:$0x3FBE] =	sst s2  }
0x8f: {  	_ = 	snop  }
0x90: {  	s2 =	sld [smem:$0x3FD0];
	(tm) =	ssettm $0x1  }
0x91: {  	s18 =	sld [smem:$0x3FFB];
	_ =	sdelay $0x3  }
0x92: {  	_ =	strace s18  }
0x93: {  	s3 =	sld [smem:$0x3FFC];
	_ =	sdelay $0x3  }
0x94: {  	_ =	strace s3  }
0x95: {  	s3 =	sld [smem:$0x3FFD];
	_ =	sdelay $0x3  }
0x96: {  	_ =	strace s3  }
0x97: {  	_ =	strace $0x8FFFFFFF  }
0x98: {  	s19 =	sld [smem:$0x3FDB];
	_ =	sdelay $0x1  }
0x99: {  	s4 =	simm.s32 $_scs_section_size  }
0x9a: {  	s5 =	simm.s32 $_size__tile_overlayer_lowered;
	s6 =	simm.s32 $_tile_overlayer_lowered  }
0x9b: {  	s22 =	simm.s32 $0x1BFF;
	s21 =	sshll.u32 s6, $0x1;
	s3 =	sadd.s32 s4, s19  }
0x9c: {  	s7 =	simm.s32 $0x0;
	s20 =	sshll.u32 s5, $0x1;
	s5 =	sadd.s32 s21, s3  }
0x9d: {  	[timem:s7], [sflag:s22] =	dma.local [hbm:s5], s20  }
0x9e: {  	_ =	swait.ge [sflag:s22], s20  }
0x9f: {  	s4 =	ssub.s32 $0x0, s20;
	[sflag:s22] =	ssyncset.done $0x0  }
0xa0: {  	[sflag:s22] =	ssyncadd.s32 s4;
	_ =	sdelay $0x1  }
0xa1: {  	s23 =	simm.s32 $0x1B8B  }
0xa2: {  	_ =	swait.ge [sflag:s23], $0x1  }
0xa3: {  	[sflag:s23] =	ssyncset.done $0x0  }
0xa4: {  	s25 =	simm.s32 $0x1B8E;
	s24 =	sld [smem:$0x3FFE];
	[sflag:s23] =	ssyncadd.s32 $0xFFFFFFFF  }
0xa5: {  	s26 =	simm.s32 $execute0_lowered;
	[smem:$0x3FD2] =	sst s25  }
0xa6: {  	s5 =	sshll.u32 s26, $0x1;
	_ =	strace $0x8000004C;
	[dreg:$0x1] =	wrdreg $0xFFFFFFFF  }
0xa7: {  	s28 =	simm.s32 $_size_execute0_lowered;
	s3 =	sadd.s32 s3, s5;
	[dreg:$0x0] =	wrdreg $0x0  }
0xa8: {  	s5 =	sshll.u32 s28, $0x1;
	[dreg:$0x2] =	wrdreg s3  }
0xa9: {  	[dreg:$0x3] =	wrdreg s5  }
0xaa: {  	[dreg:$0x4] =	wrdreg $0xC0  }
0xab: {  	_ =	task [dreg:s7], $0x5FFFF  }
0xac: {  	[dreg:$0x1] =	wrdreg $0xFFFFFFFF  }
0xad: {  	[dreg:$0x0] =	wrdreg $0x60  }
0xae: {  	[dreg:$0x2] =	wrdreg s24  }
0xaf: {  	[dreg:$0x3] =	wrdreg s2  }
0xb0: {  	[dreg:$0x4] =	wrdreg $0x0  }
0xb1: {  	[dreg:$0x5] =	wrdreg $0x9  }
0xb2: {  	_ =	task.clear_ibuf [dreg:s7], $0x6FFFF;
	_ =	strace $0x9000004C  }
0xb3: {  	s29 =	simm.s32 $0x9;
	_ =	strace $0x8000004E  }
0xb4: {  	_ =	swait.ge [sflag:s29], $0x1  }
0xb5: {  	[sflag:s29] =	ssyncadd.s32 $0xFFFFFFFF  }
0xb6: {  	_ =	strace $0x9000004E  }
0xb7: {  	_ =	sfence  }
0xb8: {  	s30 =	sld [smem:$0x0];
	_ =	sdelay $0x2  }
0xb9: {  	s31 =	sshll.u32 s1, $0xD;
	s1 =	sshrl.u32 s1, $0x2  }
0xba: {  	s3 =	sand.u32 $0x4000, s31;
	s1 =	sadd.s32 s1, s30  }
0xbb: {  	s0 =	sor.u32 s3, s0;
	s1 =	sshll.u32 s1, $0x11  }
0xbc: {  	s0 =	sor.u32 s1, s0  }
0xbd: {  	s0 =	sadd.s32 $0x8F2B, s0  }
0xbe: {  	[sflag:s0] =	ssyncadd.remote.s32 $0x1  }
0xbf: {  	_ =	sfence.sel $0xFFFF  }
0xc0: {  	[dreg:$0x0] =	wrdreg $0xFFFFFFFF;
	(pc) =	sbr.abs _section_cstart, $3  }
0xc1: {  	[dreg:$0x1] =	wrdreg $0xFFFFFFFF  }
0xc2: {  	_ =	task.clear_ibuf [dreg:s7], $0x2FFFF;
	_ =	strace $0x9FFFFFFF  }
0xc3: {  	(tm) =	ssettm $0x7FFFFFFF  }
tec
execute0_lowered:
.L_overlay_start_1:
0x0: {  	(tag) =	ssettag $0x1  }
0x1: {  	s0 =	rddreg [dreg:$0x0]  }
0x2: {  	s2 =	rddreg [dreg:$0x2];
	s12 =	simm.s32 $0x0  }
0x3: {  	s1 =	srdreg.scid;
	s9 =	stileid.u32;
	s13 =	simm.s32 $0x9  }
0x4: {  	s14 =	simm.s32 $0x14000;
	s16 =	simm.s32 $0x40;
	s17 =	simm.s32 $0x16000  }
0x5: {  	s18 =	simm.s32 $0x14040;
	s19 =	simm.s32 $0x18000;
	s20 =	simm.s32 $0x1  }
0x6: {  	s21 =	simm.s32 $0x15000;
	s22 =	simm.s32 $0x14080;
	s23 =	simm.s32 $0x1A000  }
0x7: {  	s28 =	simm.s32 $0x1C000;
	s29 =	simm.s32 $0x5;
	s30 =	simm.s32 $0x2  }
0x8: {  	s31 =	simm.s32 $0x7;
	s11 =	simm.s32 $0x15F80;
	[smem:$0x7FF] =	sst s12  }
0x9: {  	s1 =	sand.u32 $0x1, s1;
	s5 =	sadd.s32 $0xE800, s0;
	s4 =	smul.u32 $0x50000, s9  }
0xa: {  	s6 =	sadd.s32 $0x4800, s0;
	s25 =	smul.u32 $0x2800, s9;
	_ =	strace $0x8000004D  }
0xb: {  	s3 =	ssub.s32 $0x2, s1;
	s8 =	sshll.u32 s1, $0x4;
	p0 =	seq.s32 s1, $0x1  }
0xc: {  	s1 =	simm.s32 $0x5E800;
	s7 =	sshrl.u32 s3, $0x1;
	s24 =	sor.u32 s9, s8  }
0xd: {  	s4 =	sshrl.u32 s4, $0x2;
	s9 =	sshll.u32 s9, $0x6;
	s1 =	simm.s32 @!p0 $0x36800  }
0xe: {  	s10 =	sadd.s32 s5, s25;
	s3 =	ssub.s32 s3, s7;
	s4 =	sadd.s32 s4, s2  }
0xf: {  	[dreg:$0x5] =	wrdreg s10;
	s15 =	sor.u32 $0x1C09, s9;
	s0 =	sadd.s32 s1, s0  }
0x10: {  	s9 =	smul.u32 $0x2800, s24;
	s24 =	simm.s32 $0x3;
	s7 =	simm.s32 $0x8  }
0x11: {  	s10 =	simm.s32 $0x15F00;
	s26 =	smax.u32 s3, $0x1;
	[dreg:$0x6] =	wrdreg s15  }
0x12: {  	s0 =	sadd.s32 s0, s25;
	s4 =	sshrl.u32 s4, $0x3;
	[dreg:$0x7] =	wrdreg s26  }
0x13: {  	s25 =	simm.s32 $0x15080;
	s3 =	simm.s32 $0x6;
	[dreg:$0x8] =	wrdreg s0  }
0x14: {  	s26 =	simm.s32 $0x140C0;
	s0 =	simm.s32 $0x4;
	[dreg:$0x9] =	wrdreg s4  }
.LBB2_1:
0x15: {  	[dreg:$0x4] =	wrdreg s12  }
0x16: {  	s1 =	rddreg [dreg:$0x5]  }
0x17: {  	[spmem:s4], [sflag:s15] =	dma.local [hbm:s1], $0x2800  }
0x18: {  	_ =	swait.ge [sflag:s13], $0x2800  }
0x19: {  	[sflag:s13] =	ssyncset.done $0x0  }
0x1a: {  	[sflag:s13] =	ssyncadd.s32 $0xFFFFD800  }
0x1b: {  	s8 =	simm.s32 $0x0;
	[bflag:$0x0] =	sbarrier.arrive $0xFFFF  }
.LBB2_2:
0x1c: {  	s1 =	sshll.u32 s8, $0xB  }
0x1d: {  	s1 =	sadd.s32 s9, s1  }
0x1e: {  	s1 =	sshrl.u32 s1, $0x3  }
0x1f: {  	s12 =	simm.s32 $0x0;
	s4 =	sadd.s32 s6, s1  }
0x20: {  	[tilespmem:s14], [sflag:$0x9] =	stream.linear.gather [hbm4b:s4+s12], $0x800, $0x38;
	[tilespmem:$0x1E000] =	vst v63  }
0x21: {  	_ =	swait.ge [sflag:s13], $0x800  }
0x22: {  	[sflag:s13] =	ssyncset.done $0x0  }
0x23: {  	[sflag:s13] =	ssyncadd.s32 $0xFFFFF800  }
0x24: {  	s15 =	rddreg [dreg:$0x1]  }
0x25: {  	s1 =	sadd.s32 s15, s1;
	s15 =	simm.s32 $0x14800  }
0x26: {  	[tilespmem:s15], [sflag:$0x9] =	stream.linear.gather [hbm4b:s1+s12], $0x800, $0x38;
	[tilespmem:$0x1E000] =	vst v63  }
0x27: {  	_ =	swait.ge [sflag:s13], $0x800  }
0x28: {  	[sflag:s13] =	ssyncset.done $0x0  }
0x29: {  	s15 =	simm.s32 $0x0;
	[sflag:s13] =	ssyncadd.s32 $0xFFFFF800  }
0x2a: {  	v0 =	vld [tilespmem:s15+$0x14800];
	_ =	sdelay $0x3  }
0x2b: {  	s12 =	simm.s32 $0x15080  }
0x2c: {  	[tilespmem:s12+$0xFFFFFF80] =	vst v0  }
0x2d: {  	v0 =	vld [tilespmem:s15+$0x14810];
	_ =	sdelay $0x4  }
0x2e: {  	[tilespmem:s12+$0xFFFFFF90] =	vst v0  }
0x2f: {  	v0 =	vld [tilespmem:s15+$0x14820];
	_ =	sdelay $0x4  }
0x30: {  	[tilespmem:s12+$0xFFFFFFA0] =	vst v0  }
0x31: {  	v0 =	vld [tilespmem:s15+$0x14830];
	_ =	sdelay $0x4  }
0x32: {  	[tilespmem:s12+$0xFFFFFFB0] =	vst v0  }
0x33: {  	v0 =	vld [tilespmem:s15+$0x14840];
	_ =	sdelay $0x4  }
0x34: {  	[tilespmem:s12+$0x0] =	vst v0  }
0x35: {  	v0 =	vld [tilespmem:s15+$0x14850];
	_ =	sdelay $0x4  }
0x36: {  	[tilespmem:s12+$0x10] =	vst v0  }
0x37: {  	v0 =	vld [tilespmem:s15+$0x14860];
	_ =	sdelay $0x4  }
0x38: {  	[tilespmem:s12+$0x20] =	vst v0  }
0x39: {  	v0 =	vld [tilespmem:s15+$0x14870];
	_ =	sdelay $0x4  }
0x3a: {  	s4 =	simm.s32 $0x80;
	s1 =	simm.s32 $0x400;
	[tilespmem:s12+$0x30] =	vst v0  }
.LBB2_3:
0x3b: {  	p0 =	sne.s32 s1, $0x1E00;
	v0 =	vld [tilespmem:s4+$0x14800];
	_ =	sdelay $0x3  }
0x3c: {  	s12 =	sadd.s32 $0x100, s12  }
0x3d: {  	[tilespmem:s12+$0xFFFFFF80] =	vst v0  }
0x3e: {  	v0 =	vld [tilespmem:s4+$0x14810];
	_ =	sdelay $0x4  }
0x3f: {  	[tilespmem:s12+$0xFFFFFF90] =	vst v0  }
0x40: {  	v0 =	vld [tilespmem:s4+$0x14820];
	_ =	sdelay $0x4  }
0x41: {  	[tilespmem:s12+$0xFFFFFFA0] =	vst v0  }
0x42: {  	v0 =	vld [tilespmem:s4+$0x14830];
	_ =	sdelay $0x4  }
0x43: {  	[tilespmem:s12+$0xFFFFFFB0] =	vst v0  }
0x44: {  	v0 =	vld [tilespmem:s4+$0x14840];
	_ =	sdelay $0x4  }
0x45: {  	[tilespmem:s12+$0x0] =	vst v0  }
0x46: {  	v0 =	vld [tilespmem:s4+$0x14850];
	_ =	sdelay $0x4  }
0x47: {  	[tilespmem:s12+$0x10] =	vst v0  }
0x48: {  	v0 =	vld [tilespmem:s4+$0x14860];
	_ =	sdelay $0x4  }
0x49: {  	[tilespmem:s12+$0x20] =	vst v0  }
0x4a: {  	v0 =	vld [tilespmem:s4+$0x14870]  }
.Ltmp0:
0x4b: {  	(pc) =	sbr.rel @p0 .LBB2_3-.Ltmp0, $2  }
0x4c: {  	_ =	sdelay $0x2  }
0x4d: {  	s4 =	sshra.s32 s1, $0x2;
	s1 =	sadd.s32 $0x200, s1;
	[tilespmem:s12+$0x30] =	vst v0  }
0x4e: {  	v0 =	vld [tilespmem:s4+$0x14800];
	_ =	sdelay $0x3  }
0x4f: {  	s1 =	sadd.s32 $0x100, s12  }
0x50: {  	[tilespmem:s1+$0xFFFFFF80] =	vst v0  }
0x51: {  	v0 =	vld [tilespmem:s4+$0x14810];
	_ =	sdelay $0x4  }
0x52: {  	[tilespmem:s1+$0xFFFFFF90] =	vst v0  }
0x53: {  	v0 =	vld [tilespmem:s4+$0x14820];
	_ =	sdelay $0x4  }
0x54: {  	[tilespmem:s1+$0xFFFFFFA0] =	vst v0  }
0x55: {  	v0 =	vld [tilespmem:s4+$0x14830];
	_ =	sdelay $0x4  }
0x56: {  	[tilespmem:s1+$0xFFFFFFB0] =	vst v0  }
0x57: {  	v0 =	vld [tilespmem:s4+$0x14840];
	_ =	sdelay $0x4  }
0x58: {  	[tilespmem:s1+$0x0] =	vst v0  }
0x59: {  	v0 =	vld [tilespmem:s4+$0x14850];
	_ =	sdelay $0x4  }
0x5a: {  	[tilespmem:s1+$0x10] =	vst v0  }
0x5b: {  	v0 =	vld [tilespmem:s4+$0x14860];
	_ =	sdelay $0x4  }
0x5c: {  	[tilespmem:s1+$0x20] =	vst v0  }
0x5d: {  	v0 =	vld [tilespmem:s4+$0x14870];
	_ =	sdelay $0x4  }
0x5e: {  	[tilespmem:s1+$0x30] =	vst v0  }
0x5f: {  	[tilespmem:s17], [sflag:$0x1] =	stream.indirect.gather [hbm4b:s5+s16], $0x80, s14, s16, $0xb8;
	[tilespmem:$0x1E000] =	vst v63  }
0x60: {  	_ = 	snop  }
0x61: {  	[tilespmem:s19], [sflag:$0x3] =	stream.indirect.gather [hbm4b:s5+s16], $0x80, s18, s16, $0xb8;
	[tilespmem:$0x1E000] =	vst v63  }
0x62: {  	_ =	swait.ge [sflag:s20], $0x2000  }
0x63: {  	[sflag:s20] =	ssyncset.done $0x0  }
0x64: {  	[sflag:s20] =	ssyncadd.s32 $0xFFFFE000  }
0x65: {  	[spmem:s2] =	stream.indirect.scatter.add.f32 [tilespmem:s17], [sflag:$0x2], $0x80, s21, s16, $0xb8;
	[tilespmem:$0x1E000] =	vst v63  }
0x66: {  	_ = 	snop  }
0x67: {  	[tilespmem:s23], [sflag:$0x5] =	stream.indirect.gather [hbm4b:s5+s16], $0x80, s22, s16, $0xb8;
	[tilespmem:$0x1E000] =	vst v63  }
0x68: {  	_ =	swait.ge [sflag:s24], $0x2000  }
0x69: {  	[sflag:s24] =	ssyncset.done $0x0  }
0x6a: {  	[sflag:s24] =	ssyncadd.s32 $0xFFFFE000  }
0x6b: {  	[spmem:s2] =	stream.indirect.scatter.add.f32 [tilespmem:s19], [sflag:$0x4], $0x80, s25, s16, $0xb8;
	[tilespmem:$0x1E000] =	vst v63  }
0x6c: {  	_ = 	snop  }
0x6d: {  	[tilespmem:s28], [sflag:$0x7] =	stream.indirect.gather [hbm4b:s5+s16], $0x80, s26, s16, $0xb8;
	[tilespmem:$0x1E000] =	vst v63  }
0x6e: {  	_ =	swait.ge [sflag:s29], $0x2000  }
0x6f: {  	[sflag:s29] =	ssyncset.done $0x0  }
0x70: {  	s15 =	simm.s32 $0x15100;
	[sflag:s29] =	ssyncadd.s32 $0xFFFFE000  }
0x71: {  	[spmem:s2] =	stream.indirect.scatter.add.f32 [tilespmem:s23], [sflag:$0x6], $0x80, s15, s16, $0xb8;
	[tilespmem:$0x1E000] =	vst v63  }
0x72: {  	_ =	swait.ge [sflag:s30], $0x2000  }
0x73: {  	[sflag:s30] =	ssyncset.done $0x0  }
0x74: {  	s4 =	simm.s32 $0x14100;
	[sflag:s30] =	ssyncadd.s32 $0xFFFFE000  }
0x75: {  	[tilespmem:s17], [sflag:$0x1] =	stream.indirect.gather [hbm4b:s5+s16], $0x80, s4, s16, $0xb8;
	[tilespmem:$0x1E000] =	vst v63  }
0x76: {  	_ =	swait.ge [sflag:s31], $0x2000  }
0x77: {  	[sflag:s31] =	ssyncset.done $0x0  }
0x78: {  	s12 =	simm.s32 $0x15180;
	[sflag:s31] =	ssyncadd.s32 $0xFFFFE000  }
0x79: {  	[spmem:s2] =	stream.indirect.scatter.add.f32 [tilespmem:s28], [sflag:$0x8], $0x80, s12, s16, $0xb8;
	[tilespmem:$0x1E000] =	vst v63  }
0x7a: {  	_ =	swait.ge [sflag:s0], $0x2000  }
0x7b: {  	[sflag:s0] =	ssyncset.done $0x0  }
0x7c: {  	s15 =	simm.s32 $0x14140;
	[sflag:s0] =	ssyncadd.s32 $0xFFFFE000  }
0x7d: {  	[tilespmem:s19], [sflag:$0x3] =	stream.indirect.gather [hbm4b:s5+s16], $0x80, s15, s16, $0xb8;
	[tilespmem:$0x1E000] =	vst v63  }
0x7e: {  	_ =	swait.ge [sflag:s20], $0x2000  }
0x7f: {  	[sflag:s20] =	ssyncset.done $0x0  }
0x80: {  	s4 =	simm.s32 $0x15200;
	[sflag:s20] =	ssyncadd.s32 $0xFFFFE000  }
0x81: {  	[spmem:s2] =	stream.indirect.scatter.add.f32 [tilespmem:s17], [sflag:$0x2], $0x80, s4, s16, $0xb8;
	[tilespmem:$0x1E000] =	vst v63  }
0x82: {  	_ =	swait.ge [sflag:s3], $0x2000  }
0x83: {  	[sflag:s3] =	ssyncset.done $0x0  }
0x84: {  	s12 =	simm.s32 $0x14180;
	[sflag:s3] =	ssyncadd.s32 $0xFFFFE000  }
0x85: {  	[tilespmem:s23], [sflag:$0x5] =	stream.indirect.gather [hbm4b:s5+s16], $0x80, s12, s16, $0xb8;
	[tilespmem:$0x1E000] =	vst v63  }
0x86: {  	_ =	swait.ge [sflag:s24], $0x2000  }
0x87: {  	[sflag:s24] =	ssyncset.done $0x0  }
0x88: {  	s15 =	simm.s32 $0x15280;
	[sflag:s24] =	ssyncadd.s32 $0xFFFFE000  }
0x89: {  	[spmem:s2] =	stream.indirect.scatter.add.f32 [tilespmem:s19], [sflag:$0x4], $0x80, s15, s16, $0xb8;
	[tilespmem:$0x1E000] =	vst v63  }
0x8a: {  	_ =	swait.ge [sflag:s7], $0x2000  }
0x8b: {  	s1 =	simm.s32 $0x141C0;
	[sflag:s7] =	ssyncset.done $0x0  }
0x8c: {  	s4 =	simm.s32 $0x400;
	s12 =	simm.s32 $0x15380;
	[sflag:s7] =	ssyncadd.s32 $0xFFFFE000  }
.LBB2_5:
0x8d: {  	[tilespmem:s28], [sflag:$0x7] =	stream.indirect.gather [hbm4b:s5+s16], $0x80, s1, s16, $0xb8;
	[tilespmem:$0x1E000] =	vst v63  }
0x8e: {  	s1 =	smov.u32 s4  }
0x8f: {  	p0 =	sne.s32 s4, $0x1800;
	s4 =	sadd.s32 $0x400, s4;
	_ =	swait.ge [sflag:s29], $0x2000  }
0x90: {  	[sflag:s29] =	ssyncset.done $0x0  }
0x91: {  	s15 =	sadd.s32 $0xFFFFFF80, s12;
	[sflag:s29] =	ssyncadd.s32 $0xFFFFE000  }
0x92: {  	[spmem:s2] =	stream.indirect.scatter.add.f32 [tilespmem:s23], [sflag:$0x6], $0x80, s15, s16, $0xb8;
	[tilespmem:$0x1E000] =	vst v63  }
0x93: {  	_ =	swait.ge [sflag:s30], $0x2000  }
0x94: {  	s1 =	sshra.s32 s1, $0x2;
	[sflag:s30] =	ssyncset.done $0x0  }
0x95: {  	s15 =	sadd.s32 $0x14100, s1;
	[sflag:s30] =	ssyncadd.s32 $0xFFFFE000  }
0x96: {  	[tilespmem:s17], [sflag:$0x1] =	stream.indirect.gather [hbm4b:s5+s16], $0x80, s15, s16, $0xb8;
	[tilespmem:$0x1E000] =	vst v63  }
0x97: {  	_ =	swait.ge [sflag:s31], $0x2000  }
0x98: {  	[sflag:s31] =	ssyncset.done $0x0  }
0x99: {  	[sflag:s31] =	ssyncadd.s32 $0xFFFFE000  }
0x9a: {  	[spmem:s2] =	stream.indirect.scatter.add.f32 [tilespmem:s28], [sflag:$0x8], $0x80, s12, s16, $0xb8;
	[tilespmem:$0x1E000] =	vst v63  }
0x9b: {  	_ =	swait.ge [sflag:s0], $0x2000  }
0x9c: {  	[sflag:s0] =	ssyncset.done $0x0  }
0x9d: {  	s15 =	sadd.s32 $0x14140, s1;
	[sflag:s0] =	ssyncadd.s32 $0xFFFFE000  }
0x9e: {  	[tilespmem:s19], [sflag:$0x3] =	stream.indirect.gather [hbm4b:s5+s16], $0x80, s15, s16, $0xb8;
	[tilespmem:$0x1E000] =	vst v63  }
0x9f: {  	_ =	swait.ge [sflag:s20], $0x2000  }
0xa0: {  	[sflag:s20] =	ssyncset.done $0x0  }
0xa1: {  	s15 =	sadd.s32 $0x80, s12;
	[sflag:s20] =	ssyncadd.s32 $0xFFFFE000  }
0xa2: {  	[spmem:s2] =	stream.indirect.scatter.add.f32 [tilespmem:s17], [sflag:$0x2], $0x80, s15, s16, $0xb8;
	[tilespmem:$0x1E000] =	vst v63  }
0xa3: {  	_ =	swait.ge [sflag:s3], $0x2000  }
0xa4: {  	[sflag:s3] =	ssyncset.done $0x0  }
0xa5: {  	s15 =	sadd.s32 $0x14180, s1;
	[sflag:s3] =	ssyncadd.s32 $0xFFFFE000  }
0xa6: {  	[tilespmem:s23], [sflag:$0x5] =	stream.indirect.gather [hbm4b:s5+s16], $0x80, s15, s16, $0xb8;
	[tilespmem:$0x1E000] =	vst v63  }
0xa7: {  	_ =	swait.ge [sflag:s24], $0x2000  }
0xa8: {  	[sflag:s24] =	ssyncset.done $0x0  }
.Ltmp1:
0xa9: {  	s15 =	sadd.s32 $0x100, s12;
	[sflag:s24] =	ssyncadd.s32 $0xFFFFE000;
	(pc) =	sbr.rel @p0 .LBB2_5-.Ltmp1, $4  }
0xaa: {  	[spmem:s2] =	stream.indirect.scatter.add.f32 [tilespmem:s19], [sflag:$0x4], $0x80, s15, s16, $0xb8;
	[tilespmem:$0x1E000] =	vst v63  }
0xab: {  	_ =	swait.ge [sflag:s7], $0x2000  }
0xac: {  	[sflag:s7] =	ssyncset.done $0x0  }
0xad: {  	s1 =	sadd.s32 $0x141C0, s1;
	s12 =	sadd.s32 $0x200, s12;
	[sflag:s7] =	ssyncadd.s32 $0xFFFFE000  }
0xae: {  	[tilespmem:s28], [sflag:$0x7] =	stream.indirect.gather [hbm4b:s5+s16], $0x80, s1, s16, $0xb8;
	[tilespmem:$0x1E000] =	vst v63  }
0xaf: {  	_ =	swait.ge [sflag:s30], $0x2000  }
0xb0: {  	[sflag:s30] =	ssyncset.done $0x0  }
0xb1: {  	[sflag:s30] =	ssyncadd.s32 $0xFFFFE000  }
0xb2: {  	_ =	swait.ge [sflag:s29], $0x2000  }
0xb3: {  	[sflag:s29] =	ssyncset.done $0x0  }
0xb4: {  	[sflag:s29] =	ssyncadd.s32 $0xFFFFE000  }
0xb5: {  	[spmem:s2] =	stream.indirect.scatter.add.f32 [tilespmem:s23], [sflag:$0x6], $0x80, s10, s16, $0xb8;
	[tilespmem:$0x1E000] =	vst v63  }
0xb6: {  	_ =	swait.ge [sflag:s0], $0x2000  }
0xb7: {  	[sflag:s0] =	ssyncset.done $0x0  }
0xb8: {  	[sflag:s0] =	ssyncadd.s32 $0xFFFFE000  }
0xb9: {  	_ =	swait.ge [sflag:s31], $0x2000  }
0xba: {  	[sflag:s31] =	ssyncset.done $0x0  }
0xbb: {  	s8 =	sadd.s32 $0x1, s8;
	[sflag:s31] =	ssyncadd.s32 $0xFFFFE000  }
0xbc: {  	[spmem:s2] =	stream.indirect.scatter.add.f32 [tilespmem:s28], [sflag:$0x8], $0x80, s11, s16, $0xb8;
	[tilespmem:$0x1E000] =	vst v63  }
0xbd: {  	p0 =	sne.s32 s8, $0x5;
	_ =	swait.ge [sflag:s3], $0x2000  }
.Ltmp2:
0xbe: {  	[sflag:s3] =	ssyncset.done $0x0;
	(pc) =	sbr.rel @p0 .LBB2_2-.Ltmp2, $4  }
0xbf: {  	[sflag:s3] =	ssyncadd.s32 $0xFFFFE000  }
0xc0: {  	_ =	swait.ge [sflag:s7], $0x2000  }
0xc1: {  	[sflag:s7] =	ssyncset.done $0x0  }
0xc2: {  	[sflag:s7] =	ssyncadd.s32 $0xFFFFE000  }
0xc3: {  	[bflag:$0x0] =	sbarrier.arrive $0xFFFF  }
0xc4: {  	s15 =	rddreg [dreg:$0x6]  }
0xc5: {  	s1 =	rddreg [dreg:$0x8]  }
0xc6: {  	s4 =	rddreg [dreg:$0x9]  }
0xc7: {  	[hbm:s1], [sflag:s15] =	dma.local [spmem:s4], $0x2800  }
0xc8: {  	_ =	swait.ge [sflag:s13], $0x2800  }
0xc9: {  	s12 =	rddreg [dreg:$0x4]  }
0xca: {  	s8 =	rddreg [dreg:$0x7];
	s12 =	sadd.s32 $0x1, s12  }
0xcb: {  	p0 =	sne.s32 s12, s8  }
.Ltmp3:
0xcc: {  	_ = 	snop;
	(pc) =	sbr.rel @p0 .LBB2_1-.Ltmp3, $3  }
0xcd: {  	_ =	sdelay $0x1  }
0xce: {  	[sflag:s13] =	ssyncset.done $0x0  }
0xcf: {  	[sflag:s13] =	ssyncadd.s32 $0xFFFFD800  }
0xd0: {  	_ =	sfence.sel $0x180000  }
0xd1: {  	[bflag:$0x0] =	sbarrier.arrive $0xFFFF  }
0xd2: {  	_ =	strace $0x9000004D  }
0xd3: {  	s0 =	stileid.u32;
	[bflag:$0x2] =	sbarrier.arrive $0xFFFF  }
0xd4: {  	p0 =	sne.s32 s0, $0x0;
	s0 =	rddreg [dreg:$0x3]  }
0xd5: {  	s0 =	sadd.s32 @!p0 $0x100000, s0  }
0xd6: {  	[sflag:s0] =	ssyncadd.tile.s32 @!p0 $0x1;
	_ =	shalt  }
.Lfunc_end2:
_tile_overlayer_lowered:
.L_overlay_start_2:
0xd7: {  	(tag) =	ssettag $0x2  }
0xd8: {  	s0 =	rddreg [dreg:$0x0];
	s2 =	stileid.u32  }
0xd9: {  	s1 =	rddreg [dreg:$0x1];
	p0 =	sne.s32 s2, $0x0  }
0xda: {  	s3 =	rddreg [dreg:$0x2];
	[bflag:$0x3] =	sbarrier.arrive $0xFFFF;
	s2 =	simm.s32 @!p0 $0x1C09  }
0xdb: {  	[timem:s3], [sflag:s2] =	dma.local @!p0 [hbm:s0], s1  }
0xdc: {  	s0 =	simm.s32 @!p0 $0x9  }
0xdd: {  	_ =	swait.ge @!p0 [sflag:s0], s1  }
0xde: {  	s1 =	ssub.s32 @!p0 $0x0, s1;
	[sflag:s0] =	ssyncset.done @!p0 $0x0  }
0xdf: {  	[sflag:s0] =	ssyncadd.s32 @!p0 s1  }
0xe0: {  	[bflag:$0x3] =	sbarrier.arrive $0xFFFF  }
0xe1: {  	_ =	shalt  }

// kernel: kernel.8.cloned.1.call-start
scs
__scs_entry_jumppad:
0x0: {  	(pc) =	sbr.rel $0x88, $3  }
0x1: {  	(tag) =	ssettag $0x0;
	lr =	simm.s32 $0x1  }
0x2: {  	[smem:$0x3F97] =	sst lr;
	_ =	strace $0xD0000000  }
0x3: {  	_ = 	snop  }
0x4: {  	_ = 	snop  }
0x5: {  	_ = 	snop  }
0x6: {  	_ = 	snop  }
0x7: {  	_ = 	snop  }
__scs_overlays_trampoline_lowered:
0x8: {  	[smem:$0x3FA6] =	sst s0  }
0x9: {  	[smem:$0x3FA7] =	sst s1  }
0xa: {  	[smem:$0x3FA8] =	sst s2  }
0xb: {  	[smem:$0x3FA9] =	sst s3  }
0xc: {  	[smem:$0x3FAA] =	sst s4  }
0xd: {  	[smem:$0x3FAB] =	sst s5  }
0xe: {  	[smem:$0x3FAC] =	sst s6  }
0xf: {  	[smem:$0x3FAD] =	sst s7  }
0x10: {  	[smem:$0x3FAE] =	sst s8  }
0x11: {  	[smem:$0x3FAF] =	sst s9;
	s0 =	simm.s32 @!p0 $0x0  }
0x12: {  	s1 =	sld [smem:$0x3F95];
	s0 =	simm.s32 @p0 $0x1  }
0x13: {  	[smem:$0x3FB0] =	sst s0;
	s0 =	simm.s32 @!p1 $0x0  }
0x14: {  	s2 =	sld [smem:$0x3F94];
	s0 =	simm.s32 @p1 $0x1  }
0x15: {  	[smem:$0x3FB1] =	sst s0;
	s0 =	simm.s32 @!p2 $0x0  }
0x16: {  	s3 =	sld [smem:$0x3FDB];
	s0 =	simm.s32 @p2 $0x1  }
0x17: {  	s4 =	simm.s32 $0x1BF5;
	[smem:$0x3FB3] =	sst s0  }
0x18: {  	s0 =	sld [smem:$0x3F96];
	_ =	swait.ge [sflag:s4], $0x0  }
0x19: {  	s7 =	sld [smem:$0x3F97]  }
0x1a: {  	s8 =	sadd.s32 $0xFFFFE003, lr  }
0x1b: {  	s9 =	sadd.s32 $0xFFFFFEF7, lr;
	s5 =	simm.s32 $0xFFFFFFFF;
	p2 =	slt.u32 s8, $0xFFFFF086  }
0x1c: {  	p1 =	slt.u32 s9, $0xF7A;
	s5 =	simm.s32 @!p2 $0x0  }
0x1d: {  	s5 =	simm.s32 @p1 $0x1;
	p0 =	seq.s32 s7, s2  }
0x1e: {  	s7 =	smul.u32 @!p0 $0xF7A, s2;
	p2 =	seq.s32 @!p0 s5, $0x0  }
0x1f: {  	s9 =	smul.u32 $0xF7A, s1;
	s8 =	simm.s32 @!p0 $0x1BF5;
	p2 =	por !p2, p0  }
0x20: {  	[sflag:s8] =	ssyncset.s32 @!p0 $0xFFFFF086;
	s6 =	sadd.s32 @!p0 s3, s7;
	s7 =	simm.s32 @!p0 $0x108  }
0x21: {  	s3 =	sadd.s32 s3, s9;
	s6 =	sadd.s32 @!p0 $0x88, s6;
	s7 =	simm.s32 @p2 $0x1082  }
0x22: {  	[simem:s7], [sflag:s8] =	dma.local @!p0 [hbm:s6], $0xF7A  }
0x23: {  	s9 =	sor.u32 $0xD0000000, s2;
	s6 =	simm.s32 $0x108;
	_ =	swait.ge @!p0 [sflag:s8], $0x0  }
0x24: {  	s3 =	sadd.s32 $0x88, s3;
	s6 =	simm.s32 @!p1 $0x1082;
	[sflag:s4] =	ssyncset.s32 $0xFFFFF086  }
0x25: {  	[simem:s6], [sflag:s4] =	dma.local [hbm:s3], $0xF7A  }
0x26: {  	[smem:$0x3F97] =	sst s1;
	(tag) =	ssettag s2;
	_ =	strace s9  }
0x27: {  	s1 =	sld [smem:$0x3FA7]  }
0x28: {  	s2 =	sld [smem:$0x3FA8]  }
0x29: {  	s4 =	sld [smem:$0x3FAA]  }
0x2a: {  	p0 =	seq.s32 s5, $0x0;
	s5 =	sld [smem:$0x3FAB]  }
0x2b: {  	s6 =	sld [smem:$0x3FAC]  }
0x2c: {  	s7 =	sld [smem:$0x3FAD]  }
0x2d: {  	s3 =	simm.s32 $0x108;
	s8 =	sld [smem:$0x3FAE]  }
0x2e: {  	s3 =	simm.s32 @!p0 $0x1082;
	s9 =	sld [smem:$0x3FAF]  }
0x2f: {  	lr =	sadd.s32 s0, s3;
	s0 =	sld [smem:$0x3FA6]  }
0x30: {  	s3 =	sld [smem:$0x3FA9]  }
0x31: {  	[smem:$0x3FB2] =	sst s10  }
0x32: {  	s10 =	sld [smem:$0x3FB0];
	_ =	sdelay $0x3  }
0x33: {  	p0 =	seq.s32 s10, $0x1;
	s10 =	sld [smem:$0x3FB2];
	_ =	sdelay $0x3  }
0x34: {  	[smem:$0x3FB2] =	sst s10  }
0x35: {  	s10 =	sld [smem:$0x3FB1];
	_ =	sdelay $0x3  }
0x36: {  	p1 =	seq.s32 s10, $0x1;
	s10 =	sld [smem:$0x3FB2];
	_ =	sdelay $0x3  }
0x37: {  	[smem:$0x3FB2] =	sst s10  }
0x38: {  	s10 =	sld [smem:$0x3FB3]  }
0x39: {  	_ = 	snop;
	(pc) =	sbr.ind lr, $3  }
0x3a: {  	_ = 	snop  }
0x3b: {  	_ = 	snop  }
0x3c: {  	p2 =	seq.s32 s10, $0x1;
	s10 =	sld [smem:$0x3FB2]  }
0x3d: {  	_ =	shalt  }
0x3e: {  	_ =	shalt  }
0x3f: {  	_ =	shalt  }
0x40: {  	_ =	shalt  }
0x41: {  	_ =	shalt  }
0x42: {  	_ =	shalt  }
0x43: {  	_ =	shalt  }
0x44: {  	_ =	shalt  }
0x45: {  	_ =	shalt  }
0x46: {  	_ =	shalt  }
0x47: {  	_ =	shalt  }
0x48: {  	_ =	shalt  }
0x49: {  	_ =	shalt  }
0x4a: {  	_ =	shalt  }
0x4b: {  	_ =	shalt  }
0x4c: {  	_ =	shalt  }
0x4d: {  	_ =	shalt  }
0x4e: {  	_ =	shalt  }
0x4f: {  	_ =	shalt  }
0x50: {  	_ =	shalt  }
0x51: {  	_ =	shalt  }
0x52: {  	_ =	shalt  }
0x53: {  	_ =	shalt  }
0x54: {  	_ =	shalt  }
0x55: {  	_ =	shalt  }
0x56: {  	_ =	shalt  }
0x57: {  	_ =	shalt  }
0x58: {  	_ =	shalt  }
0x59: {  	_ =	shalt  }
0x5a: {  	_ =	shalt  }
0x5b: {  	_ =	shalt  }
0x5c: {  	_ =	shalt  }
0x5d: {  	_ =	shalt  }
0x5e: {  	_ =	shalt  }
0x5f: {  	_ =	shalt  }
0x60: {  	_ =	shalt  }
0x61: {  	_ =	shalt  }
0x62: {  	_ =	shalt  }
0x63: {  	_ =	shalt  }
0x64: {  	_ =	shalt  }
0x65: {  	_ =	shalt  }
0x66: {  	_ =	shalt  }
0x67: {  	_ =	shalt  }
0x68: {  	_ =	shalt  }
0x69: {  	_ =	shalt  }
0x6a: {  	_ =	shalt  }
0x6b: {  	_ =	shalt  }
0x6c: {  	_ =	shalt  }
0x6d: {  	_ =	shalt  }
0x6e: {  	_ =	shalt  }
0x6f: {  	_ =	shalt  }
0x70: {  	_ =	shalt  }
0x71: {  	_ =	shalt  }
0x72: {  	_ =	shalt  }
0x73: {  	_ =	shalt  }
0x74: {  	_ =	shalt  }
0x75: {  	_ =	shalt  }
0x76: {  	_ =	shalt  }
0x77: {  	_ =	shalt  }
0x78: {  	_ =	shalt  }
0x79: {  	_ =	shalt  }
0x7a: {  	_ =	shalt  }
0x7b: {  	_ =	shalt  }
0x7c: {  	_ =	shalt  }
0x7d: {  	_ =	shalt  }
0x7e: {  	_ =	shalt  }
0x7f: {  	_ =	shalt  }
0x80: {  	_ =	shalt  }
0x81: {  	_ =	shalt  }
0x82: {  	_ =	shalt  }
0x83: {  	_ =	shalt  }
0x84: {  	_ =	shalt  }
0x85: {  	_ =	shalt  }
0x86: {  	_ =	shalt  }
0x87: {  	_ =	shalt  }
.Lfunc_end0:
.L_simem_size_0:
called_computation_lowered:
.L_overlay_start_0:
0x88: {  	s2 =	sld [smem:$0x3FD9]  }
0x89: {  	s3 =	sld [smem:$0x3FFE];
	_ =	sdelay $0x1  }
0x8a: {  	s1 =	srdreg.scid  }
0x8b: {  	s0 =	sand.u32 $0x1, s1  }
0x8c: {  	s17 =	sshll.u32 s0, $0xA;
	s2 =	sadd.s32 s3, s2  }
0x8d: {  	s2 =	sadd.s32 s2, s17  }
0x8e: {  	[smem:$0x3FBE] =	sst s2  }
0x8f: {  	_ = 	snop  }
0x90: {  	s2 =	sld [smem:$0x3FD0];
	(tm) =	ssettm $0x1  }
0x91: {  	s18 =	sld [smem:$0x3FFB];
	_ =	sdelay $0x3  }
0x92: {  	_ =	strace s18  }
0x93: {  	s3 =	sld [smem:$0x3FFC];
	_ =	sdelay $0x3  }
0x94: {  	_ =	strace s3  }
0x95: {  	s3 =	sld [smem:$0x3FFD];
	_ =	sdelay $0x3  }
0x96: {  	_ =	strace s3  }
0x97: {  	_ =	strace $0x8FFFFFFF  }
0x98: {  	s19 =	sld [smem:$0x3FDB];
	_ =	sdelay $0x1  }
0x99: {  	s4 =	simm.s32 $_scs_section_size  }
0x9a: {  	s5 =	simm.s32 $_size__tile_overlayer_lowered;
	s6 =	simm.s32 $_tile_overlayer_lowered  }
0x9b: {  	s22 =	simm.s32 $0x1BFF;
	s21 =	sshll.u32 s6, $0x1;
	s3 =	sadd.s32 s4, s19  }
0x9c: {  	s7 =	simm.s32 $0x0;
	s20 =	sshll.u32 s5, $0x1;
	s5 =	sadd.s32 s21, s3  }
0x9d: {  	[timem:s7], [sflag:s22] =	dma.local [hbm:s5], s20  }
0x9e: {  	_ =	swait.ge [sflag:s22], s20  }
0x9f: {  	s4 =	ssub.s32 $0x0, s20;
	[sflag:s22] =	ssyncset.done $0x0  }
0xa0: {  	[sflag:s22] =	ssyncadd.s32 s4;
	_ =	sdelay $0x1  }
0xa1: {  	s23 =	simm.s32 $0x1B8B  }
0xa2: {  	_ =	swait.ge [sflag:s23], $0x1  }
0xa3: {  	[sflag:s23] =	ssyncset.done $0x0  }
0xa4: {  	s25 =	simm.s32 $0x1B8E;
	s24 =	sld [smem:$0x3FFE];
	[sflag:s23] =	ssyncadd.s32 $0xFFFFFFFF  }
0xa5: {  	s26 =	simm.s32 $execute0_lowered;
	[smem:$0x3FD2] =	sst s25  }
0xa6: {  	s5 =	sshll.u32 s26, $0x1;
	_ =	strace $0x80000046;
	[dreg:$0x1] =	wrdreg $0xFFFFFFFF  }
0xa7: {  	s28 =	simm.s32 $_size_execute0_lowered;
	s3 =	sadd.s32 s3, s5;
	[dreg:$0x0] =	wrdreg $0x0  }
0xa8: {  	s5 =	sshll.u32 s28, $0x1;
	[dreg:$0x2] =	wrdreg s3  }
0xa9: {  	[dreg:$0x3] =	wrdreg s5  }
0xaa: {  	[dreg:$0x4] =	wrdreg $0xC0  }
0xab: {  	_ =	task [dreg:s7], $0x5FFFF  }
0xac: {  	[dreg:$0x1] =	wrdreg $0xFFFFFFFF  }
0xad: {  	[dreg:$0x0] =	wrdreg $0x60  }
0xae: {  	[dreg:$0x2] =	wrdreg s2  }
0xaf: {  	[dreg:$0x3] =	wrdreg s24  }
0xb0: {  	[dreg:$0x4] =	wrdreg $0x0  }
0xb1: {  	[dreg:$0x5] =	wrdreg $0x9  }
0xb2: {  	_ =	task.clear_ibuf [dreg:s7], $0x6FFFF;
	_ =	strace $0x90000046  }
0xb3: {  	s29 =	simm.s32 $0x9;
	_ =	strace $0x80000048  }
0xb4: {  	_ =	swait.ge [sflag:s29], $0x1  }
0xb5: {  	[sflag:s29] =	ssyncadd.s32 $0xFFFFFFFF  }
0xb6: {  	_ =	strace $0x90000048  }
0xb7: {  	_ =	sfence  }
0xb8: {  	s30 =	sld [smem:$0x0];
	_ =	sdelay $0x2  }
0xb9: {  	s31 =	sshll.u32 s1, $0xD;
	s1 =	sshrl.u32 s1, $0x2  }
0xba: {  	s3 =	sand.u32 $0x4000, s31;
	s1 =	sadd.s32 s1, s30  }
0xbb: {  	s0 =	sor.u32 s3, s0;
	s1 =	sshll.u32 s1, $0x11  }
0xbc: {  	s0 =	sor.u32 s1, s0  }
0xbd: {  	s0 =	sadd.s32 $0x8F2B, s0  }
0xbe: {  	[sflag:s0] =	ssyncadd.remote.s32 $0x1  }
0xbf: {  	_ =	sfence.sel $0xFFFF  }
0xc0: {  	[dreg:$0x0] =	wrdreg $0xFFFFFFFF;
	(pc) =	sbr.abs _section_cstart, $3  }
0xc1: {  	[dreg:$0x1] =	wrdreg $0xFFFFFFFF  }
0xc2: {  	_ =	task.clear_ibuf [dreg:s7], $0x2FFFF;
	_ =	strace $0x9FFFFFFF  }
0xc3: {  	(tm) =	ssettm $0x7FFFFFFF  }
tec
execute0_lowered:
.L_overlay_start_1:
0x0: {  	(tag) =	ssettag $0x1  }
0x1: {  	s4 =	rddreg [dreg:$0x0]  }
0x2: {  	s6 =	rddreg [dreg:$0x1]  }
0x3: {  	s1 =	rddreg [dreg:$0x2]  }
0x4: {  	s2 =	srdreg.scid;
	s0 =	rddreg [dreg:$0x3];
	s3 =	simm.s32 $0x0  }
0x5: {  	s11 =	simm.s32 $0x3C00;
	s12 =	simm.s32 $0x500;
	s13 =	simm.s32 $0x600  }
0x6: {  	s14 =	simm.s32 $0x680;
	s15 =	simm.s32 $0x700;
	s16 =	simm.s32 $0x1  }
0x7: {  	s19 =	simm.s32 $0x0;
	s5 =	sand.u32 $0x1, s2;
	s2 =	stileid.u32  }
0x8: {  	[smem:$0x7FF] =	sst s3;
	s7 =	sshll.u32 s5, $0x4;
	s8 =	ssub.s32 $0x2, s5  }
0x9: {  	_ =	strace $0x80000047;
	s10 =	smul.u32 $0x280, s2;
	p0 =	seq.s32 s5, $0x1  }
0xa: {  	s17 =	sshll.u32 s2, $0x6;
	s7 =	sor.u32 s2, s7;
	s9 =	sshrl.u32 s8, $0x1  }
0xb: {  	s11 =	simm.s32 @!p0 $0x4200;
	s17 =	sor.u32 $0x1C02, s17;
	s7 =	smul.u32 $0x500, s7  }
0xc: {  	s8 =	ssub.s32 s8, s9;
	s5 =	sadd.s32 s10, s1;
	s30 =	sshrl.u32 s10, $0x3  }
0xd: {  	s31 =	sadd.s32 s11, s6;
	s9 =	simm.s32 $0x2;
	s10 =	simm.s32 $0x280  }
0xe: {  	s11 =	simm.s32 $0x80;
	s6 =	smax.u32 s8, $0x1;
	s8 =	simm.s32 $0x580  }
0xf: {  	v0 =	vimm.f32 $0.0e+00;
	v1 =	vimm.f32 $1.000000000e+00;
	s18 =	sshrl.u32 s5, $0x3;
	s4 =	sadd.s32 s4, s7;
	s7 =	sadd.s32 s31, s30  }
.LBB2_1:
0x10: {  	[tilespmem:$0x280] =	vst v0  }
0x11: {  	[tilespmem:$0x290] =	vst v0  }
0x12: {  	[tilespmem:$0x2A0] =	vst v0  }
0x13: {  	[tilespmem:$0x2B0] =	vst v0  }
0x14: {  	[tilespmem:$0x2C0] =	vst v0  }
0x15: {  	[tilespmem:$0x2D0] =	vst v0  }
0x16: {  	[tilespmem:$0x2E0] =	vst v0  }
0x17: {  	[tilespmem:$0x2F0] =	vst v0  }
0x18: {  	[tilespmem:$0x300] =	vst v0  }
0x19: {  	[tilespmem:$0x310] =	vst v0  }
0x1a: {  	[tilespmem:$0x320] =	vst v0  }
0x1b: {  	[tilespmem:$0x330] =	vst v0  }
0x1c: {  	[tilespmem:$0x340] =	vst v0  }
0x1d: {  	[tilespmem:$0x350] =	vst v0  }
0x1e: {  	[tilespmem:$0x360] =	vst v0  }
0x1f: {  	[tilespmem:$0x370] =	vst v0  }
0x20: {  	[tilespmem:$0x380] =	vst v0  }
0x21: {  	[tilespmem:$0x390] =	vst v0  }
0x22: {  	[tilespmem:$0x3A0] =	vst v0  }
0x23: {  	[tilespmem:$0x3B0] =	vst v0  }
0x24: {  	[tilespmem:$0x3C0] =	vst v0  }
0x25: {  	[tilespmem:$0x3D0] =	vst v0  }
0x26: {  	[tilespmem:$0x3E0] =	vst v0  }
0x27: {  	[tilespmem:$0x3F0] =	vst v0  }
0x28: {  	[tilespmem:$0x400] =	vst v0  }
0x29: {  	[tilespmem:$0x410] =	vst v0  }
0x2a: {  	[tilespmem:$0x420] =	vst v0  }
0x2b: {  	[tilespmem:$0x430] =	vst v0  }
0x2c: {  	[tilespmem:$0x440] =	vst v0  }
0x2d: {  	[tilespmem:$0x450] =	vst v0  }
0x2e: {  	[tilespmem:$0x460] =	vst v0  }
0x2f: {  	[tilespmem:$0x470] =	vst v0  }
0x30: {  	[tilespmem:$0x480] =	vst v0  }
0x31: {  	[tilespmem:$0x490] =	vst v0  }
0x32: {  	[tilespmem:$0x4A0] =	vst v0  }
0x33: {  	[tilespmem:$0x4B0] =	vst v0  }
0x34: {  	[tilespmem:$0x4C0] =	vst v0  }
0x35: {  	[tilespmem:$0x4D0] =	vst v0  }
0x36: {  	[tilespmem:$0x4E0] =	vst v0  }
0x37: {  	[tilespmem:$0x4F0] =	vst v0  }
0x38: {  	[tilespmem:$0x500] =	vst v1  }
0x39: {  	[tilespmem:$0x510] =	vst v1  }
0x3a: {  	[tilespmem:$0x520] =	vst v1  }
0x3b: {  	[tilespmem:$0x530] =	vst v1  }
0x3c: {  	[tilespmem:$0x540] =	vst v1  }
0x3d: {  	[tilespmem:$0x550] =	vst v1  }
0x3e: {  	[tilespmem:$0x560] =	vst v1  }
0x3f: {  	[tilespmem:$0x570] =	vst v1  }
0x40: {  	[tilespmem:s8], [sflag:$0x2] =	stream.linear.gather [hbm4b:s4+s3], $0x2800, $0x38;
	[tilespmem:$0x2D80] =	vst v63  }
0x41: {  	_ =	swait.ge [sflag:s9], $0x2800  }
0x42: {  	[sflag:s9] =	ssyncset.done $0x0  }
0x43: {  	[sflag:s9] =	ssyncadd.s32 $0xFFFFD800  }
0x44: {  	[spmem:s5] =	stream.linear.scatter [tilespmem:s10], [sflag:$0x2], $0x280, $0x38;
	[tilespmem:$0x2D80] =	vst v63  }
0x45: {  	_ =	swait.ge [sflag:s9], $0x280  }
0x46: {  	[sflag:s9] =	ssyncset.done $0x0  }
0x47: {  	[sflag:s9] =	ssyncadd.s32 $0xFFFFFD80  }
0x48: {  	[bflag:$0x0] =	sbarrier.arrive $0xFFFF  }
0x49: {  	[spmem:s1] =	stream.indirect.scatter.add.f32 [tilespmem:s12], [sflag:$0x1], $0x1, s8, s11, $0xb8;
	[tilespmem:$0x2D80] =	vst v63  }
0x4a: {  	_ = 	snop  }
0x4b: {  	[spmem:s1] =	stream.indirect.scatter.add.f32 [tilespmem:s12], [sflag:$0x1], $0x1, s13, s11, $0xb8;
	[tilespmem:$0x2D80] =	vst v63  }
0x4c: {  	_ = 	snop  }
0x4d: {  	[spmem:s1] =	stream.indirect.scatter.add.f32 [tilespmem:s12], [sflag:$0x1], $0x1, s14, s11, $0xb8;
	[tilespmem:$0x2D80] =	vst v63  }
0x4e: {  	_ = 	snop  }
0x4f: {  	[spmem:s1] =	stream.indirect.scatter.add.f32 [tilespmem:s12], [sflag:$0x1], $0x1, s15, s11, $0xb8;
	[tilespmem:$0x2D80] =	vst v63  }
0x50: {  	_ =	swait.ge [sflag:s16], $0x80  }
0x51: {  	[sflag:s16] =	ssyncset.done $0x0  }
0x52: {  	s20 =	simm.s32 $0xA00;
	s21 =	simm.s32 $0x780;
	[sflag:s16] =	ssyncadd.s32 $0xFFFFFF80  }
.LBB2_2:
0x53: {  	[spmem:s1] =	stream.indirect.scatter.add.f32 [tilespmem:s12], [sflag:$0x1], $0x1, s21, s11, $0xb8;
	[tilespmem:$0x2D80] =	vst v63  }
0x54: {  	s21 =	smov.u32 s20;
	p0 =	sne.s32 s20, $0x9E00  }
.Ltmp0:
0x55: {  	s20 =	sadd.s32 $0x200, s20;
	(pc) =	sbr.rel @p0 .LBB2_2-.Ltmp0, $4  }
0x56: {  	_ = 	snop  }
0x57: {  	_ =	swait.ge [sflag:s16], $0x80  }
0x58: {  	s21 =	sshra.s32 s21, $0x2;
	[sflag:s16] =	ssyncset.done $0x0  }
0x59: {  	s21 =	sadd.s32 $0x580, s21;
	[sflag:s16] =	ssyncadd.s32 $0xFFFFFF80  }
0x5a: {  	[spmem:s1] =	stream.indirect.scatter.add.f32 [tilespmem:s12], [sflag:$0x1], $0x1, s21, s11, $0xb8;
	[tilespmem:$0x2D80] =	vst v63  }
0x5b: {  	_ =	swait.ge [sflag:s16], $0x80  }
0x5c: {  	[sflag:s16] =	ssyncset.done $0x0  }
0x5d: {  	[sflag:s16] =	ssyncadd.s32 $0xFFFFFF80  }
0x5e: {  	_ =	swait.ge [sflag:s16], $0x80  }
0x5f: {  	[sflag:s16] =	ssyncset.done $0x0  }
0x60: {  	[sflag:s16] =	ssyncadd.s32 $0xFFFFFF80  }
0x61: {  	_ =	swait.ge [sflag:s16], $0x80  }
0x62: {  	[sflag:s16] =	ssyncset.done $0x0  }
0x63: {  	[sflag:s16] =	ssyncadd.s32 $0xFFFFFF80  }
0x64: {  	_ =	swait.ge [sflag:s16], $0x80  }
0x65: {  	s19 =	sadd.s32 $0x1, s19;
	[sflag:s16] =	ssyncset.done $0x0  }
0x66: {  	p0 =	sne.s32 s19, s6;
	[sflag:s16] =	ssyncadd.s32 $0xFFFFFF80  }
.Ltmp1:
0x67: {  	[bflag:$0x0] =	sbarrier.arrive $0xFFFF;
	(pc) =	sbr.rel @p0 .LBB2_1-.Ltmp1, $4  }
0x68: {  	[hbm:s7], [sflag:s17] =	dma.local [spmem:s18], $0x50  }
0x69: {  	_ =	swait.ge [sflag:s9], $0x50  }
0x6a: {  	[sflag:s9] =	ssyncset.done $0x0  }
0x6b: {  	[sflag:s9] =	ssyncadd.s32 $0xFFFFFFB0  }
0x6c: {  	_ =	sfence.sel $0x180000  }
0x6d: {  	[bflag:$0x0] =	sbarrier.arrive $0xFFFF  }
0x6e: {  	p0 =	sne.s32 s2, $0x0;
	_ =	strace $0x90000047  }
0x6f: {  	s0 =	sadd.s32 @!p0 $0x100000, s0;
	[bflag:$0x2] =	sbarrier.arrive $0xFFFF  }
0x70: {  	[sflag:s0] =	ssyncadd.tile.s32 @!p0 $0x1;
	_ =	shalt  }
.Lfunc_end2:
_tile_overlayer_lowered:
.L_overlay_start_2:
0x71: {  	(tag) =	ssettag $0x2  }
0x72: {  	s0 =	rddreg [dreg:$0x0];
	s2 =	stileid.u32  }
0x73: {  	s1 =	rddreg [dreg:$0x1];
	p0 =	sne.s32 s2, $0x0  }
0x74: {  	s3 =	rddreg [dreg:$0x2];
	[bflag:$0x3] =	sbarrier.arrive $0xFFFF;
	s2 =	simm.s32 @!p0 $0x1C02  }
0x75: {  	[timem:s3], [sflag:s2] =	dma.local @!p0 [hbm:s0], s1  }
0x76: {  	s0 =	simm.s32 @!p0 $0x2  }
0x77: {  	_ =	swait.ge @!p0 [sflag:s0], s1  }
0x78: {  	s1 =	ssub.s32 @!p0 $0x0, s1;
	[sflag:s0] =	ssyncset.done @!p0 $0x0  }
0x79: {  	[sflag:s0] =	ssyncadd.s32 @!p0 s1  }
0x7a: {  	[bflag:$0x3] =	sbarrier.arrive $0xFFFF  }
0x7b: {  	_ =	shalt  }

</sc_bundles>
